<compile_context>
chip_gen: v7x
topology: tpu7x:2x2x1
jax: 0.10.2.dev20260603
libtpu: 0.0.44.dev20260713+nightly
codegen_flags: <defaults>
</compile_context>

<pallas_src>
import functools

import jax
import jax.numpy as jnp
from jax import lax
from jax.experimental import pallas as pl
from jax.experimental.pallas import tpu as pltpu
from jax.experimental.pallas import tpu_sc as plsc

N = 10000
E = 320000
D = 128
DQ = 32

NC = 2
NS = 16
NW = NC * NS
EPW = E // NW
C = 80
NCH = EPW // C
CS = 80
NCHS = EPW // CS
RPT = N // NS

_f32 = jnp.float32



def _k1_body(x_ref, pos_ref, wma, wmb, wu1x, wp1,
             a_ref, b_ref, x1_ref, p_ref):
    x = x_ref[...]
    a_ref[...] = jnp.dot(x, wma[...], preferred_element_type=_f32)
    b_ref[...] = jnp.dot(x, wmb[...], preferred_element_type=_f32)
    x1_ref[...] = jnp.dot(x, wu1x[...], preferred_element_type=_f32)
    p_ref[...] = jnp.dot(pos_ref[...], wp1[...], preferred_element_type=_f32)


def _k2_body(h_ref, w2c4_ref, b2c4_ref, p_ref):
    h4 = h_ref[...]
    q = jnp.dot(h4, w2c4_ref[...], preferred_element_type=_f32) + b2c4_ref[...]
    p_ref[...] = q.reshape(q.shape[0] * 4, D)


def _k4_body(x1_ref, s0_ref, s1_ref, d0_ref, d1_ref,
             wm2, bm2, wu1g, bu1, wu2, bu2, out_ref):
    s = s0_ref[...] + s1_ref[...]
    deg = (d0_ref[...] + d1_ref[...])[:, 0:1]
    agg = jnp.dot(s, wm2[...], preferred_element_type=_f32) + deg * bm2[...]
    u = jnp.maximum(
        x1_ref[...] + jnp.dot(agg, wu1g[...], preferred_element_type=_f32)
        + bu1[...], 0.0)
    out_ref[...] = jnp.dot(u, wu2[...], preferred_element_type=_f32) + bu2[...]



_MESH = plsc.VectorSubcoreMesh(core_axis_name="c", subcore_axis_name="s",
                               num_cores=NC, num_subcores=NS)


@functools.partial(
    pl.kernel,
    out_type=(jax.ShapeDtypeStruct((E // 4, D), _f32),
              jax.ShapeDtypeStruct((NC, N, 16), _f32)),
    mesh=_MESH,
    compiler_params=pltpu.CompilerParams(use_tc_tiling_on_sc=False),
    scratch_types=[
        pltpu.VMEM((C,), jnp.int32),
        pltpu.VMEM((C,), jnp.int32),
        pltpu.VMEM((C,), jnp.int32),
        pltpu.VMEM((C,), jnp.int32),
        pltpu.VMEM((C, DQ), _f32),
        pltpu.VMEM((C, DQ), _f32),
        pltpu.VMEM((C, DQ), _f32),
        pltpu.VMEM((C, DQ), _f32),
        pltpu.VMEM((C // 4, D), _f32),
        pltpu.VMEM((C // 4, D), _f32),
        pltpu.VMEM((DQ,), _f32),
        pltpu.VMEM((C, 16), _f32),
        pltpu.VMEM((RPT, 16), _f32),
        pltpu.VMEM_SHARED((N, 16), _f32),
        pltpu.SemaphoreType.DMA,
        pltpu.SemaphoreType.DMA,
        pltpu.SemaphoreType.DMA,
        pltpu.SemaphoreType.DMA,
    ],
)
def _sc_h(p_hbm, row_hbm, col_hbm, bp1_hbm, h_hbm, d_out,
          ridx0, ridx1, cidx0, cidx1, pr0, pr1, pc0, pc1, hv0, hv1,
          bp1v, ones, zd, d_sh, sem0, sem1, hsem0, hsem1):
    cid = lax.axis_index("c")
    sid = lax.axis_index("s")
    w = cid * NS + sid
    pltpu.sync_copy(bp1_hbm, bp1v)
    ridxs, cidxs = (ridx0, ridx1), (cidx0, cidx1)
    prs, pcs, hvs = (pr0, pr1), (pc0, pc1), (hv0, hv1)
    sems, hsems = (sem0, sem1), (hsem0, hsem1)

    zero16 = jnp.zeros((16,), _f32)

    def zd_init(i, c2):
        zd[i, pl.ds(0, 16)] = zero16
        return c2

    lax.fori_loop(0, RPT, zd_init, 0)

    def ones_init(i, c2):
        ones[i, pl.ds(0, 16)] = jnp.ones((16,), _f32)
        return c2

    lax.fori_loop(0, C, ones_init, 0)

    pltpu.sync_copy(zd, d_sh.at[pl.ds(sid * RPT, RPT)])
    plsc.subcore_barrier()

    b16 = (bp1v[pl.ds(0, 16)], bp1v[pl.ds(16, 16)])

    def hdst(ci):
        return h_hbm.at[pl.ds(w * (EPW // 4) + ci * (C // 4), C // 4)]

    def fire(ci, buf):
        base = w * EPW + ci * C
        pltpu.sync_copy(row_hbm.at[pl.ds(base, C)], ridxs[buf])
        pltpu.sync_copy(col_hbm.at[pl.ds(base, C)], cidxs[buf])
        pltpu.async_copy(p_hbm.at[ridxs[buf]], prs[buf], sems[buf])
        pltpu.async_copy(p_hbm.at[cidxs[buf]], pcs[buf], sems[buf])

    def consume(ci, buf):
        pr, pc, hv = prs[buf], pcs[buf], hvs[buf]
        pltpu.make_async_copy(p_hbm.at[ridxs[buf]], pr, sems[buf]).wait()
        pltpu.make_async_copy(p_hbm.at[cidxs[buf]], pc, sems[buf]).wait()

        @pl.when(ci >= 2)
        def _():
            pltpu.make_async_copy(hv, hdst(ci - 2), hsems[buf]).wait()

        def body(i, c2):
            for k in range(4):
                for jj in range(DQ // 16):
                    sl = pl.ds(jj * 16, 16)
                    v = pr[4 * i + k, sl] - pc[4 * i + k, sl] + b16[jj]
                    hv[i, pl.ds(k * DQ + jj * 16, 16)] = jnp.maximum(v, 0.0)
            return c2

        lax.fori_loop(0, C // 4, body, 0)
        pltpu.async_copy(hv, hdst(ci), hsems[buf])
        pltpu.sync_copy(ones, d_sh.at[cidxs[buf]], add=True)

    fire(0, 0)

    def pair(k, carry):
        ci = k * 2
        fire(ci + 1, 1)
        consume(ci, 0)

        @pl.when(ci + 2 < NCH)
        def _():
            fire(ci + 2, 0)

        consume(ci + 1, 1)
        return carry

    lax.fori_loop(0, NCH // 2, pair, 0)
    consume(jnp.int32(NCH - 1), 0)
    pltpu.make_async_copy(hvs[0], hdst(NCH - 1), hsems[0]).wait()
    pltpu.make_async_copy(hvs[1], hdst(NCH - 2), hsems[1]).wait()
    plsc.subcore_barrier()
    sl = pl.ds(sid * RPT, RPT)
    pltpu.sync_copy(d_sh.at[sl], d_out.at[cid, sl])


@functools.partial(
    pl.kernel,
    out_type=jax.ShapeDtypeStruct((NC, N, D), _f32),
    mesh=_MESH,
    compiler_params=pltpu.CompilerParams(use_tc_tiling_on_sc=False),
    scratch_types=[
        pltpu.VMEM((CS,), jnp.int32),
        pltpu.VMEM((CS,), jnp.int32),
        pltpu.VMEM((CS,), jnp.int32),
        pltpu.VMEM((CS,), jnp.int32),
        pltpu.VMEM((CS,), jnp.int32),
        pltpu.VMEM((CS,), jnp.int32),
        pltpu.VMEM((CS,), jnp.int32),
        pltpu.VMEM((CS,), jnp.int32),
        pltpu.VMEM((CS, D), _f32),
        pltpu.VMEM((CS, D), _f32),
        pltpu.VMEM((CS, D), _f32),
        pltpu.VMEM((CS, D), _f32),
        pltpu.VMEM_SHARED((N, D), _f32),
        pltpu.SemaphoreType.DMA,
        pltpu.SemaphoreType.DMA,
        pltpu.SemaphoreType.DMA,
        pltpu.SemaphoreType.DMA,
        pltpu.SemaphoreType.DMA,
        pltpu.SemaphoreType.DMA,
    ],
)
def _sc_scatter(a_hbm, b_hbm, p_hbm, row_hbm, col_hbm, s_out,
                ridx0, ridx1, cidx0, cidx1, scidx0, scidx1, pidx0, pidx1,
                av0, av1, mv0, mv1, s_sh,
                asem0, asem1, gsem0, gsem1, ssem0, ssem1):
    cid = lax.axis_index("c")
    sid = lax.axis_index("s")
    w = cid * NS + sid
    ridxs, cidxs = (ridx0, ridx1), (cidx0, cidx1)
    scidxs, pidxs = (scidx0, scidx1), (pidx0, pidx1)
    avs, mvs = (av0, av1), (mv0, mv1)
    asems, gsems, ssems = (asem0, asem1), (gsem0, gsem1), (ssem0, ssem1)

    zero16 = jnp.zeros((16,), _f32)
    iota16 = lax.iota(jnp.int32, 16)

    def z_init(i, c2):
        for j in range(D // 16):
            av0[i, pl.ds(j * 16, 16)] = zero16
        return c2

    lax.fori_loop(0, CS, z_init, 0)

    for k in range(RPT // CS):
        pltpu.sync_copy(av0, s_sh.at[pl.ds(sid * RPT + k * CS, CS)])
    rem = RPT - (RPT // CS) * CS
    if rem:
        pltpu.sync_copy(av0.at[pl.ds(0, rem)],
                        s_sh.at[pl.ds(sid * RPT + RPT - rem, rem)])
    plsc.subcore_barrier()

    def fire(ci, buf):
        base = w * EPW + ci * CS
        pltpu.sync_copy(row_hbm.at[pl.ds(base, CS)], ridxs[buf])
        pltpu.sync_copy(col_hbm.at[pl.ds(base, CS)], cidxs[buf])
        pltpu.async_copy(a_hbm.at[ridxs[buf]], avs[buf], asems[buf])
        for k in range(CS // 16):
            pidxs[buf][pl.ds(k * 16, 16)] = iota16 + (base + k * 16)

    def gfire(ci, buf):
        pltpu.make_async_copy(a_hbm.at[ridxs[buf]], avs[buf],
                              asems[buf]).wait()
        pltpu.async_copy(b_hbm.at[cidxs[buf]], avs[buf], gsems[buf],
                         add=True)
        pltpu.async_copy(p_hbm.at[pidxs[buf]], avs[buf], gsems[buf],
                         add=True)

    def consume(ci, buf):
        av, mv = avs[buf], mvs[buf]
        pltpu.make_async_copy(b_hbm.at[cidxs[buf]], av, gsems[buf]).wait()
        pltpu.make_async_copy(p_hbm.at[pidxs[buf]], av, gsems[buf]).wait()

        @pl.when(ci >= 2)
        def _():
            pltpu.make_async_copy(mv, s_sh.at[scidxs[buf]],
                                  ssems[buf]).wait()

        def body(i, c2):
            for j in range(D // 16):
                sl = pl.ds(j * 16, 16)
                mv[i, sl] = jnp.maximum(av[i, sl], 0.0)
            return c2

        lax.fori_loop(0, CS, body, 0)
        for k in range(CS // 16):
            sl = pl.ds(k * 16, 16)
            scidxs[buf][sl] = cidxs[buf][sl]
        pltpu.async_copy(mv, s_sh.at[scidxs[buf]], ssems[buf], add=True)

    fire(0, 0)
    fire(1, 1)
    gfire(0, 0)

    def pair(k, carry):
        ci = k * 2
        gfire(ci + 1, 1)
        consume(ci, 0)

        @pl.when(ci + 2 < NCHS)
        def _():
            fire(ci + 2, 0)

        consume(ci + 1, 1)

        @pl.when(ci + 3 < NCHS)
        def _():
            fire(ci + 3, 1)

        @pl.when(ci + 2 < NCHS)
        def _():
            gfire(ci + 2, 0)

        return carry

    lax.fori_loop(0, NCHS // 2, pair, 0)
    if NCHS % 2:
        consume(jnp.int32(NCHS - 1), 0)
    pltpu.make_async_copy(mvs[0], s_sh.at[scidxs[0]], ssems[0]).wait()
    pltpu.make_async_copy(mvs[1], s_sh.at[scidxs[1]], ssems[1]).wait()
    plsc.subcore_barrier()

    sl = pl.ds(sid * RPT, RPT)
    pltpu.sync_copy(s_sh.at[sl], s_out.at[cid, sl])



def kernel(x, pos, edge_index, Wp1, bp1, Wp2, bp2, Wm1, bm1, Wm2, bm2,
           Wu1, bu1, Wu2, bu2):
    row = edge_index[0]
    col = edge_index[1]
    pos8 = jnp.pad(pos, ((0, 0), (0, 5)))
    wp18 = jnp.pad(Wp1, ((0, 5), (0, 0)))
    W2c = Wp2 @ Wm1[2 * D:]
    b2c = (bp2 @ Wm1[2 * D:] + bm1).reshape(1, D)
    W2c4 = jnp.zeros((D, 4 * D), _f32)
    for k in range(4):
        W2c4 = W2c4.at[k * DQ:(k + 1) * DQ, k * D:(k + 1) * D].set(W2c)
    b2c4 = jnp.tile(b2c, (1, 4))

    RB = 1000
    nb = N // RB
    k1 = pl.pallas_call(
        _k1_body,
        grid=(nb,),
        in_specs=[
            pl.BlockSpec((RB, D), lambda i: (i, 0)),
            pl.BlockSpec((RB, 8), lambda i: (i, 0)),
            pl.BlockSpec((D, D), lambda i: (0, 0)),
            pl.BlockSpec((D, D), lambda i: (0, 0)),
            pl.BlockSpec((D, D), lambda i: (0, 0)),
            pl.BlockSpec((8, DQ), lambda i: (0, 0)),
        ],
        out_specs=[
            pl.BlockSpec((RB, D), lambda i: (i, 0)),
            pl.BlockSpec((RB, D), lambda i: (i, 0)),
            pl.BlockSpec((RB, D), lambda i: (i, 0)),
            pl.BlockSpec((RB, DQ), lambda i: (i, 0)),
        ],
        out_shape=[
            jax.ShapeDtypeStruct((N, D), _f32),
            jax.ShapeDtypeStruct((N, D), _f32),
            jax.ShapeDtypeStruct((N, D), _f32),
            jax.ShapeDtypeStruct((N, DQ), _f32),
        ],
    )
    A, B, X1, P = k1(x, pos8, Wm1[:D], Wm1[D:2 * D], Wu1[:D], wp18)

    h, Dg = _sc_h(P, row, col, bp1)

    RE4 = 1000
    k2 = pl.pallas_call(
        _k2_body,
        grid=(E // 4 // RE4,),
        in_specs=[
            pl.BlockSpec((RE4, D), lambda i: (i, 0)),
            pl.BlockSpec((D, 4 * D), lambda i: (0, 0)),
            pl.BlockSpec((1, 4 * D), lambda i: (0, 0)),
        ],
        out_specs=pl.BlockSpec((4 * RE4, D), lambda i: (i, 0)),
        out_shape=jax.ShapeDtypeStruct((E, D), _f32),
    )
    p = k2(h, W2c4, b2c4)

    S = _sc_scatter(A, B, p, row, col)

    k4 = pl.pallas_call(
        _k4_body,
        grid=(nb,),
        in_specs=[
            pl.BlockSpec((RB, D), lambda i: (i, 0)),
            pl.BlockSpec((RB, D), lambda i: (i, 0)),
            pl.BlockSpec((RB, D), lambda i: (i, 0)),
            pl.BlockSpec((RB, 16), lambda i: (i, 0)),
            pl.BlockSpec((RB, 16), lambda i: (i, 0)),
            pl.BlockSpec((D, D), lambda i: (0, 0)),
            pl.BlockSpec((1, D), lambda i: (0, 0)),
            pl.BlockSpec((D, D), lambda i: (0, 0)),
            pl.BlockSpec((1, D), lambda i: (0, 0)),
            pl.BlockSpec((D, D), lambda i: (0, 0)),
            pl.BlockSpec((1, D), lambda i: (0, 0)),
        ],
        out_specs=pl.BlockSpec((RB, D), lambda i: (i, 0)),
        out_shape=jax.ShapeDtypeStruct((N, D), _f32),
    )
    out = k4(X1, S[0], S[1], Dg[0], Dg[1], Wm2, bm2.reshape(1, D),
             Wu1[D:], bu1.reshape(1, D), Wu2, bu2.reshape(1, D))
    return out

# --- scband reference (transcript-rebuilt; emitter-appended) ---
"""Pipeline reference for scband-position-aware-layer-49495203119136 (READ-ONLY COPY).

The authoritative reference and input builder live on the scoring server;
editing this copy changes nothing except your own understanding.
"""

import jax, jax.numpy as jnp
import numpy as np

N = 10000
E = 320000
D = 128
DQ = D // 4  # 32


def _init_linear(key, fan_in, fan_out):
    k1, k2 = jax.random.split(key)
    bound = 1.0 / np.sqrt(fan_in)
    W = jax.random.uniform(k1, (fan_in, fan_out), minval=-bound, maxval=bound, dtype=jnp.float32)
    b = jax.random.uniform(k2, (fan_out,), minval=-bound, maxval=bound, dtype=jnp.float32)
    return W, b


def setup_inputs(seed: int = 0) -> dict:
    key = jax.random.key(seed)
    ks = jax.random.split(key, 10)
    x = jax.random.normal(ks[0], (N, D), dtype=jnp.float32)
    pos = jax.random.normal(ks[1], (N, 3), dtype=jnp.float32)
    edge_index = jax.random.randint(ks[2], (2, E), 0, N, dtype=jnp.int32)
    Wp1, bp1 = _init_linear(ks[3], 3, DQ)
    Wp2, bp2 = _init_linear(ks[4], DQ, DQ)
    Wm1, bm1 = _init_linear(ks[5], 2 * D + DQ, D)
    Wm2, bm2 = _init_linear(ks[6], D, D)
    Wu1, bu1 = _init_linear(ks[7], 2 * D, D)
    Wu2, bu2 = _init_linear(ks[8], D, D)
    return {
        "x": x, "pos": pos, "edge_index": edge_index,
        "Wp1": Wp1, "bp1": bp1, "Wp2": Wp2, "bp2": bp2,
        "Wm1": Wm1, "bm1": bm1, "Wm2": Wm2, "bm2": bm2,
        "Wu1": Wu1, "bu1": bu1, "Wu2": Wu2, "bu2": bu2,
    }


def reference(x, pos, edge_index, Wp1, bp1, Wp2, bp2, Wm1, bm1, Wm2, bm2, Wu1, bu1, Wu2, bu2):
    row = edge_index[0]
    col = edge_index[1]
    # position_mlp on pos differences (gather)
    pos_diff = pos[row] - pos[col]
    h = jnp.maximum(pos_diff @ Wp1 + bp1, 0.0)
    pos_features = h @ Wp2 + bp2
    # message_mlp on concatenated endpoint features + position features
    msg_in = jnp.concatenate([x[row], x[col], pos_features], axis=-1)
    m = jnp.maximum(msg_in @ Wm1 + bm1, 0.0)
    messages = m @ Wm2 + bm2
    # scatter-add aggregation into destination nodes
    agg = jnp.zeros_like(x).at[col].add(messages)
    # update_mlp
    u_in = jnp.concatenate([x, agg], axis=-1)
    u = jnp.maximum(u_in @ Wu1 + bu1, 0.0)
    out = u @ Wu2 + bu2
    return out

if __name__ == "__main__":
    import jax
    _d = setup_inputs()
    print(jax.jit(kernel)(*tuple(_d.values())))

</pallas_src>

<mosaic_0001>
#map = affine_map<(d0, d1) -> (0, 0)>
#map1 = affine_map<(d0, d1) -> (0)>
#map2 = affine_map<(d0, d1) -> (0, 0, 0)>
module attributes {stable_mosaic.version = 14 : i64} {
  func.func @_sc_h(%arg0: i32, %arg1: i32, %arg2: memref<10000x32xf32, #tpu.memory_space<hbm>>, %arg3: memref<320000xi32, #tpu.memory_space<hbm>>, %arg4: memref<320000xi32, #tpu.memory_space<hbm>>, %arg5: memref<32xf32, #tpu.memory_space<hbm>>, %arg6: memref<80000x128xf32, #tpu.memory_space<hbm>>, %arg7: memref<2x10000x16xf32, #tpu.memory_space<hbm>>, %arg8: memref<80xi32, #tpu.memory_space<vmem>>, %arg9: memref<80xi32, #tpu.memory_space<vmem>>, %arg10: memref<80xi32, #tpu.memory_space<vmem>>, %arg11: memref<80xi32, #tpu.memory_space<vmem>>, %arg12: memref<80x32xf32, #tpu.memory_space<vmem>>, %arg13: memref<80x32xf32, #tpu.memory_space<vmem>>, %arg14: memref<80x32xf32, #tpu.memory_space<vmem>>, %arg15: memref<80x32xf32, #tpu.memory_space<vmem>>, %arg16: memref<20x128xf32, #tpu.memory_space<vmem>>, %arg17: memref<20x128xf32, #tpu.memory_space<vmem>>, %arg18: memref<32xf32, #tpu.memory_space<vmem>>, %arg19: memref<80x16xf32, #tpu.memory_space<vmem>>, %arg20: memref<625x16xf32, #tpu.memory_space<vmem>>, %arg21: memref<10000x16xf32, #tpu.memory_space<vmem_shared>>, %arg22: memref<!tpu.dma_semaphore, #tpu.memory_space<semaphore_mem>>, %arg23: memref<!tpu.dma_semaphore, #tpu.memory_space<semaphore_mem>>, %arg24: memref<!tpu.dma_semaphore, #tpu.memory_space<semaphore_mem>>, %arg25: memref<!tpu.dma_semaphore, #tpu.memory_space<semaphore_mem>>) attributes {dimension_semantics = [#tpu.dimension_semantics<core_parallel>, #tpu.dimension_semantics<subcore_parallel>], iteration_bounds = array<i64: 2, 16>, scalar_prefetch = 0 : i64, scratch_operands = 18 : i64, tpu.core_type = #tpu.core_type<sc_vector_subcore>, window_params = [{transform_indices = #map}, {transform_indices = #map1}, {transform_indices = #map1}, {transform_indices = #map1}, {transform_indices = #map}, {transform_indices = #map2}]} {
    %mul3A = arith.constant 16 : i32
    %mul3A_0 = arith.muli %arg0, %mul3A : i32
    %add3A = arith.addi %mul3A_0, %arg1 : i32
    "tpu.region"() ({
      %run_scoped3A = tpu.sem_alloc : memref<!tpu.dma_semaphore, #tpu.memory_space<semaphore_mem>>
      tpu.enqueue_dma source(%arg5 : memref<32xf32, #tpu.memory_space<hbm>>) target(%arg18 : memref<32xf32, #tpu.memory_space<vmem>>) target_semaphore(%run_scoped3A : memref<!tpu.dma_semaphore, #tpu.memory_space<semaphore_mem>>)
      tpu.wait_dma2 semaphore(%run_scoped3A : memref<!tpu.dma_semaphore, #tpu.memory_space<semaphore_mem>>) src(%arg5 : memref<32xf32, #tpu.memory_space<hbm>>) dst(%arg18 : memref<32xf32, #tpu.memory_space<vmem>>)
      tpu.yield
    }) : () -> ()
    %broadcast_in_dim3A = arith.constant 0.000000e+00 : f32
    %broadcast_in_dim3A_1 = vector.broadcast %broadcast_in_dim3A : f32 to vector<16xf32>
    %scan3A = arith.constant 0 : i32
    %scan3A_2 = arith.constant 0 : i32
    %scan3A_3 = arith.constant 625 : i32
    %scan3A_4 = arith.addi %scan3A_2, %scan3A_3 : i32
    %scan3A_5 = arith.constant 1 : i32
    scf.for %scan3A_79 = %scan3A_2 to %scan3A_4 step %scan3A_5  : i32 {
      %swap3A = arith.index_cast %scan3A_79 : i32 to index
      %swap3A_80 = arith.constant 0 : index
      %swap3A_81 = tpu.vector_load %arg20[%swap3A, %swap3A_80] {strides = array<i32>} : memref<625x16xf32, #tpu.memory_space<vmem>>, vector<1x16xf32>,
      %swap3A_82 = vector.shape_cast %swap3A_81 : vector<1x16xf32> to vector<16xf32>
      %swap3A_83 = vector.shape_cast %broadcast_in_dim3A_1 : vector<16xf32> to vector<1x16xf32>
      tpu.vector_store %arg20[%swap3A, %swap3A_80], %swap3A_83 {strides = array<i32>} : memref<625x16xf32, #tpu.memory_space<vmem>>, vector<1x16xf32>,
    }
    %scan3A_6 = arith.constant 625 : i32
    %scan3A_7 = arith.constant 0 : i32
    %scan3A_8 = arith.constant 0 : i32
    %scan3A_9 = arith.constant 80 : i32
    %scan3A_10 = arith.addi %scan3A_8, %scan3A_9 : i32
    %scan3A_11 = arith.constant 1 : i32
    scf.for %scan3A_79 = %scan3A_8 to %scan3A_10 step %scan3A_11  : i32 {
      %broadcast_in_dim3A_80 = arith.constant 1.000000e+00 : f32
      %broadcast_in_dim3A_81 = vector.broadcast %broadcast_in_dim3A_80 : f32 to vector<16xf32>
      %swap3A = arith.index_cast %scan3A_79 : i32 to index
      %swap3A_82 = arith.constant 0 : index
      %swap3A_83 = tpu.vector_load %arg19[%swap3A, %swap3A_82] {strides = array<i32>} : memref<80x16xf32, #tpu.memory_space<vmem>>, vector<1x16xf32>,
      %swap3A_84 = vector.shape_cast %swap3A_83 : vector<1x16xf32> to vector<16xf32>
      %swap3A_85 = vector.shape_cast %broadcast_in_dim3A_81 : vector<16xf32> to vector<1x16xf32>
      tpu.vector_store %arg19[%swap3A, %swap3A_82], %swap3A_85 {strides = array<i32>} : memref<80x16xf32, #tpu.memory_space<vmem>>, vector<1x16xf32>,
    }
    %scan3A_12 = arith.constant 80 : i32
    %mul3A_13 = arith.constant 625 : i32
    %mul3A_14 = arith.muli %arg1, %mul3A_13 : i32
    "tpu.region"() ({
      %run_scoped3A = tpu.sem_alloc : memref<!tpu.dma_semaphore, #tpu.memory_space<semaphore_mem>>
      %dma_start3A_79 = arith.constant 0 : i32
      %dma_start3A_80 = tpu.memref_slice %arg21[%mul3A_14, %dma_start3A_79] : memref<10000x16xf32, #tpu.memory_space<vmem_shared>> -> memref<625x16xf32, #tpu.memory_space<vmem_shared>>
      %dma_start3A_81 = arith.constant 0 : i32
      %dma_start3A_82 = tpu.memref_slice %arg21[%mul3A_14, %dma_start3A_81] : memref<10000x16xf32, #tpu.memory_space<vmem_shared>> -> memref<625x16xf32, #tpu.memory_space<vmem_shared>>
      tpu.enqueue_dma source(%arg20 : memref<625x16xf32, #tpu.memory_space<vmem>>) target(%dma_start3A_82 : memref<625x16xf32, #tpu.memory_space<vmem_shared>>) target_semaphore(%run_scoped3A : memref<!tpu.dma_semaphore, #tpu.memory_space<semaphore_mem>>)
      %dma_wait3A_83 = arith.constant 0 : i32
      %dma_wait3A_84 = tpu.memref_slice %arg21[%mul3A_14, %dma_wait3A_83] : memref<10000x16xf32, #tpu.memory_space<vmem_shared>> -> memref<625x16xf32, #tpu.memory_space<vmem_shared>>
      %dma_wait3A_85 = arith.constant 0 : i32
      %dma_wait3A_86 = tpu.memref_slice %arg21[%mul3A_14, %dma_wait3A_85] : memref<10000x16xf32, #tpu.memory_space<vmem_shared>> -> memref<625x16xf32, #tpu.memory_space<vmem_shared>>
      tpu.wait_dma2 semaphore(%run_scoped3A : memref<!tpu.dma_semaphore, #tpu.memory_space<semaphore_mem>>) src(%arg20 : memref<625x16xf32, #tpu.memory_space<vmem>>) dst(%dma_wait3A_86 : memref<625x16xf32, #tpu.memory_space<vmem_shared>>)
      tpu.yield
    }) : () -> ()
    %barrier3A = arith.constant 0 : index
    tpu.barrier barrier_id(%barrier3A)
    %get3A = arith.constant 0 : index
    %get3A_15 = tpu.vector_load %arg18[%get3A] {strides = array<i32>} : memref<32xf32, #tpu.memory_space<vmem>>, vector<16xf32>,
    %get3A_16 = vector.shape_cast %get3A_15 : vector<16xf32> to vector<16xf32>
    %get3A_17 = arith.constant 16 : index
    %get3A_18 = tpu.vector_load %arg18[%get3A_17] {strides = array<i32>} : memref<32xf32, #tpu.memory_space<vmem>>, vector<16xf32>,
    %get3A_19 = vector.shape_cast %get3A_18 : vector<16xf32> to vector<16xf32>
    %mul3A_20 = arith.constant 10000 : i32
    %mul3A_21 = arith.muli %add3A, %mul3A_20 : i32
    %add3A_22 = arith.constant 0 : i32
    %add3A_23 = arith.addi %mul3A_21, %add3A_22 : i32
    "tpu.region"() ({
      %run_scoped3A = tpu.sem_alloc : memref<!tpu.dma_semaphore, #tpu.memory_space<semaphore_mem>>
      %dma_start3A_79 = tpu.memref_slice %arg3[%add3A_23] : memref<320000xi32, #tpu.memory_space<hbm>> -> memref<80xi32, #tpu.memory_space<hbm>>
      %dma_start3A_80 = tpu.memref_slice %arg3[%add3A_23] : memref<320000xi32, #tpu.memory_space<hbm>> -> memref<80xi32, #tpu.memory_space<hbm>>
      tpu.enqueue_dma source(%dma_start3A_80 : memref<80xi32, #tpu.memory_space<hbm>>) target(%arg8 : memref<80xi32, #tpu.memory_space<vmem>>) target_semaphore(%run_scoped3A : memref<!tpu.dma_semaphore, #tpu.memory_space<semaphore_mem>>)
      %dma_wait3A_81 = tpu.memref_slice %arg3[%add3A_23] : memref<320000xi32, #tpu.memory_space<hbm>> -> memref<80xi32, #tpu.memory_space<hbm>>
      %dma_wait3A_82 = tpu.memref_slice %arg3[%add3A_23] : memref<320000xi32, #tpu.memory_space<hbm>> -> memref<80xi32, #tpu.memory_space<hbm>>
      tpu.wait_dma2 semaphore(%run_scoped3A : memref<!tpu.dma_semaphore, #tpu.memory_space<semaphore_mem>>) src(%dma_wait3A_82 : memref<80xi32, #tpu.memory_space<hbm>>) dst(%arg8 : memref<80xi32, #tpu.memory_space<vmem>>)
      tpu.yield
    }) : () -> ()
    "tpu.region"() ({
      %run_scoped3A = tpu.sem_alloc : memref<!tpu.dma_semaphore, #tpu.memory_space<semaphore_mem>>
      %dma_start3A_79 = tpu.memref_slice %arg4[%add3A_23] : memref<320000xi32, #tpu.memory_space<hbm>> -> memref<80xi32, #tpu.memory_space<hbm>>
      %dma_start3A_80 = tpu.memref_slice %arg4[%add3A_23] : memref<320000xi32, #tpu.memory_space<hbm>> -> memref<80xi32, #tpu.memory_space<hbm>>
      tpu.enqueue_dma source(%dma_start3A_80 : memref<80xi32, #tpu.memory_space<hbm>>) target(%arg10 : memref<80xi32, #tpu.memory_space<vmem>>) target_semaphore(%run_scoped3A : memref<!tpu.dma_semaphore, #tpu.memory_space<semaphore_mem>>)
      %dma_wait3A_81 = tpu.memref_slice %arg4[%add3A_23] : memref<320000xi32, #tpu.memory_space<hbm>> -> memref<80xi32, #tpu.memory_space<hbm>>
      %dma_wait3A_82 = tpu.memref_slice %arg4[%add3A_23] : memref<320000xi32, #tpu.memory_space<hbm>> -> memref<80xi32, #tpu.memory_space<hbm>>
      tpu.wait_dma2 semaphore(%run_scoped3A : memref<!tpu.dma_semaphore, #tpu.memory_space<semaphore_mem>>) src(%dma_wait3A_82 : memref<80xi32, #tpu.memory_space<hbm>>) dst(%arg10 : memref<80xi32, #tpu.memory_space<vmem>>)
      tpu.yield
    }) : () -> ()
    %dma_start3A = arith.constant 0 : i32
    %dma_start3A_24 = arith.constant 0 : i32
    %dma_start3A_25 = tpu.memref_slice %arg2[%dma_start3A, %dma_start3A_24] : memref<10000x32xf32, #tpu.memory_space<hbm>> -> memref<10000x32xf32, #tpu.memory_space<hbm>>
    tpu.enqueue_indirect_dma source(%dma_start3A_25 : memref<10000x32xf32, #tpu.memory_space<hbm>>) target(%arg12 : memref<80x32xf32, #tpu.memory_space<vmem>>) offsets(%arg8 : memref<80xi32, #tpu.memory_space<vmem>>) semaphore(%arg22 : memref<!tpu.dma_semaphore, #tpu.memory_space<semaphore_mem>>)
    %dma_start3A_26 = arith.constant 0 : i32
    %dma_start3A_27 = arith.constant 0 : i32
    %dma_start3A_28 = tpu.memref_slice %arg2[%dma_start3A_26, %dma_start3A_27] : memref<10000x32xf32, #tpu.memory_space<hbm>> -> memref<10000x32xf32, #tpu.memory_space<hbm>>
    tpu.enqueue_indirect_dma source(%dma_start3A_28 : memref<10000x32xf32, #tpu.memory_space<hbm>>) target(%arg14 : memref<80x32xf32, #tpu.memory_space<vmem>>) offsets(%arg10 : memref<80xi32, #tpu.memory_space<vmem>>) semaphore(%arg22 : memref<!tpu.dma_semaphore, #tpu.memory_space<semaphore_mem>>)
    %scan3A_29 = arith.constant 0 : i32
    %scan3A_30 = arith.constant 0 : i32
    %scan3A_31 = arith.constant 62 : i32
    %scan3A_32 = arith.addi %scan3A_30, %scan3A_31 : i32
    %scan3A_33 = arith.constant 1 : i32
    scf.for %scan3A_79 = %scan3A_30 to %scan3A_32 step %scan3A_33  : i32 {
      %mul3A_80 = arith.constant 2 : i32
      %mul3A_81 = arith.muli %scan3A_79, %mul3A_80 : i32
      %add3A_82 = arith.constant 1 : i32
      %add3A_83 = arith.addi %mul3A_81, %add3A_82 : i32
      %mul3A_84 = arith.constant 10000 : i32
      %mul3A_85 = arith.muli %add3A, %mul3A_84 : i32
      %mul3A_86 = arith.constant 80 : i32
      %mul3A_87 = arith.muli %add3A_83, %mul3A_86 : i32
      %add3A_88 = arith.addi %mul3A_85, %mul3A_87 : i32
      "tpu.region"() ({
        %run_scoped3A = tpu.sem_alloc : memref<!tpu.dma_semaphore, #tpu.memory_space<semaphore_mem>>
        %dma_start3A_155 = tpu.memref_slice %arg3[%add3A_88] : memref<320000xi32, #tpu.memory_space<hbm>> -> memref<80xi32, #tpu.memory_space<hbm>>
        %dma_start3A_156 = tpu.memref_slice %arg3[%add3A_88] : memref<320000xi32, #tpu.memory_space<hbm>> -> memref<80xi32, #tpu.memory_space<hbm>>
        tpu.enqueue_dma source(%dma_start3A_156 : memref<80xi32, #tpu.memory_space<hbm>>) target(%arg9 : memref<80xi32, #tpu.memory_space<vmem>>) target_semaphore(%run_scoped3A : memref<!tpu.dma_semaphore, #tpu.memory_space<semaphore_mem>>)
        %dma_wait3A_157 = tpu.memref_slice %arg3[%add3A_88] : memref<320000xi32, #tpu.memory_space<hbm>> -> memref<80xi32, #tpu.memory_space<hbm>>
        %dma_wait3A_158 = tpu.memref_slice %arg3[%add3A_88] : memref<320000xi32, #tpu.memory_space<hbm>> -> memref<80xi32, #tpu.memory_space<hbm>>
        tpu.wait_dma2 semaphore(%run_scoped3A : memref<!tpu.dma_semaphore, #tpu.memory_space<semaphore_mem>>) src(%dma_wait3A_158 : memref<80xi32, #tpu.memory_space<hbm>>) dst(%arg9 : memref<80xi32, #tpu.memory_space<vmem>>)
        tpu.yield
      }) : () -> ()
      "tpu.region"() ({
        %run_scoped3A = tpu.sem_alloc : memref<!tpu.dma_semaphore, #tpu.memory_space<semaphore_mem>>
        %dma_start3A_155 = tpu.memref_slice %arg4[%add3A_88] : memref<320000xi32, #tpu.memory_space<hbm>> -> memref<80xi32, #tpu.memory_space<hbm>>
        %dma_start3A_156 = tpu.memref_slice %arg4[%add3A_88] : memref<320000xi32, #tpu.memory_space<hbm>> -> memref<80xi32, #tpu.memory_space<hbm>>
        tpu.enqueue_dma source(%dma_start3A_156 : memref<80xi32, #tpu.memory_space<hbm>>) target(%arg11 : memref<80xi32, #tpu.memory_space<vmem>>) target_semaphore(%run_scoped3A : memref<!tpu.dma_semaphore, #tpu.memory_space<semaphore_mem>>)
        %dma_wait3A_157 = tpu.memref_slice %arg4[%add3A_88] : memref<320000xi32, #tpu.memory_space<hbm>> -> memref<80xi32, #tpu.memory_space<hbm>>
        %dma_wait3A_158 = tpu.memref_slice %arg4[%add3A_88] : memref<320000xi32, #tpu.memory_space<hbm>> -> memref<80xi32, #tpu.memory_space<hbm>>
        tpu.wait_dma2 semaphore(%run_scoped3A : memref<!tpu.dma_semaphore, #tpu.memory_space<semaphore_mem>>) src(%dma_wait3A_158 : memref<80xi32, #tpu.memory_space<hbm>>) dst(%arg11 : memref<80xi32, #tpu.memory_space<vmem>>)
        tpu.yield
      }) : () -> ()
      %dma_start3A_89 = arith.constant 0 : i32
      %dma_start3A_90 = arith.constant 0 : i32
      %dma_start3A_91 = tpu.memref_slice %arg2[%dma_start3A_89, %dma_start3A_90] : memref<10000x32xf32, #tpu.memory_space<hbm>> -> memref<10000x32xf32, #tpu.memory_space<hbm>>
      tpu.enqueue_indirect_dma source(%dma_start3A_91 : memref<10000x32xf32, #tpu.memory_space<hbm>>) target(%arg13 : memref<80x32xf32, #tpu.memory_space<vmem>>) offsets(%arg9 : memref<80xi32, #tpu.memory_space<vmem>>) semaphore(%arg23 : memref<!tpu.dma_semaphore, #tpu.memory_space<semaphore_mem>>)
      %dma_start3A_92 = arith.constant 0 : i32
      %dma_start3A_93 = arith.constant 0 : i32
      %dma_start3A_94 = tpu.memref_slice %arg2[%dma_start3A_92, %dma_start3A_93] : memref<10000x32xf32, #tpu.memory_space<hbm>> -> memref<10000x32xf32, #tpu.memory_space<hbm>>
      tpu.enqueue_indirect_dma source(%dma_start3A_94 : memref<10000x32xf32, #tpu.memory_space<hbm>>) target(%arg15 : memref<80x32xf32, #tpu.memory_space<vmem>>) offsets(%arg11 : memref<80xi32, #tpu.memory_space<vmem>>) semaphore(%arg23 : memref<!tpu.dma_semaphore, #tpu.memory_space<semaphore_mem>>)
      %dma_wait3A_95 = arith.constant 0 : i32
      %dma_wait3A_96 = arith.constant 0 : i32
      %dma_wait3A_97 = tpu.memref_slice %arg2[%dma_wait3A_95, %dma_wait3A_96] : memref<10000x32xf32, #tpu.memory_space<hbm>> -> memref<10000x32xf32, #tpu.memory_space<hbm>>
      tpu.wait_indirect_dma semaphore(%arg22 : memref<!tpu.dma_semaphore, #tpu.memory_space<semaphore_mem>>) src(%dma_wait3A_97 : memref<10000x32xf32, #tpu.memory_space<hbm>>) dst(%arg12 : memref<80x32xf32, #tpu.memory_space<vmem>>)
      %dma_wait3A_98 = arith.constant 0 : i32
      %dma_wait3A_99 = arith.constant 0 : i32
      %dma_wait3A_100 = tpu.memref_slice %arg2[%dma_wait3A_98, %dma_wait3A_99] : memref<10000x32xf32, #tpu.memory_space<hbm>> -> memref<10000x32xf32, #tpu.memory_space<hbm>>
      tpu.wait_indirect_dma semaphore(%arg22 : memref<!tpu.dma_semaphore, #tpu.memory_space<semaphore_mem>>) src(%dma_wait3A_100 : memref<10000x32xf32, #tpu.memory_space<hbm>>) dst(%arg14 : memref<80x32xf32, #tpu.memory_space<vmem>>)
      %ge3A_101 = arith.constant 2 : i32
      %ge3A_102 = arith.cmpi sge, %mul3A_81, %ge3A_101 : i32
      %convert_element_type3A_103 = arith.extui %ge3A_102 : i1 to i32
      %cond3A_104 = arith.constant 0 : i32
      %cond3A_105 = arith.cmpi ne, %convert_element_type3A_103, %cond3A_104 : i32
      scf.if %cond3A_105 {
        %sub3A = arith.constant 2 : i32
        %sub3A_155 = arith.subi %mul3A_81, %sub3A : i32
        %mul3A_156 = arith.constant 2500 : i32
        %mul3A_157 = arith.muli %add3A, %mul3A_156 : i32
        %mul3A_158 = arith.constant 20 : i32
        %mul3A_159 = arith.muli %sub3A_155, %mul3A_158 : i32
        %add3A_160 = arith.addi %mul3A_157, %mul3A_159 : i32
        %dma_wait3A_161 = arith.constant 0 : i32
        %dma_wait3A_162 = tpu.memref_slice %arg6[%add3A_160, %dma_wait3A_161] : memref<80000x128xf32, #tpu.memory_space<hbm>> -> memref<20x128xf32, #tpu.memory_space<hbm>>
        %dma_wait3A_163 = arith.constant 0 : i32
        %dma_wait3A_164 = tpu.memref_slice %arg6[%add3A_160, %dma_wait3A_163] : memref<80000x128xf32, #tpu.memory_space<hbm>> -> memref<20x128xf32, #tpu.memory_space<hbm>>
        tpu.wait_dma2 semaphore(%arg24 : memref<!tpu.dma_semaphore, #tpu.memory_space<semaphore_mem>>) src(%arg16 : memref<20x128xf32, #tpu.memory_space<vmem>>) dst(%dma_wait3A_164 : memref<20x128xf32, #tpu.memory_space<hbm>>)
      } else {
      }
      %scan3A_106 = arith.constant 0 : i32
      %scan3A_107 = arith.constant 0 : i32
      %scan3A_108 = arith.constant 20 : i32
      %scan3A_109 = arith.addi %scan3A_107, %scan3A_108 : i32
      %scan3A_110 = arith.constant 1 : i32
      scf.for %scan3A_155 = %scan3A_107 to %scan3A_109 step %scan3A_110  : i32 {
        %mul3A_156 = arith.constant 4 : i32
        %mul3A_157 = arith.muli %mul3A_156, %scan3A_155 : i32
        %add3A_158 = arith.constant 0 : i32
        %add3A_159 = arith.addi %mul3A_157, %add3A_158 : i32
        %get3A_160 = arith.index_cast %add3A_159 : i32 to index
        %get3A_161 = arith.constant 0 : index
        %get3A_162 = tpu.vector_load %arg12[%get3A_160, %get3A_161] {strides = array<i32>} : memref<80x32xf32, #tpu.memory_space<vmem>>, vector<1x16xf32>,
        %get3A_163 = vector.shape_cast %get3A_162 : vector<1x16xf32> to vector<16xf32>
        %mul3A_164 = arith.constant 4 : i32
        %mul3A_165 = arith.muli %mul3A_164, %scan3A_155 : i32
        %add3A_166 = arith.constant 0 : i32
        %add3A_167 = arith.addi %mul3A_165, %add3A_166 : i32
        %get3A_168 = arith.index_cast %add3A_167 : i32 to index
        %get3A_169 = arith.constant 0 : index
        %get3A_170 = tpu.vector_load %arg14[%get3A_168, %get3A_169] {strides = array<i32>} : memref<80x32xf32, #tpu.memory_space<vmem>>, vector<1x16xf32>,
        %get3A_171 = vector.shape_cast %get3A_170 : vector<1x16xf32> to vector<16xf32>
        %sub3A = arith.subf %get3A_163, %get3A_171 : vector<16xf32>
        %add3A_172 = arith.addf %sub3A, %get3A_16 : vector<16xf32>
        %max3A = arith.constant 0.000000e+00 : f32
        %max3A_173 = vector.broadcast %max3A : f32 to vector<16xf32>
        %max3A_174 = arith.maximumf %add3A_172, %max3A_173 : vector<16xf32>
        %swap3A = arith.index_cast %scan3A_155 : i32 to index
        %swap3A_175 = arith.constant 0 : index
        %swap3A_176 = tpu.vector_load %arg16[%swap3A, %swap3A_175] {strides = array<i32>} : memref<20x128xf32, #tpu.memory_space<vmem>>, vector<1x16xf32>,
        %swap3A_177 = vector.shape_cast %swap3A_176 : vector<1x16xf32> to vector<16xf32>
        %swap3A_178 = vector.shape_cast %max3A_174 : vector<16xf32> to vector<1x16xf32>
        tpu.vector_store %arg16[%swap3A, %swap3A_175], %swap3A_178 {strides = array<i32>} : memref<20x128xf32, #tpu.memory_space<vmem>>, vector<1x16xf32>,
        %mul3A_179 = arith.constant 4 : i32
        %mul3A_180 = arith.muli %mul3A_179, %scan3A_155 : i32
        %add3A_181 = arith.constant 0 : i32
        %add3A_182 = arith.addi %mul3A_180, %add3A_181 : i32
        %get3A_183 = arith.index_cast %add3A_182 : i32 to index
        %get3A_184 = arith.constant 16 : index
        %get3A_185 = tpu.vector_load %arg12[%get3A_183, %get3A_184] {strides = array<i32>} : memref<80x32xf32, #tpu.memory_space<vmem>>, vector<1x16xf32>,
        %get3A_186 = vector.shape_cast %get3A_185 : vector<1x16xf32> to vector<16xf32>
        %mul3A_187 = arith.constant 4 : i32
        %mul3A_188 = arith.muli %mul3A_187, %scan3A_155 : i32
        %add3A_189 = arith.constant 0 : i32
        %add3A_190 = arith.addi %mul3A_188, %add3A_189 : i32
        %get3A_191 = arith.index_cast %add3A_190 : i32 to index
        %get3A_192 = arith.constant 16 : index
        %get3A_193 = tpu.vector_load %arg14[%get3A_191, %get3A_192] {strides = array<i32>} : memref<80x32xf32, #tpu.memory_space<vmem>>, vector<1x16xf32>,
        %get3A_194 = vector.shape_cast %get3A_193 : vector<1x16xf32> to vector<16xf32>
        %sub3A_195 = arith.subf %get3A_186, %get3A_194 : vector<16xf32>
        %add3A_196 = arith.addf %sub3A_195, %get3A_19 : vector<16xf32>
        %max3A_197 = arith.constant 0.000000e+00 : f32
        %max3A_198 = vector.broadcast %max3A_197 : f32 to vector<16xf32>
        %max3A_199 = arith.maximumf %add3A_196, %max3A_198 : vector<16xf32>
        %swap3A_200 = arith.index_cast %scan3A_155 : i32 to index
        %swap3A_201 = arith.constant 16 : index
        %swap3A_202 = tpu.vector_load %arg16[%swap3A_200, %swap3A_201] {strides = array<i32>} : memref<20x128xf32, #tpu.memory_space<vmem>>, vector<1x16xf32>,
        %swap3A_203 = vector.shape_cast %swap3A_202 : vector<1x16xf32> to vector<16xf32>
        %swap3A_204 = vector.shape_cast %max3A_199 : vector<16xf32> to vector<1x16xf32>
        tpu.vector_store %arg16[%swap3A_200, %swap3A_201], %swap3A_204 {strides = array<i32>} : memref<20x128xf32, #tpu.memory_space<vmem>>, vector<1x16xf32>,
        %mul3A_205 = arith.constant 4 : i32
        %mul3A_206 = arith.muli %mul3A_205, %scan3A_155 : i32
        %add3A_207 = arith.constant 1 : i32
        %add3A_208 = arith.addi %mul3A_206, %add3A_207 : i32
        %get3A_209 = arith.index_cast %add3A_208 : i32 to index
        %get3A_210 = arith.constant 0 : index
        %get3A_211 = tpu.vector_load %arg12[%get3A_209, %get3A_210] {strides = array<i32>} : memref<80x32xf32, #tpu.memory_space<vmem>>, vector<1x16xf32>,
        %get3A_212 = vector.shape_cast %get3A_211 : vector<1x16xf32> to vector<16xf32>
        %mul3A_213 = arith.constant 4 : i32
        %mul3A_214 = arith.muli %mul3A_213, %scan3A_155 : i32
        %add3A_215 = arith.constant 1 : i32
        %add3A_216 = arith.addi %mul3A_214, %add3A_215 : i32
        %get3A_217 = arith.index_cast %add3A_216 : i32 to index
        %get3A_218 = arith.constant 0 : index
        %get3A_219 = tpu.vector_load %arg14[%get3A_217, %get3A_218] {strides = array<i32>} : memref<80x32xf32, #tpu.memory_space<vmem>>, vector<1x16xf32>,
        %get3A_220 = vector.shape_cast %get3A_219 : vector<1x16xf32> to vector<16xf32>
        %sub3A_221 = arith.subf %get3A_212, %get3A_220 : vector<16xf32>
        %add3A_222 = arith.addf %sub3A_221, %get3A_16 : vector<16xf32>
        %max3A_223 = arith.constant 0.000000e+00 : f32
        %max3A_224 = vector.broadcast %max3A_223 : f32 to vector<16xf32>
        %max3A_225 = arith.maximumf %add3A_222, %max3A_224 : vector<16xf32>
        %swap3A_226 = arith.index_cast %scan3A_155 : i32 to index
        %swap3A_227 = arith.constant 32 : index
        %swap3A_228 = tpu.vector_load %arg16[%swap3A_226, %swap3A_227] {strides = array<i32>} : memref<20x128xf32, #tpu.memory_space<vmem>>, vector<1x16xf32>,
        %swap3A_229 = vector.shape_cast %swap3A_228 : vector<1x16xf32> to vector<16xf32>
        %swap3A_230 = vector.shape_cast %max3A_225 : vector<16xf32> to vector<1x16xf32>
        tpu.vector_store %arg16[%swap3A_226, %swap3A_227], %swap3A_230 {strides = array<i32>} : memref<20x128xf32, #tpu.memory_space<vmem>>, vector<1x16xf32>,
        %mul3A_231 = arith.constant 4 : i32
        %mul3A_232 = arith.muli %mul3A_231, %scan3A_155 : i32
        %add3A_233 = arith.constant 1 : i32
        %add3A_234 = arith.addi %mul3A_232, %add3A_233 : i32
        %get3A_235 = arith.index_cast %add3A_234 : i32 to index
        %get3A_236 = arith.constant 16 : index
        %get3A_237 = tpu.vector_load %arg12[%get3A_235, %get3A_236] {strides = array<i32>} : memref<80x32xf32, #tpu.memory_space<vmem>>, vector<1x16xf32>,
        %get3A_238 = vector.shape_cast %get3A_237 : vector<1x16xf32> to vector<16xf32>
        %mul3A_239 = arith.constant 4 : i32
        %mul3A_240 = arith.muli %mul3A_239, %scan3A_155 : i32
        %add3A_241 = arith.constant 1 : i32
        %add3A_242 = arith.addi %mul3A_240, %add3A_241 : i32
        %get3A_243 = arith.index_cast %add3A_242 : i32 to index
        %get3A_244 = arith.constant 16 : index
        %get3A_245 = tpu.vector_load %arg14[%get3A_243, %get3A_244] {strides = array<i32>} : memref<80x32xf32, #tpu.memory_space<vmem>>, vector<1x16xf32>,
        %get3A_246 = vector.shape_cast %get3A_245 : vector<1x16xf32> to vector<16xf32>
        %sub3A_247 = arith.subf %get3A_238, %get3A_246 : vector<16xf32>
        %add3A_248 = arith.addf %sub3A_247, %get3A_19 : vector<16xf32>
        %max3A_249 = arith.constant 0.000000e+00 : f32
        %max3A_250 = vector.broadcast %max3A_249 : f32 to vector<16xf32>
        %max3A_251 = arith.maximumf %add3A_248, %max3A_250 : vector<16xf32>
        %swap3A_252 = arith.index_cast %scan3A_155 : i32 to index
        %swap3A_253 = arith.constant 48 : index
        %swap3A_254 = tpu.vector_load %arg16[%swap3A_252, %swap3A_253] {strides = array<i32>} : memref<20x128xf32, #tpu.memory_space<vmem>>, vector<1x16xf32>,
        %swap3A_255 = vector.shape_cast %swap3A_254 : vector<1x16xf32> to vector<16xf32>
        %swap3A_256 = vector.shape_cast %max3A_251 : vector<16xf32> to vector<1x16xf32>
        tpu.vector_store %arg16[%swap3A_252, %swap3A_253], %swap3A_256 {strides = array<i32>} : memref<20x128xf32, #tpu.memory_space<vmem>>, vector<1x16xf32>,
        %mul3A_257 = arith.constant 4 : i32
        %mul3A_258 = arith.muli %mul3A_257, %scan3A_155 : i32
        %add3A_259 = arith.constant 2 : i32
        %add3A_260 = arith.addi %mul3A_258, %add3A_259 : i32
        %get3A_261 = arith.index_cast %add3A_260 : i32 to index
        %get3A_262 = arith.constant 0 : index
        %get3A_263 = tpu.vector_load %arg12[%get3A_261, %get3A_262] {strides = array<i32>} : memref<80x32xf32, #tpu.memory_space<vmem>>, vector<1x16xf32>,
        %get3A_264 = vector.shape_cast %get3A_263 : vector<1x16xf32> to vector<16xf32>
        %mul3A_265 = arith.constant 4 : i32
        %mul3A_266 = arith.muli %mul3A_265, %scan3A_155 : i32
        %add3A_267 = arith.constant 2 : i32
        %add3A_268 = arith.addi %mul3A_266, %add3A_267 : i32
        %get3A_269 = arith.index_cast %add3A_268 : i32 to index
        %get3A_270 = arith.constant 0 : index
        %get3A_271 = tpu.vector_load %arg14[%get3A_269, %get3A_270] {strides = array<i32>} : memref<80x32xf32, #tpu.memory_space<vmem>>, vector<1x16xf32>,
        %get3A_272 = vector.shape_cast %get3A_271 : vector<1x16xf32> to vector<16xf32>
        %sub3A_273 = arith.subf %get3A_264, %get3A_272 : vector<16xf32>
        %add3A_274 = arith.addf %sub3A_273, %get3A_16 : vector<16xf32>
        %max3A_275 = arith.constant 0.000000e+00 : f32
        %max3A_276 = vector.broadcast %max3A_275 : f32 to vector<16xf32>
        %max3A_277 = arith.maximumf %add3A_274, %max3A_276 : vector<16xf32>
        %swap3A_278 = arith.index_cast %scan3A_155 : i32 to index
        %swap3A_279 = arith.constant 64 : index
        %swap3A_280 = tpu.vector_load %arg16[%swap3A_278, %swap3A_279] {strides = array<i32>} : memref<20x128xf32, #tpu.memory_space<vmem>>, vector<1x16xf32>,
        %swap3A_281 = vector.shape_cast %swap3A_280 : vector<1x16xf32> to vector<16xf32>
        %swap3A_282 = vector.shape_cast %max3A_277 : vector<16xf32> to vector<1x16xf32>
        tpu.vector_store %arg16[%swap3A_278, %swap3A_279], %swap3A_282 {strides = array<i32>} : memref<20x128xf32, #tpu.memory_space<vmem>>, vector<1x16xf32>,
        %mul3A_283 = arith.constant 4 : i32
        %mul3A_284 = arith.muli %mul3A_283, %scan3A_155 : i32
        %add3A_285 = arith.constant 2 : i32
        %add3A_286 = arith.addi %mul3A_284, %add3A_285 : i32
        %get3A_287 = arith.index_cast %add3A_286 : i32 to index
        %get3A_288 = arith.constant 16 : index
        %get3A_289 = tpu.vector_load %arg12[%get3A_287, %get3A_288] {strides = array<i32>} : memref<80x32xf32, #tpu.memory_space<vmem>>, vector<1x16xf32>,
        %get3A_290 = vector.shape_cast %get3A_289 : vector<1x16xf32> to vector<16xf32>
        %mul3A_291 = arith.constant 4 : i32
        %mul3A_292 = arith.muli %mul3A_291, %scan3A_155 : i32
        %add3A_293 = arith.constant 2 : i32
        %add3A_294 = arith.addi %mul3A_292, %add3A_293 : i32
        %get3A_295 = arith.index_cast %add3A_294 : i32 to index
        %get3A_296 = arith.constant 16 : index
        %get3A_297 = tpu.vector_load %arg14[%get3A_295, %get3A_296] {strides = array<i32>} : memref<80x32xf32, #tpu.memory_space<vmem>>, vector<1x16xf32>,
        %get3A_298 = vector.shape_cast %get3A_297 : vector<1x16xf32> to vector<16xf32>
        %sub3A_299 = arith.subf %get3A_290, %get3A_298 : vector<16xf32>
        %add3A_300 = arith.addf %sub3A_299, %get3A_19 : vector<16xf32>
        %max3A_301 = arith.constant 0.000000e+00 : f32
        %max3A_302 = vector.broadcast %max3A_301 : f32 to vector<16xf32>
        %max3A_303 = arith.maximumf %add3A_300, %max3A_302 : vector<16xf32>
        %swap3A_304 = arith.index_cast %scan3A_155 : i32 to index
        %swap3A_305 = arith.constant 80 : index
        %swap3A_306 = tpu.vector_load %arg16[%swap3A_304, %swap3A_305] {strides = array<i32>} : memref<20x128xf32, #tpu.memory_space<vmem>>, vector<1x16xf32>,
        %swap3A_307 = vector.shape_cast %swap3A_306 : vector<1x16xf32> to vector<16xf32>
        %swap3A_308 = vector.shape_cast %max3A_303 : vector<16xf32> to vector<1x16xf32>
        tpu.vector_store %arg16[%swap3A_304, %swap3A_305], %swap3A_308 {strides = array<i32>} : memref<20x128xf32, #tpu.memory_space<vmem>>, vector<1x16xf32>,
        %mul3A_309 = arith.constant 4 : i32
        %mul3A_310 = arith.muli %mul3A_309, %scan3A_155 : i32
        %add3A_311 = arith.constant 3 : i32
        %add3A_312 = arith.addi %mul3A_310, %add3A_311 : i32
        %get3A_313 = arith.index_cast %add3A_312 : i32 to index
        %get3A_314 = arith.constant 0 : index
        %get3A_315 = tpu.vector_load %arg12[%get3A_313, %get3A_314] {strides = array<i32>} : memref<80x32xf32, #tpu.memory_space<vmem>>, vector<1x16xf32>,
        %get3A_316 = vector.shape_cast %get3A_315 : vector<1x16xf32> to vector<16xf32>
        %mul3A_317 = arith.constant 4 : i32
        %mul3A_318 = arith.muli %mul3A_317, %scan3A_155 : i32
        %add3A_319 = arith.constant 3 : i32
        %add3A_320 = arith.addi %mul3A_318, %add3A_319 : i32
        %get3A_321 = arith.index_cast %add3A_320 : i32 to index
        %get3A_322 = arith.constant 0 : index
        %get3A_323 = tpu.vector_load %arg14[%get3A_321, %get3A_322] {strides = array<i32>} : memref<80x32xf32, #tpu.memory_space<vmem>>, vector<1x16xf32>,
        %get3A_324 = vector.shape_cast %get3A_323 : vector<1x16xf32> to vector<16xf32>
        %sub3A_325 = arith.subf %get3A_316, %get3A_324 : vector<16xf32>
        %add3A_326 = arith.addf %sub3A_325, %get3A_16 : vector<16xf32>
        %max3A_327 = arith.constant 0.000000e+00 : f32
        %max3A_328 = vector.broadcast %max3A_327 : f32 to vector<16xf32>
        %max3A_329 = arith.maximumf %add3A_326, %max3A_328 : vector<16xf32>
        %swap3A_330 = arith.index_cast %scan3A_155 : i32 to index
        %swap3A_331 = arith.constant 96 : index
        %swap3A_332 = tpu.vector_load %arg16[%swap3A_330, %swap3A_331] {strides = array<i32>} : memref<20x128xf32, #tpu.memory_space<vmem>>, vector<1x16xf32>,
        %swap3A_333 = vector.shape_cast %swap3A_332 : vector<1x16xf32> to vector<16xf32>
        %swap3A_334 = vector.shape_cast %max3A_329 : vector<16xf32> to vector<1x16xf32>
        tpu.vector_store %arg16[%swap3A_330, %swap3A_331], %swap3A_334 {strides = array<i32>} : memref<20x128xf32, #tpu.memory_space<vmem>>, vector<1x16xf32>,
        %mul3A_335 = arith.constant 4 : i32
        %mul3A_336 = arith.muli %mul3A_335, %scan3A_155 : i32
        %add3A_337 = arith.constant 3 : i32
        %add3A_338 = arith.addi %mul3A_336, %add3A_337 : i32
        %get3A_339 = arith.index_cast %add3A_338 : i32 to index
        %get3A_340 = arith.constant 16 : index
        %get3A_341 = tpu.vector_load %arg12[%get3A_339, %get3A_340] {strides = array<i32>} : memref<80x32xf32, #tpu.memory_space<vmem>>, vector<1x16xf32>,
        %get3A_342 = vector.shape_cast %get3A_341 : vector<1x16xf32> to vector<16xf32>
        %mul3A_343 = arith.constant 4 : i32
        %mul3A_344 = arith.muli %mul3A_343, %scan3A_155 : i32
        %add3A_345 = arith.constant 3 : i32
        %add3A_346 = arith.addi %mul3A_344, %add3A_345 : i32
        %get3A_347 = arith.index_cast %add3A_346 : i32 to index
        %get3A_348 = arith.constant 16 : index
        %get3A_349 = tpu.vector_load %arg14[%get3A_347, %get3A_348] {strides = array<i32>} : memref<80x32xf32, #tpu.memory_space<vmem>>, vector<1x16xf32>,
        %get3A_350 = vector.shape_cast %get3A_349 : vector<1x16xf32> to vector<16xf32>
        %sub3A_351 = arith.subf %get3A_342, %get3A_350 : vector<16xf32>
        %add3A_352 = arith.addf %sub3A_351, %get3A_19 : vector<16xf32>
        %max3A_353 = arith.constant 0.000000e+00 : f32
        %max3A_354 = vector.broadcast %max3A_353 : f32 to vector<16xf32>
        %max3A_355 = arith.maximumf %add3A_352, %max3A_354 : vector<16xf32>
        %swap3A_356 = arith.index_cast %scan3A_155 : i32 to index
        %swap3A_357 = arith.constant 112 : index
        %swap3A_358 = tpu.vector_load %arg16[%swap3A_356, %swap3A_357] {strides = array<i32>} : memref<20x128xf32, #tpu.memory_space<vmem>>, vector<1x16xf32>,
        %swap3A_359 = vector.shape_cast %swap3A_358 : vector<1x16xf32> to vector<16xf32>
        %swap3A_360 = vector.shape_cast %max3A_355 : vector<16xf32> to vector<1x16xf32>
        tpu.vector_store %arg16[%swap3A_356, %swap3A_357], %swap3A_360 {strides = array<i32>} : memref<20x128xf32, #tpu.memory_space<vmem>>, vector<1x16xf32>,
      }
      %scan3A_111 = arith.constant 20 : i32
      %mul3A_112 = arith.constant 2500 : i32
      %mul3A_113 = arith.muli %add3A, %mul3A_112 : i32
      %mul3A_114 = arith.constant 20 : i32
      %mul3A_115 = arith.muli %mul3A_81, %mul3A_114 : i32
      %add3A_116 = arith.addi %mul3A_113, %mul3A_115 : i32
      %dma_start3A_117 = arith.constant 0 : i32
      %dma_start3A_118 = tpu.memref_slice %arg6[%add3A_116, %dma_start3A_117] : memref<80000x128xf32, #tpu.memory_space<hbm>> -> memref<20x128xf32, #tpu.memory_space<hbm>>
      %dma_start3A_119 = arith.constant 0 : i32
      %dma_start3A_120 = tpu.memref_slice %arg6[%add3A_116, %dma_start3A_119] : memref<80000x128xf32, #tpu.memory_space<hbm>> -> memref<20x128xf32, #tpu.memory_space<hbm>>
      tpu.enqueue_dma source(%arg16 : memref<20x128xf32, #tpu.memory_space<vmem>>) target(%dma_start3A_120 : memref<20x128xf32, #tpu.memory_space<hbm>>) target_semaphore(%arg24 : memref<!tpu.dma_semaphore, #tpu.memory_space<semaphore_mem>>)
      "tpu.region"() ({
        %run_scoped3A = tpu.sem_alloc : memref<!tpu.dma_semaphore, #tpu.memory_space<semaphore_mem>>
        %dma_start3A_155 = arith.constant 0 : i32
        %dma_start3A_156 = arith.constant 0 : i32
        %dma_start3A_157 = tpu.memref_slice %arg21[%dma_start3A_155, %dma_start3A_156] : memref<10000x16xf32, #tpu.memory_space<vmem_shared>> -> memref<10000x16xf32, #tpu.memory_space<vmem_shared>>
        tpu.enqueue_indirect_dma source(%arg19 : memref<80x16xf32, #tpu.memory_space<vmem>>) target(%dma_start3A_157 : memref<10000x16xf32, #tpu.memory_space<vmem_shared>>) offsets(%arg10 : memref<80xi32, #tpu.memory_space<vmem>>) semaphore(%run_scoped3A : memref<!tpu.dma_semaphore, #tpu.memory_space<semaphore_mem>>) {add = true}
        %dma_wait3A_158 = arith.constant 0 : i32
        %dma_wait3A_159 = arith.constant 0 : i32
        %dma_wait3A_160 = tpu.memref_slice %arg21[%dma_wait3A_158, %dma_wait3A_159] : memref<10000x16xf32, #tpu.memory_space<vmem_shared>> -> memref<10000x16xf32, #tpu.memory_space<vmem_shared>>
        tpu.wait_indirect_dma semaphore(%run_scoped3A : memref<!tpu.dma_semaphore, #tpu.memory_space<semaphore_mem>>) src(%arg19 : memref<80x16xf32, #tpu.memory_space<vmem>>) dst(%dma_wait3A_160 : memref<10000x16xf32, #tpu.memory_space<vmem_shared>>)
        tpu.yield
      }) : () -> ()
      %add3A_121 = arith.constant 2 : i32
      %add3A_122 = arith.addi %mul3A_81, %add3A_121 : i32
      %lt3A = arith.constant 125 : i32
      %lt3A_123 = arith.cmpi slt, %add3A_122, %lt3A : i32
      %convert_element_type3A_124 = arith.extui %lt3A_123 : i1 to i32
      %cond3A_125 = arith.constant 0 : i32
      %cond3A_126 = arith.cmpi ne, %convert_element_type3A_124, %cond3A_125 : i32
      scf.if %cond3A_126 {
        %add3A_155 = arith.constant 2 : i32
        %add3A_156 = arith.addi %mul3A_81, %add3A_155 : i32
        %mul3A_157 = arith.constant 10000 : i32
        %mul3A_158 = arith.muli %add3A, %mul3A_157 : i32
        %mul3A_159 = arith.constant 80 : i32
        %mul3A_160 = arith.muli %add3A_156, %mul3A_159 : i32
        %add3A_161 = arith.addi %mul3A_158, %mul3A_160 : i32
        "tpu.region"() ({
          %run_scoped3A = tpu.sem_alloc : memref<!tpu.dma_semaphore, #tpu.memory_space<semaphore_mem>>
          %dma_start3A_168 = tpu.memref_slice %arg3[%add3A_161] : memref<320000xi32, #tpu.memory_space<hbm>> -> memref<80xi32, #tpu.memory_space<hbm>>
          %dma_start3A_169 = tpu.memref_slice %arg3[%add3A_161] : memref<320000xi32, #tpu.memory_space<hbm>> -> memref<80xi32, #tpu.memory_space<hbm>>
          tpu.enqueue_dma source(%dma_start3A_169 : memref<80xi32, #tpu.memory_space<hbm>>) target(%arg8 : memref<80xi32, #tpu.memory_space<vmem>>) target_semaphore(%run_scoped3A : memref<!tpu.dma_semaphore, #tpu.memory_space<semaphore_mem>>)
          %dma_wait3A_170 = tpu.memref_slice %arg3[%add3A_161] : memref<320000xi32, #tpu.memory_space<hbm>> -> memref<80xi32, #tpu.memory_space<hbm>>
          %dma_wait3A_171 = tpu.memref_slice %arg3[%add3A_161] : memref<320000xi32, #tpu.memory_space<hbm>> -> memref<80xi32, #tpu.memory_space<hbm>>
          tpu.wait_dma2 semaphore(%run_scoped3A : memref<!tpu.dma_semaphore, #tpu.memory_space<semaphore_mem>>) src(%dma_wait3A_171 : memref<80xi32, #tpu.memory_space<hbm>>) dst(%arg8 : memref<80xi32, #tpu.memory_space<vmem>>)
          tpu.yield
        }) : () -> ()
        "tpu.region"() ({
          %run_scoped3A = tpu.sem_alloc : memref<!tpu.dma_semaphore, #tpu.memory_space<semaphore_mem>>
          %dma_start3A_168 = tpu.memref_slice %arg4[%add3A_161] : memref<320000xi32, #tpu.memory_space<hbm>> -> memref<80xi32, #tpu.memory_space<hbm>>
          %dma_start3A_169 = tpu.memref_slice %arg4[%add3A_161] : memref<320000xi32, #tpu.memory_space<hbm>> -> memref<80xi32, #tpu.memory_space<hbm>>
          tpu.enqueue_dma source(%dma_start3A_169 : memref<80xi32, #tpu.memory_space<hbm>>) target(%arg10 : memref<80xi32, #tpu.memory_space<vmem>>) target_semaphore(%run_scoped3A : memref<!tpu.dma_semaphore, #tpu.memory_space<semaphore_mem>>)
          %dma_wait3A_170 = tpu.memref_slice %arg4[%add3A_161] : memref<320000xi32, #tpu.memory_space<hbm>> -> memref<80xi32, #tpu.memory_space<hbm>>
          %dma_wait3A_171 = tpu.memref_slice %arg4[%add3A_161] : memref<320000xi32, #tpu.memory_space<hbm>> -> memref<80xi32, #tpu.memory_space<hbm>>
          tpu.wait_dma2 semaphore(%run_scoped3A : memref<!tpu.dma_semaphore, #tpu.memory_space<semaphore_mem>>) src(%dma_wait3A_171 : memref<80xi32, #tpu.memory_space<hbm>>) dst(%arg10 : memref<80xi32, #tpu.memory_space<vmem>>)
          tpu.yield
        }) : () -> ()
        %dma_start3A_162 = arith.constant 0 : i32
        %dma_start3A_163 = arith.constant 0 : i32
        %dma_start3A_164 = tpu.memref_slice %arg2[%dma_start3A_162, %dma_start3A_163] : memref<10000x32xf32, #tpu.memory_space<hbm>> -> memref<10000x32xf32, #tpu.memory_space<hbm>>
        tpu.enqueue_indirect_dma source(%dma_start3A_164 : memref<10000x32xf32, #tpu.memory_space<hbm>>) target(%arg12 : memref<80x32xf32, #tpu.memory_space<vmem>>) offsets(%arg8 : memref<80xi32, #tpu.memory_space<vmem>>) semaphore(%arg22 : memref<!tpu.dma_semaphore, #tpu.memory_space<semaphore_mem>>)
        %dma_start3A_165 = arith.constant 0 : i32
        %dma_start3A_166 = arith.constant 0 : i32
        %dma_start3A_167 = tpu.memref_slice %arg2[%dma_start3A_165, %dma_start3A_166] : memref<10000x32xf32, #tpu.memory_space<hbm>> -> memref<10000x32xf32, #tpu.memory_space<hbm>>
        tpu.enqueue_indirect_dma source(%dma_start3A_167 : memref<10000x32xf32, #tpu.memory_space<hbm>>) target(%arg14 : memref<80x32xf32, #tpu.memory_space<vmem>>) offsets(%arg10 : memref<80xi32, #tpu.memory_space<vmem>>) semaphore(%arg22 : memref<!tpu.dma_semaphore, #tpu.memory_space<semaphore_mem>>)
      } else {
      }
      %add3A_127 = arith.constant 1 : i32
      %add3A_128 = arith.addi %mul3A_81, %add3A_127 : i32
      %dma_wait3A_129 = arith.constant 0 : i32
      %dma_wait3A_130 = arith.constant 0 : i32
      %dma_wait3A_131 = tpu.memref_slice %arg2[%dma_wait3A_129, %dma_wait3A_130] : memref<10000x32xf32, #tpu.memory_space<hbm>> -> memref<10000x32xf32, #tpu.memory_space<hbm>>
      tpu.wait_indirect_dma semaphore(%arg23 : memref<!tpu.dma_semaphore, #tpu.memory_space<semaphore_mem>>) src(%dma_wait3A_131 : memref<10000x32xf32, #tpu.memory_space<hbm>>) dst(%arg13 : memref<80x32xf32, #tpu.memory_space<vmem>>)
      %dma_wait3A_132 = arith.constant 0 : i32
      %dma_wait3A_133 = arith.constant 0 : i32
      %dma_wait3A_134 = tpu.memref_slice %arg2[%dma_wait3A_132, %dma_wait3A_133] : memref<10000x32xf32, #tpu.memory_space<hbm>> -> memref<10000x32xf32, #tpu.memory_space<hbm>>
      tpu.wait_indirect_dma semaphore(%arg23 : memref<!tpu.dma_semaphore, #tpu.memory_space<semaphore_mem>>) src(%dma_wait3A_134 : memref<10000x32xf32, #tpu.memory_space<hbm>>) dst(%arg15 : memref<80x32xf32, #tpu.memory_space<vmem>>)
      %ge3A_135 = arith.constant 2 : i32
      %ge3A_136 = arith.cmpi sge, %add3A_128, %ge3A_135 : i32
      %convert_element_type3A_137 = arith.extui %ge3A_136 : i1 to i32
      %cond3A_138 = arith.constant 0 : i32
      %cond3A_139 = arith.cmpi ne, %convert_element_type3A_137, %cond3A_138 : i32
      scf.if %cond3A_139 {
        %sub3A = arith.constant 2 : i32
        %sub3A_155 = arith.subi %add3A_128, %sub3A : i32
        %mul3A_156 = arith.constant 2500 : i32
        %mul3A_157 = arith.muli %add3A, %mul3A_156 : i32
        %mul3A_158 = arith.constant 20 : i32
        %mul3A_159 = arith.muli %sub3A_155, %mul3A_158 : i32
        %add3A_160 = arith.addi %mul3A_157, %mul3A_159 : i32
        %dma_wait3A_161 = arith.constant 0 : i32
        %dma_wait3A_162 = tpu.memref_slice %arg6[%add3A_160, %dma_wait3A_161] : memref<80000x128xf32, #tpu.memory_space<hbm>> -> memref<20x128xf32, #tpu.memory_space<hbm>>
        %dma_wait3A_163 = arith.constant 0 : i32
        %dma_wait3A_164 = tpu.memref_slice %arg6[%add3A_160, %dma_wait3A_163] : memref<80000x128xf32, #tpu.memory_space<hbm>> -> memref<20x128xf32, #tpu.memory_space<hbm>>
        tpu.wait_dma2 semaphore(%arg25 : memref<!tpu.dma_semaphore, #tpu.memory_space<semaphore_mem>>) src(%arg17 : memref<20x128xf32, #tpu.memory_space<vmem>>) dst(%dma_wait3A_164 : memref<20x128xf32, #tpu.memory_space<hbm>>)
      } else {
      }
      %scan3A_140 = arith.constant 0 : i32
      %scan3A_141 = arith.constant 0 : i32
      %scan3A_142 = arith.constant 20 : i32
      %scan3A_143 = arith.addi %scan3A_141, %scan3A_142 : i32
      %scan3A_144 = arith.constant 1 : i32
      scf.for %scan3A_155 = %scan3A_141 to %scan3A_143 step %scan3A_144  : i32 {
        %mul3A_156 = arith.constant 4 : i32
        %mul3A_157 = arith.muli %mul3A_156, %scan3A_155 : i32
        %add3A_158 = arith.constant 0 : i32
        %add3A_159 = arith.addi %mul3A_157, %add3A_158 : i32
        %get3A_160 = arith.index_cast %add3A_159 : i32 to index
        %get3A_161 = arith.constant 0 : index
        %get3A_162 = tpu.vector_load %arg13[%get3A_160, %get3A_161] {strides = array<i32>} : memref<80x32xf32, #tpu.memory_space<vmem>>, vector<1x16xf32>,
        %get3A_163 = vector.shape_cast %get3A_162 : vector<1x16xf32> to vector<16xf32>
        %mul3A_164 = arith.constant 4 : i32
        %mul3A_165 = arith.muli %mul3A_164, %scan3A_155 : i32
        %add3A_166 = arith.constant 0 : i32
        %add3A_167 = arith.addi %mul3A_165, %add3A_166 : i32
        %get3A_168 = arith.index_cast %add3A_167 : i32 to index
        %get3A_169 = arith.constant 0 : index
        %get3A_170 = tpu.vector_load %arg15[%get3A_168, %get3A_169] {strides = array<i32>} : memref<80x32xf32, #tpu.memory_space<vmem>>, vector<1x16xf32>,
        %get3A_171 = vector.shape_cast %get3A_170 : vector<1x16xf32> to vector<16xf32>
        %sub3A = arith.subf %get3A_163, %get3A_171 : vector<16xf32>
        %add3A_172 = arith.addf %sub3A, %get3A_16 : vector<16xf32>
        %max3A = arith.constant 0.000000e+00 : f32
        %max3A_173 = vector.broadcast %max3A : f32 to vector<16xf32>
        %max3A_174 = arith.maximumf %add3A_172, %max3A_173 : vector<16xf32>
        %swap3A = arith.index_cast %scan3A_155 : i32 to index
        %swap3A_175 = arith.constant 0 : index
        %swap3A_176 = tpu.vector_load %arg17[%swap3A, %swap3A_175] {strides = array<i32>} : memref<20x128xf32, #tpu.memory_space<vmem>>, vector<1x16xf32>,
        %swap3A_177 = vector.shape_cast %swap3A_176 : vector<1x16xf32> to vector<16xf32>
        %swap3A_178 = vector.shape_cast %max3A_174 : vector<16xf32> to vector<1x16xf32>
        tpu.vector_store %arg17[%swap3A, %swap3A_175], %swap3A_178 {strides = array<i32>} : memref<20x128xf32, #tpu.memory_space<vmem>>, vector<1x16xf32>,
        %mul3A_179 = arith.constant 4 : i32
        %mul3A_180 = arith.muli %mul3A_179, %scan3A_155 : i32
        %add3A_181 = arith.constant 0 : i32
        %add3A_182 = arith.addi %mul3A_180, %add3A_181 : i32
        %get3A_183 = arith.index_cast %add3A_182 : i32 to index
        %get3A_184 = arith.constant 16 : index
        %get3A_185 = tpu.vector_load %arg13[%get3A_183, %get3A_184] {strides = array<i32>} : memref<80x32xf32, #tpu.memory_space<vmem>>, vector<1x16xf32>,
        %get3A_186 = vector.shape_cast %get3A_185 : vector<1x16xf32> to vector<16xf32>
        %mul3A_187 = arith.constant 4 : i32
        %mul3A_188 = arith.muli %mul3A_187, %scan3A_155 : i32
        %add3A_189 = arith.constant 0 : i32
        %add3A_190 = arith.addi %mul3A_188, %add3A_189 : i32
        %get3A_191 = arith.index_cast %add3A_190 : i32 to index
        %get3A_192 = arith.constant 16 : index
        %get3A_193 = tpu.vector_load %arg15[%get3A_191, %get3A_192] {strides = array<i32>} : memref<80x32xf32, #tpu.memory_space<vmem>>, vector<1x16xf32>,
        %get3A_194 = vector.shape_cast %get3A_193 : vector<1x16xf32> to vector<16xf32>
        %sub3A_195 = arith.subf %get3A_186, %get3A_194 : vector<16xf32>
        %add3A_196 = arith.addf %sub3A_195, %get3A_19 : vector<16xf32>
        %max3A_197 = arith.constant 0.000000e+00 : f32
        %max3A_198 = vector.broadcast %max3A_197 : f32 to vector<16xf32>
        %max3A_199 = arith.maximumf %add3A_196, %max3A_198 : vector<16xf32>
        %swap3A_200 = arith.index_cast %scan3A_155 : i32 to index
        %swap3A_201 = arith.constant 16 : index
        %swap3A_202 = tpu.vector_load %arg17[%swap3A_200, %swap3A_201] {strides = array<i32>} : memref<20x128xf32, #tpu.memory_space<vmem>>, vector<1x16xf32>,
        %swap3A_203 = vector.shape_cast %swap3A_202 : vector<1x16xf32> to vector<16xf32>
        %swap3A_204 = vector.shape_cast %max3A_199 : vector<16xf32> to vector<1x16xf32>
        tpu.vector_store %arg17[%swap3A_200, %swap3A_201], %swap3A_204 {strides = array<i32>} : memref<20x128xf32, #tpu.memory_space<vmem>>, vector<1x16xf32>,
        %mul3A_205 = arith.constant 4 : i32
        %mul3A_206 = arith.muli %mul3A_205, %scan3A_155 : i32
        %add3A_207 = arith.constant 1 : i32
        %add3A_208 = arith.addi %mul3A_206, %add3A_207 : i32
        %get3A_209 = arith.index_cast %add3A_208 : i32 to index
        %get3A_210 = arith.constant 0 : index
        %get3A_211 = tpu.vector_load %arg13[%get3A_209, %get3A_210] {strides = array<i32>} : memref<80x32xf32, #tpu.memory_space<vmem>>, vector<1x16xf32>,
        %get3A_212 = vector.shape_cast %get3A_211 : vector<1x16xf32> to vector<16xf32>
        %mul3A_213 = arith.constant 4 : i32
        %mul3A_214 = arith.muli %mul3A_213, %scan3A_155 : i32
        %add3A_215 = arith.constant 1 : i32
        %add3A_216 = arith.addi %mul3A_214, %add3A_215 : i32
        %get3A_217 = arith.index_cast %add3A_216 : i32 to index
        %get3A_218 = arith.constant 0 : index
        %get3A_219 = tpu.vector_load %arg15[%get3A_217, %get3A_218] {strides = array<i32>} : memref<80x32xf32, #tpu.memory_space<vmem>>, vector<1x16xf32>,
        %get3A_220 = vector.shape_cast %get3A_219 : vector<1x16xf32> to vector<16xf32>
        %sub3A_221 = arith.subf %get3A_212, %get3A_220 : vector<16xf32>
        %add3A_222 = arith.addf %sub3A_221, %get3A_16 : vector<16xf32>
        %max3A_223 = arith.constant 0.000000e+00 : f32
        %max3A_224 = vector.broadcast %max3A_223 : f32 to vector<16xf32>
        %max3A_225 = arith.maximumf %add3A_222, %max3A_224 : vector<16xf32>
        %swap3A_226 = arith.index_cast %scan3A_155 : i32 to index
        %swap3A_227 = arith.constant 32 : index
        %swap3A_228 = tpu.vector_load %arg17[%swap3A_226, %swap3A_227] {strides = array<i32>} : memref<20x128xf32, #tpu.memory_space<vmem>>, vector<1x16xf32>,
        %swap3A_229 = vector.shape_cast %swap3A_228 : vector<1x16xf32> to vector<16xf32>
        %swap3A_230 = vector.shape_cast %max3A_225 : vector<16xf32> to vector<1x16xf32>
        tpu.vector_store %arg17[%swap3A_226, %swap3A_227], %swap3A_230 {strides = array<i32>} : memref<20x128xf32, #tpu.memory_space<vmem>>, vector<1x16xf32>,
        %mul3A_231 = arith.constant 4 : i32
        %mul3A_232 = arith.muli %mul3A_231, %scan3A_155 : i32
        %add3A_233 = arith.constant 1 : i32
        %add3A_234 = arith.addi %mul3A_232, %add3A_233 : i32
        %get3A_235 = arith.index_cast %add3A_234 : i32 to index
        %get3A_236 = arith.constant 16 : index
        %get3A_237 = tpu.vector_load %arg13[%get3A_235, %get3A_236] {strides = array<i32>} : memref<80x32xf32, #tpu.memory_space<vmem>>, vector<1x16xf32>,
        %get3A_238 = vector.shape_cast %get3A_237 : vector<1x16xf32> to vector<16xf32>
        %mul3A_239 = arith.constant 4 : i32
        %mul3A_240 = arith.muli %mul3A_239, %scan3A_155 : i32
        %add3A_241 = arith.constant 1 : i32
        %add3A_242 = arith.addi %mul3A_240, %add3A_241 : i32
        %get3A_243 = arith.index_cast %add3A_242 : i32 to index
        %get3A_244 = arith.constant 16 : index
        %get3A_245 = tpu.vector_load %arg15[%get3A_243, %get3A_244] {strides = array<i32>} : memref<80x32xf32, #tpu.memory_space<vmem>>, vector<1x16xf32>,
        %get3A_246 = vector.shape_cast %get3A_245 : vector<1x16xf32> to vector<16xf32>
        %sub3A_247 = arith.subf %get3A_238, %get3A_246 : vector<16xf32>
        %add3A_248 = arith.addf %sub3A_247, %get3A_19 : vector<16xf32>
        %max3A_249 = arith.constant 0.000000e+00 : f32
        %max3A_250 = vector.broadcast %max3A_249 : f32 to vector<16xf32>
        %max3A_251 = arith.maximumf %add3A_248, %max3A_250 : vector<16xf32>
        %swap3A_252 = arith.index_cast %scan3A_155 : i32 to index
        %swap3A_253 = arith.constant 48 : index
        %swap3A_254 = tpu.vector_load %arg17[%swap3A_252, %swap3A_253] {strides = array<i32>} : memref<20x128xf32, #tpu.memory_space<vmem>>, vector<1x16xf32>,
        %swap3A_255 = vector.shape_cast %swap3A_254 : vector<1x16xf32> to vector<16xf32>
        %swap3A_256 = vector.shape_cast %max3A_251 : vector<16xf32> to vector<1x16xf32>
        tpu.vector_store %arg17[%swap3A_252, %swap3A_253], %swap3A_256 {strides = array<i32>} : memref<20x128xf32, #tpu.memory_space<vmem>>, vector<1x16xf32>,
        %mul3A_257 = arith.constant 4 : i32
        %mul3A_258 = arith.muli %mul3A_257, %scan3A_155 : i32
        %add3A_259 = arith.constant 2 : i32
        %add3A_260 = arith.addi %mul3A_258, %add3A_259 : i32
        %get3A_261 = arith.index_cast %add3A_260 : i32 to index
        %get3A_262 = arith.constant 0 : index
        %get3A_263 = tpu.vector_load %arg13[%get3A_261, %get3A_262] {strides = array<i32>} : memref<80x32xf32, #tpu.memory_space<vmem>>, vector<1x16xf32>,
        %get3A_264 = vector.shape_cast %get3A_263 : vector<1x16xf32> to vector<16xf32>
        %mul3A_265 = arith.constant 4 : i32
        %mul3A_266 = arith.muli %mul3A_265, %scan3A_155 : i32
        %add3A_267 = arith.constant 2 : i32
        %add3A_268 = arith.addi %mul3A_266, %add3A_267 : i32
        %get3A_269 = arith.index_cast %add3A_268 : i32 to index
        %get3A_270 = arith.constant 0 : index
        %get3A_271 = tpu.vector_load %arg15[%get3A_269, %get3A_270] {strides = array<i32>} : memref<80x32xf32, #tpu.memory_space<vmem>>, vector<1x16xf32>,
        %get3A_272 = vector.shape_cast %get3A_271 : vector<1x16xf32> to vector<16xf32>
        %sub3A_273 = arith.subf %get3A_264, %get3A_272 : vector<16xf32>
        %add3A_274 = arith.addf %sub3A_273, %get3A_16 : vector<16xf32>
        %max3A_275 = arith.constant 0.000000e+00 : f32
        %max3A_276 = vector.broadcast %max3A_275 : f32 to vector<16xf32>
        %max3A_277 = arith.maximumf %add3A_274, %max3A_276 : vector<16xf32>
        %swap3A_278 = arith.index_cast %scan3A_155 : i32 to index
        %swap3A_279 = arith.constant 64 : index
        %swap3A_280 = tpu.vector_load %arg17[%swap3A_278, %swap3A_279] {strides = array<i32>} : memref<20x128xf32, #tpu.memory_space<vmem>>, vector<1x16xf32>,
        %swap3A_281 = vector.shape_cast %swap3A_280 : vector<1x16xf32> to vector<16xf32>
        %swap3A_282 = vector.shape_cast %max3A_277 : vector<16xf32> to vector<1x16xf32>
        tpu.vector_store %arg17[%swap3A_278, %swap3A_279], %swap3A_282 {strides = array<i32>} : memref<20x128xf32, #tpu.memory_space<vmem>>, vector<1x16xf32>,
        %mul3A_283 = arith.constant 4 : i32
        %mul3A_284 = arith.muli %mul3A_283, %scan3A_155 : i32
        %add3A_285 = arith.constant 2 : i32
        %add3A_286 = arith.addi %mul3A_284, %add3A_285 : i32
        %get3A_287 = arith.index_cast %add3A_286 : i32 to index
        %get3A_288 = arith.constant 16 : index
        %get3A_289 = tpu.vector_load %arg13[%get3A_287, %get3A_288] {strides = array<i32>} : memref<80x32xf32, #tpu.memory_space<vmem>>, vector<1x16xf32>,
        %get3A_290 = vector.shape_cast %get3A_289 : vector<1x16xf32> to vector<16xf32>
        %mul3A_291 = arith.constant 4 : i32
        %mul3A_292 = arith.muli %mul3A_291, %scan3A_155 : i32
        %add3A_293 = arith.constant 2 : i32
        %add3A_294 = arith.addi %mul3A_292, %add3A_293 : i32
        %get3A_295 = arith.index_cast %add3A_294 : i32 to index
        %get3A_296 = arith.constant 16 : index
        %get3A_297 = tpu.vector_load %arg15[%get3A_295, %get3A_296] {strides = array<i32>} : memref<80x32xf32, #tpu.memory_space<vmem>>, vector<1x16xf32>,
        %get3A_298 = vector.shape_cast %get3A_297 : vector<1x16xf32> to vector<16xf32>
        %sub3A_299 = arith.subf %get3A_290, %get3A_298 : vector<16xf32>
        %add3A_300 = arith.addf %sub3A_299, %get3A_19 : vector<16xf32>
        %max3A_301 = arith.constant 0.000000e+00 : f32
        %max3A_302 = vector.broadcast %max3A_301 : f32 to vector<16xf32>
        %max3A_303 = arith.maximumf %add3A_300, %max3A_302 : vector<16xf32>
        %swap3A_304 = arith.index_cast %scan3A_155 : i32 to index
        %swap3A_305 = arith.constant 80 : index
        %swap3A_306 = tpu.vector_load %arg17[%swap3A_304, %swap3A_305] {strides = array<i32>} : memref<20x128xf32, #tpu.memory_space<vmem>>, vector<1x16xf32>,
        %swap3A_307 = vector.shape_cast %swap3A_306 : vector<1x16xf32> to vector<16xf32>
        %swap3A_308 = vector.shape_cast %max3A_303 : vector<16xf32> to vector<1x16xf32>
        tpu.vector_store %arg17[%swap3A_304, %swap3A_305], %swap3A_308 {strides = array<i32>} : memref<20x128xf32, #tpu.memory_space<vmem>>, vector<1x16xf32>,
        %mul3A_309 = arith.constant 4 : i32
        %mul3A_310 = arith.muli %mul3A_309, %scan3A_155 : i32
        %add3A_311 = arith.constant 3 : i32
        %add3A_312 = arith.addi %mul3A_310, %add3A_311 : i32
        %get3A_313 = arith.index_cast %add3A_312 : i32 to index
        %get3A_314 = arith.constant 0 : index
        %get3A_315 = tpu.vector_load %arg13[%get3A_313, %get3A_314] {strides = array<i32>} : memref<80x32xf32, #tpu.memory_space<vmem>>, vector<1x16xf32>,
        %get3A_316 = vector.shape_cast %get3A_315 : vector<1x16xf32> to vector<16xf32>
        %mul3A_317 = arith.constant 4 : i32
        %mul3A_318 = arith.muli %mul3A_317, %scan3A_155 : i32
        %add3A_319 = arith.constant 3 : i32
        %add3A_320 = arith.addi %mul3A_318, %add3A_319 : i32
        %get3A_321 = arith.index_cast %add3A_320 : i32 to index
        %get3A_322 = arith.constant 0 : index
        %get3A_323 = tpu.vector_load %arg15[%get3A_321, %get3A_322] {strides = array<i32>} : memref<80x32xf32, #tpu.memory_space<vmem>>, vector<1x16xf32>,
        %get3A_324 = vector.shape_cast %get3A_323 : vector<1x16xf32> to vector<16xf32>
        %sub3A_325 = arith.subf %get3A_316, %get3A_324 : vector<16xf32>
        %add3A_326 = arith.addf %sub3A_325, %get3A_16 : vector<16xf32>
        %max3A_327 = arith.constant 0.000000e+00 : f32
        %max3A_328 = vector.broadcast %max3A_327 : f32 to vector<16xf32>
        %max3A_329 = arith.maximumf %add3A_326, %max3A_328 : vector<16xf32>
        %swap3A_330 = arith.index_cast %scan3A_155 : i32 to index
        %swap3A_331 = arith.constant 96 : index
        %swap3A_332 = tpu.vector_load %arg17[%swap3A_330, %swap3A_331] {strides = array<i32>} : memref<20x128xf32, #tpu.memory_space<vmem>>, vector<1x16xf32>,
        %swap3A_333 = vector.shape_cast %swap3A_332 : vector<1x16xf32> to vector<16xf32>
        %swap3A_334 = vector.shape_cast %max3A_329 : vector<16xf32> to vector<1x16xf32>
        tpu.vector_store %arg17[%swap3A_330, %swap3A_331], %swap3A_334 {strides = array<i32>} : memref<20x128xf32, #tpu.memory_space<vmem>>, vector<1x16xf32>,
        %mul3A_335 = arith.constant 4 : i32
        %mul3A_336 = arith.muli %mul3A_335, %scan3A_155 : i32
        %add3A_337 = arith.constant 3 : i32
        %add3A_338 = arith.addi %mul3A_336, %add3A_337 : i32
        %get3A_339 = arith.index_cast %add3A_338 : i32 to index
        %get3A_340 = arith.constant 16 : index
        %get3A_341 = tpu.vector_load %arg13[%get3A_339, %get3A_340] {strides = array<i32>} : memref<80x32xf32, #tpu.memory_space<vmem>>, vector<1x16xf32>,
        %get3A_342 = vector.shape_cast %get3A_341 : vector<1x16xf32> to vector<16xf32>
        %mul3A_343 = arith.constant 4 : i32
        %mul3A_344 = arith.muli %mul3A_343, %scan3A_155 : i32
        %add3A_345 = arith.constant 3 : i32
        %add3A_346 = arith.addi %mul3A_344, %add3A_345 : i32
        %get3A_347 = arith.index_cast %add3A_346 : i32 to index
        %get3A_348 = arith.constant 16 : index
        %get3A_349 = tpu.vector_load %arg15[%get3A_347, %get3A_348] {strides = array<i32>} : memref<80x32xf32, #tpu.memory_space<vmem>>, vector<1x16xf32>,
        %get3A_350 = vector.shape_cast %get3A_349 : vector<1x16xf32> to vector<16xf32>
        %sub3A_351 = arith.subf %get3A_342, %get3A_350 : vector<16xf32>
        %add3A_352 = arith.addf %sub3A_351, %get3A_19 : vector<16xf32>
        %max3A_353 = arith.constant 0.000000e+00 : f32
        %max3A_354 = vector.broadcast %max3A_353 : f32 to vector<16xf32>
        %max3A_355 = arith.maximumf %add3A_352, %max3A_354 : vector<16xf32>
        %swap3A_356 = arith.index_cast %scan3A_155 : i32 to index
        %swap3A_357 = arith.constant 112 : index
        %swap3A_358 = tpu.vector_load %arg17[%swap3A_356, %swap3A_357] {strides = array<i32>} : memref<20x128xf32, #tpu.memory_space<vmem>>, vector<1x16xf32>,
        %swap3A_359 = vector.shape_cast %swap3A_358 : vector<1x16xf32> to vector<16xf32>
        %swap3A_360 = vector.shape_cast %max3A_355 : vector<16xf32> to vector<1x16xf32>
        tpu.vector_store %arg17[%swap3A_356, %swap3A_357], %swap3A_360 {strides = array<i32>} : memref<20x128xf32, #tpu.memory_space<vmem>>, vector<1x16xf32>,
      }
      %scan3A_145 = arith.constant 20 : i32
      %mul3A_146 = arith.constant 2500 : i32
      %mul3A_147 = arith.muli %add3A, %mul3A_146 : i32
      %mul3A_148 = arith.constant 20 : i32
      %mul3A_149 = arith.muli %add3A_128, %mul3A_148 : i32
      %add3A_150 = arith.addi %mul3A_147, %mul3A_149 : i32
      %dma_start3A_151 = arith.constant 0 : i32
      %dma_start3A_152 = tpu.memref_slice %arg6[%add3A_150, %dma_start3A_151] : memref<80000x128xf32, #tpu.memory_space<hbm>> -> memref<20x128xf32, #tpu.memory_space<hbm>>
      %dma_start3A_153 = arith.constant 0 : i32
      %dma_start3A_154 = tpu.memref_slice %arg6[%add3A_150, %dma_start3A_153] : memref<80000x128xf32, #tpu.memory_space<hbm>> -> memref<20x128xf32, #tpu.memory_space<hbm>>
      tpu.enqueue_dma source(%arg17 : memref<20x128xf32, #tpu.memory_space<vmem>>) target(%dma_start3A_154 : memref<20x128xf32, #tpu.memory_space<hbm>>) target_semaphore(%arg25 : memref<!tpu.dma_semaphore, #tpu.memory_space<semaphore_mem>>)
      "tpu.region"() ({
        %run_scoped3A = tpu.sem_alloc : memref<!tpu.dma_semaphore, #tpu.memory_space<semaphore_mem>>
        %dma_start3A_155 = arith.constant 0 : i32
        %dma_start3A_156 = arith.constant 0 : i32
        %dma_start3A_157 = tpu.memref_slice %arg21[%dma_start3A_155, %dma_start3A_156] : memref<10000x16xf32, #tpu.memory_space<vmem_shared>> -> memref<10000x16xf32, #tpu.memory_space<vmem_shared>>
        tpu.enqueue_indirect_dma source(%arg19 : memref<80x16xf32, #tpu.memory_space<vmem>>) target(%dma_start3A_157 : memref<10000x16xf32, #tpu.memory_space<vmem_shared>>) offsets(%arg11 : memref<80xi32, #tpu.memory_space<vmem>>) semaphore(%run_scoped3A : memref<!tpu.dma_semaphore, #tpu.memory_space<semaphore_mem>>) {add = true}
        %dma_wait3A_158 = arith.constant 0 : i32
        %dma_wait3A_159 = arith.constant 0 : i32
        %dma_wait3A_160 = tpu.memref_slice %arg21[%dma_wait3A_158, %dma_wait3A_159] : memref<10000x16xf32, #tpu.memory_space<vmem_shared>> -> memref<10000x16xf32, #tpu.memory_space<vmem_shared>>
        tpu.wait_indirect_dma semaphore(%run_scoped3A : memref<!tpu.dma_semaphore, #tpu.memory_space<semaphore_mem>>) src(%arg19 : memref<80x16xf32, #tpu.memory_space<vmem>>) dst(%dma_wait3A_160 : memref<10000x16xf32, #tpu.memory_space<vmem_shared>>)
        tpu.yield
      }) : () -> ()
    }
    %scan3A_34 = arith.constant 62 : i32
    %dma_wait3A = arith.constant 0 : i32
    %dma_wait3A_35 = arith.constant 0 : i32
    %dma_wait3A_36 = tpu.memref_slice %arg2[%dma_wait3A, %dma_wait3A_35] : memref<10000x32xf32, #tpu.memory_space<hbm>> -> memref<10000x32xf32, #tpu.memory_space<hbm>>
    tpu.wait_indirect_dma semaphore(%arg22 : memref<!tpu.dma_semaphore, #tpu.memory_space<semaphore_mem>>) src(%dma_wait3A_36 : memref<10000x32xf32, #tpu.memory_space<hbm>>) dst(%arg12 : memref<80x32xf32, #tpu.memory_space<vmem>>)
    %dma_wait3A_37 = arith.constant 0 : i32
    %dma_wait3A_38 = arith.constant 0 : i32
    %dma_wait3A_39 = tpu.memref_slice %arg2[%dma_wait3A_37, %dma_wait3A_38] : memref<10000x32xf32, #tpu.memory_space<hbm>> -> memref<10000x32xf32, #tpu.memory_space<hbm>>
    tpu.wait_indirect_dma semaphore(%arg22 : memref<!tpu.dma_semaphore, #tpu.memory_space<semaphore_mem>>) src(%dma_wait3A_39 : memref<10000x32xf32, #tpu.memory_space<hbm>>) dst(%arg14 : memref<80x32xf32, #tpu.memory_space<vmem>>)
    %ge3A = arith.constant 124 : i32
    %ge3A_40 = arith.constant 2 : i32
    %ge3A_41 = arith.cmpi sge, %ge3A, %ge3A_40 : i32
    %convert_element_type3A = arith.extui %ge3A_41 : i1 to i32
    %cond3A = arith.constant 124 : i32
    %cond3A_42 = arith.constant 0 : i32
    %cond3A_43 = arith.cmpi ne, %convert_element_type3A, %cond3A_42 : i32
    scf.if %cond3A_43 {
      %sub3A = arith.constant 2 : i32
      %sub3A_79 = arith.subi %cond3A, %sub3A : i32
      %mul3A_80 = arith.constant 2500 : i32
      %mul3A_81 = arith.muli %add3A, %mul3A_80 : i32
      %mul3A_82 = arith.constant 20 : i32
      %mul3A_83 = arith.muli %sub3A_79, %mul3A_82 : i32
      %add3A_84 = arith.addi %mul3A_81, %mul3A_83 : i32
      %dma_wait3A_85 = arith.constant 0 : i32
      %dma_wait3A_86 = tpu.memref_slice %arg6[%add3A_84, %dma_wait3A_85] : memref<80000x128xf32, #tpu.memory_space<hbm>> -> memref<20x128xf32, #tpu.memory_space<hbm>>
      %dma_wait3A_87 = arith.constant 0 : i32
      %dma_wait3A_88 = tpu.memref_slice %arg6[%add3A_84, %dma_wait3A_87] : memref<80000x128xf32, #tpu.memory_space<hbm>> -> memref<20x128xf32, #tpu.memory_space<hbm>>
      tpu.wait_dma2 semaphore(%arg24 : memref<!tpu.dma_semaphore, #tpu.memory_space<semaphore_mem>>) src(%arg16 : memref<20x128xf32, #tpu.memory_space<vmem>>) dst(%dma_wait3A_88 : memref<20x128xf32, #tpu.memory_space<hbm>>)
    } else {
    }
    %scan3A_44 = arith.constant 0 : i32
    %scan3A_45 = arith.constant 0 : i32
    %scan3A_46 = arith.constant 20 : i32
    %scan3A_47 = arith.addi %scan3A_45, %scan3A_46 : i32
    %scan3A_48 = arith.constant 1 : i32
    scf.for %scan3A_79 = %scan3A_45 to %scan3A_47 step %scan3A_48  : i32 {
      %mul3A_80 = arith.constant 4 : i32
      %mul3A_81 = arith.muli %mul3A_80, %scan3A_79 : i32
      %add3A_82 = arith.constant 0 : i32
      %add3A_83 = arith.addi %mul3A_81, %add3A_82 : i32
      %get3A_84 = arith.index_cast %add3A_83 : i32 to index
      %get3A_85 = arith.constant 0 : index
      %get3A_86 = tpu.vector_load %arg12[%get3A_84, %get3A_85] {strides = array<i32>} : memref<80x32xf32, #tpu.memory_space<vmem>>, vector<1x16xf32>,
      %get3A_87 = vector.shape_cast %get3A_86 : vector<1x16xf32> to vector<16xf32>
      %mul3A_88 = arith.constant 4 : i32
      %mul3A_89 = arith.muli %mul3A_88, %scan3A_79 : i32
      %add3A_90 = arith.constant 0 : i32
      %add3A_91 = arith.addi %mul3A_89, %add3A_90 : i32
      %get3A_92 = arith.index_cast %add3A_91 : i32 to index
      %get3A_93 = arith.constant 0 : index
      %get3A_94 = tpu.vector_load %arg14[%get3A_92, %get3A_93] {strides = array<i32>} : memref<80x32xf32, #tpu.memory_space<vmem>>, vector<1x16xf32>,
      %get3A_95 = vector.shape_cast %get3A_94 : vector<1x16xf32> to vector<16xf32>
      %sub3A = arith.subf %get3A_87, %get3A_95 : vector<16xf32>
      %add3A_96 = arith.addf %sub3A, %get3A_16 : vector<16xf32>
      %max3A = arith.constant 0.000000e+00 : f32
      %max3A_97 = vector.broadcast %max3A : f32 to vector<16xf32>
      %max3A_98 = arith.maximumf %add3A_96, %max3A_97 : vector<16xf32>
      %swap3A = arith.index_cast %scan3A_79 : i32 to index
      %swap3A_99 = arith.constant 0 : index
      %swap3A_100 = tpu.vector_load %arg16[%swap3A, %swap3A_99] {strides = array<i32>} : memref<20x128xf32, #tpu.memory_space<vmem>>, vector<1x16xf32>,
      %swap3A_101 = vector.shape_cast %swap3A_100 : vector<1x16xf32> to vector<16xf32>
      %swap3A_102 = vector.shape_cast %max3A_98 : vector<16xf32> to vector<1x16xf32>
      tpu.vector_store %arg16[%swap3A, %swap3A_99], %swap3A_102 {strides = array<i32>} : memref<20x128xf32, #tpu.memory_space<vmem>>, vector<1x16xf32>,
      %mul3A_103 = arith.constant 4 : i32
      %mul3A_104 = arith.muli %mul3A_103, %scan3A_79 : i32
      %add3A_105 = arith.constant 0 : i32
      %add3A_106 = arith.addi %mul3A_104, %add3A_105 : i32
      %get3A_107 = arith.index_cast %add3A_106 : i32 to index
      %get3A_108 = arith.constant 16 : index
      %get3A_109 = tpu.vector_load %arg12[%get3A_107, %get3A_108] {strides = array<i32>} : memref<80x32xf32, #tpu.memory_space<vmem>>, vector<1x16xf32>,
      %get3A_110 = vector.shape_cast %get3A_109 : vector<1x16xf32> to vector<16xf32>
      %mul3A_111 = arith.constant 4 : i32
      %mul3A_112 = arith.muli %mul3A_111, %scan3A_79 : i32
      %add3A_113 = arith.constant 0 : i32
      %add3A_114 = arith.addi %mul3A_112, %add3A_113 : i32
      %get3A_115 = arith.index_cast %add3A_114 : i32 to index
      %get3A_116 = arith.constant 16 : index
      %get3A_117 = tpu.vector_load %arg14[%get3A_115, %get3A_116] {strides = array<i32>} : memref<80x32xf32, #tpu.memory_space<vmem>>, vector<1x16xf32>,
      %get3A_118 = vector.shape_cast %get3A_117 : vector<1x16xf32> to vector<16xf32>
      %sub3A_119 = arith.subf %get3A_110, %get3A_118 : vector<16xf32>
      %add3A_120 = arith.addf %sub3A_119, %get3A_19 : vector<16xf32>
      %max3A_121 = arith.constant 0.000000e+00 : f32
      %max3A_122 = vector.broadcast %max3A_121 : f32 to vector<16xf32>
      %max3A_123 = arith.maximumf %add3A_120, %max3A_122 : vector<16xf32>
      %swap3A_124 = arith.index_cast %scan3A_79 : i32 to index
      %swap3A_125 = arith.constant 16 : index
      %swap3A_126 = tpu.vector_load %arg16[%swap3A_124, %swap3A_125] {strides = array<i32>} : memref<20x128xf32, #tpu.memory_space<vmem>>, vector<1x16xf32>,
      %swap3A_127 = vector.shape_cast %swap3A_126 : vector<1x16xf32> to vector<16xf32>
      %swap3A_128 = vector.shape_cast %max3A_123 : vector<16xf32> to vector<1x16xf32>
      tpu.vector_store %arg16[%swap3A_124, %swap3A_125], %swap3A_128 {strides = array<i32>} : memref<20x128xf32, #tpu.memory_space<vmem>>, vector<1x16xf32>,
      %mul3A_129 = arith.constant 4 : i32
      %mul3A_130 = arith.muli %mul3A_129, %scan3A_79 : i32
      %add3A_131 = arith.constant 1 : i32
      %add3A_132 = arith.addi %mul3A_130, %add3A_131 : i32
      %get3A_133 = arith.index_cast %add3A_132 : i32 to index
      %get3A_134 = arith.constant 0 : index
      %get3A_135 = tpu.vector_load %arg12[%get3A_133, %get3A_134] {strides = array<i32>} : memref<80x32xf32, #tpu.memory_space<vmem>>, vector<1x16xf32>,
      %get3A_136 = vector.shape_cast %get3A_135 : vector<1x16xf32> to vector<16xf32>
      %mul3A_137 = arith.constant 4 : i32
      %mul3A_138 = arith.muli %mul3A_137, %scan3A_79 : i32
      %add3A_139 = arith.constant 1 : i32
      %add3A_140 = arith.addi %mul3A_138, %add3A_139 : i32
      %get3A_141 = arith.index_cast %add3A_140 : i32 to index
      %get3A_142 = arith.constant 0 : index
      %get3A_143 = tpu.vector_load %arg14[%get3A_141, %get3A_142] {strides = array<i32>} : memref<80x32xf32, #tpu.memory_space<vmem>>, vector<1x16xf32>,
      %get3A_144 = vector.shape_cast %get3A_143 : vector<1x16xf32> to vector<16xf32>
      %sub3A_145 = arith.subf %get3A_136, %get3A_144 : vector<16xf32>
      %add3A_146 = arith.addf %sub3A_145, %get3A_16 : vector<16xf32>
      %max3A_147 = arith.constant 0.000000e+00 : f32
      %max3A_148 = vector.broadcast %max3A_147 : f32 to vector<16xf32>
      %max3A_149 = arith.maximumf %add3A_146, %max3A_148 : vector<16xf32>
      %swap3A_150 = arith.index_cast %scan3A_79 : i32 to index
      %swap3A_151 = arith.constant 32 : index
      %swap3A_152 = tpu.vector_load %arg16[%swap3A_150, %swap3A_151] {strides = array<i32>} : memref<20x128xf32, #tpu.memory_space<vmem>>, vector<1x16xf32>,
      %swap3A_153 = vector.shape_cast %swap3A_152 : vector<1x16xf32> to vector<16xf32>
      %swap3A_154 = vector.shape_cast %max3A_149 : vector<16xf32> to vector<1x16xf32>
      tpu.vector_store %arg16[%swap3A_150, %swap3A_151], %swap3A_154 {strides = array<i32>} : memref<20x128xf32, #tpu.memory_space<vmem>>, vector<1x16xf32>,
      %mul3A_155 = arith.constant 4 : i32
      %mul3A_156 = arith.muli %mul3A_155, %scan3A_79 : i32
      %add3A_157 = arith.constant 1 : i32
      %add3A_158 = arith.addi %mul3A_156, %add3A_157 : i32
      %get3A_159 = arith.index_cast %add3A_158 : i32 to index
      %get3A_160 = arith.constant 16 : index
      %get3A_161 = tpu.vector_load %arg12[%get3A_159, %get3A_160] {strides = array<i32>} : memref<80x32xf32, #tpu.memory_space<vmem>>, vector<1x16xf32>,
      %get3A_162 = vector.shape_cast %get3A_161 : vector<1x16xf32> to vector<16xf32>
      %mul3A_163 = arith.constant 4 : i32
      %mul3A_164 = arith.muli %mul3A_163, %scan3A_79 : i32
      %add3A_165 = arith.constant 1 : i32
      %add3A_166 = arith.addi %mul3A_164, %add3A_165 : i32
      %get3A_167 = arith.index_cast %add3A_166 : i32 to index
      %get3A_168 = arith.constant 16 : index
      %get3A_169 = tpu.vector_load %arg14[%get3A_167, %get3A_168] {strides = array<i32>} : memref<80x32xf32, #tpu.memory_space<vmem>>, vector<1x16xf32>,
      %get3A_170 = vector.shape_cast %get3A_169 : vector<1x16xf32> to vector<16xf32>
      %sub3A_171 = arith.subf %get3A_162, %get3A_170 : vector<16xf32>
      %add3A_172 = arith.addf %sub3A_171, %get3A_19 : vector<16xf32>
      %max3A_173 = arith.constant 0.000000e+00 : f32
      %max3A_174 = vector.broadcast %max3A_173 : f32 to vector<16xf32>
      %max3A_175 = arith.maximumf %add3A_172, %max3A_174 : vector<16xf32>
      %swap3A_176 = arith.index_cast %scan3A_79 : i32 to index
      %swap3A_177 = arith.constant 48 : index
      %swap3A_178 = tpu.vector_load %arg16[%swap3A_176, %swap3A_177] {strides = array<i32>} : memref<20x128xf32, #tpu.memory_space<vmem>>, vector<1x16xf32>,
      %swap3A_179 = vector.shape_cast %swap3A_178 : vector<1x16xf32> to vector<16xf32>
      %swap3A_180 = vector.shape_cast %max3A_175 : vector<16xf32> to vector<1x16xf32>
      tpu.vector_store %arg16[%swap3A_176, %swap3A_177], %swap3A_180 {strides = array<i32>} : memref<20x128xf32, #tpu.memory_space<vmem>>, vector<1x16xf32>,
      %mul3A_181 = arith.constant 4 : i32
      %mul3A_182 = arith.muli %mul3A_181, %scan3A_79 : i32
      %add3A_183 = arith.constant 2 : i32
      %add3A_184 = arith.addi %mul3A_182, %add3A_183 : i32
      %get3A_185 = arith.index_cast %add3A_184 : i32 to index
      %get3A_186 = arith.constant 0 : index
      %get3A_187 = tpu.vector_load %arg12[%get3A_185, %get3A_186] {strides = array<i32>} : memref<80x32xf32, #tpu.memory_space<vmem>>, vector<1x16xf32>,
      %get3A_188 = vector.shape_cast %get3A_187 : vector<1x16xf32> to vector<16xf32>
      %mul3A_189 = arith.constant 4 : i32
      %mul3A_190 = arith.muli %mul3A_189, %scan3A_79 : i32
      %add3A_191 = arith.constant 2 : i32
      %add3A_192 = arith.addi %mul3A_190, %add3A_191 : i32
      %get3A_193 = arith.index_cast %add3A_192 : i32 to index
      %get3A_194 = arith.constant 0 : index
      %get3A_195 = tpu.vector_load %arg14[%get3A_193, %get3A_194] {strides = array<i32>} : memref<80x32xf32, #tpu.memory_space<vmem>>, vector<1x16xf32>,
      %get3A_196 = vector.shape_cast %get3A_195 : vector<1x16xf32> to vector<16xf32>
      %sub3A_197 = arith.subf %get3A_188, %get3A_196 : vector<16xf32>
      %add3A_198 = arith.addf %sub3A_197, %get3A_16 : vector<16xf32>
      %max3A_199 = arith.constant 0.000000e+00 : f32
      %max3A_200 = vector.broadcast %max3A_199 : f32 to vector<16xf32>
      %max3A_201 = arith.maximumf %add3A_198, %max3A_200 : vector<16xf32>
      %swap3A_202 = arith.index_cast %scan3A_79 : i32 to index
      %swap3A_203 = arith.constant 64 : index
      %swap3A_204 = tpu.vector_load %arg16[%swap3A_202, %swap3A_203] {strides = array<i32>} : memref<20x128xf32, #tpu.memory_space<vmem>>, vector<1x16xf32>,
      %swap3A_205 = vector.shape_cast %swap3A_204 : vector<1x16xf32> to vector<16xf32>
      %swap3A_206 = vector.shape_cast %max3A_201 : vector<16xf32> to vector<1x16xf32>
      tpu.vector_store %arg16[%swap3A_202, %swap3A_203], %swap3A_206 {strides = array<i32>} : memref<20x128xf32, #tpu.memory_space<vmem>>, vector<1x16xf32>,
      %mul3A_207 = arith.constant 4 : i32
      %mul3A_208 = arith.muli %mul3A_207, %scan3A_79 : i32
      %add3A_209 = arith.constant 2 : i32
      %add3A_210 = arith.addi %mul3A_208, %add3A_209 : i32
      %get3A_211 = arith.index_cast %add3A_210 : i32 to index
      %get3A_212 = arith.constant 16 : index
      %get3A_213 = tpu.vector_load %arg12[%get3A_211, %get3A_212] {strides = array<i32>} : memref<80x32xf32, #tpu.memory_space<vmem>>, vector<1x16xf32>,
      %get3A_214 = vector.shape_cast %get3A_213 : vector<1x16xf32> to vector<16xf32>
      %mul3A_215 = arith.constant 4 : i32
      %mul3A_216 = arith.muli %mul3A_215, %scan3A_79 : i32
      %add3A_217 = arith.constant 2 : i32
      %add3A_218 = arith.addi %mul3A_216, %add3A_217 : i32
      %get3A_219 = arith.index_cast %add3A_218 : i32 to index
      %get3A_220 = arith.constant 16 : index
      %get3A_221 = tpu.vector_load %arg14[%get3A_219, %get3A_220] {strides = array<i32>} : memref<80x32xf32, #tpu.memory_space<vmem>>, vector<1x16xf32>,
      %get3A_222 = vector.shape_cast %get3A_221 : vector<1x16xf32> to vector<16xf32>
      %sub3A_223 = arith.subf %get3A_214, %get3A_222 : vector<16xf32>
      %add3A_224 = arith.addf %sub3A_223, %get3A_19 : vector<16xf32>
      %max3A_225 = arith.constant 0.000000e+00 : f32
      %max3A_226 = vector.broadcast %max3A_225 : f32 to vector<16xf32>
      %max3A_227 = arith.maximumf %add3A_224, %max3A_226 : vector<16xf32>
      %swap3A_228 = arith.index_cast %scan3A_79 : i32 to index
      %swap3A_229 = arith.constant 80 : index
      %swap3A_230 = tpu.vector_load %arg16[%swap3A_228, %swap3A_229] {strides = array<i32>} : memref<20x128xf32, #tpu.memory_space<vmem>>, vector<1x16xf32>,
      %swap3A_231 = vector.shape_cast %swap3A_230 : vector<1x16xf32> to vector<16xf32>
      %swap3A_232 = vector.shape_cast %max3A_227 : vector<16xf32> to vector<1x16xf32>
      tpu.vector_store %arg16[%swap3A_228, %swap3A_229], %swap3A_232 {strides = array<i32>} : memref<20x128xf32, #tpu.memory_space<vmem>>, vector<1x16xf32>,
      %mul3A_233 = arith.constant 4 : i32
      %mul3A_234 = arith.muli %mul3A_233, %scan3A_79 : i32
      %add3A_235 = arith.constant 3 : i32
      %add3A_236 = arith.addi %mul3A_234, %add3A_235 : i32
      %get3A_237 = arith.index_cast %add3A_236 : i32 to index
      %get3A_238 = arith.constant 0 : index
      %get3A_239 = tpu.vector_load %arg12[%get3A_237, %get3A_238] {strides = array<i32>} : memref<80x32xf32, #tpu.memory_space<vmem>>, vector<1x16xf32>,
      %get3A_240 = vector.shape_cast %get3A_239 : vector<1x16xf32> to vector<16xf32>
      %mul3A_241 = arith.constant 4 : i32
      %mul3A_242 = arith.muli %mul3A_241, %scan3A_79 : i32
      %add3A_243 = arith.constant 3 : i32
      %add3A_244 = arith.addi %mul3A_242, %add3A_243 : i32
      %get3A_245 = arith.index_cast %add3A_244 : i32 to index
      %get3A_246 = arith.constant 0 : index
      %get3A_247 = tpu.vector_load %arg14[%get3A_245, %get3A_246] {strides = array<i32>} : memref<80x32xf32, #tpu.memory_space<vmem>>, vector<1x16xf32>,
      %get3A_248 = vector.shape_cast %get3A_247 : vector<1x16xf32> to vector<16xf32>
      %sub3A_249 = arith.subf %get3A_240, %get3A_248 : vector<16xf32>
      %add3A_250 = arith.addf %sub3A_249, %get3A_16 : vector<16xf32>
      %max3A_251 = arith.constant 0.000000e+00 : f32
      %max3A_252 = vector.broadcast %max3A_251 : f32 to vector<16xf32>
      %max3A_253 = arith.maximumf %add3A_250, %max3A_252 : vector<16xf32>
      %swap3A_254 = arith.index_cast %scan3A_79 : i32 to index
      %swap3A_255 = arith.constant 96 : index
      %swap3A_256 = tpu.vector_load %arg16[%swap3A_254, %swap3A_255] {strides = array<i32>} : memref<20x128xf32, #tpu.memory_space<vmem>>, vector<1x16xf32>,
      %swap3A_257 = vector.shape_cast %swap3A_256 : vector<1x16xf32> to vector<16xf32>
      %swap3A_258 = vector.shape_cast %max3A_253 : vector<16xf32> to vector<1x16xf32>
      tpu.vector_store %arg16[%swap3A_254, %swap3A_255], %swap3A_258 {strides = array<i32>} : memref<20x128xf32, #tpu.memory_space<vmem>>, vector<1x16xf32>,
      %mul3A_259 = arith.constant 4 : i32
      %mul3A_260 = arith.muli %mul3A_259, %scan3A_79 : i32
      %add3A_261 = arith.constant 3 : i32
      %add3A_262 = arith.addi %mul3A_260, %add3A_261 : i32
      %get3A_263 = arith.index_cast %add3A_262 : i32 to index
      %get3A_264 = arith.constant 16 : index
      %get3A_265 = tpu.vector_load %arg12[%get3A_263, %get3A_264] {strides = array<i32>} : memref<80x32xf32, #tpu.memory_space<vmem>>, vector<1x16xf32>,
      %get3A_266 = vector.shape_cast %get3A_265 : vector<1x16xf32> to vector<16xf32>
      %mul3A_267 = arith.constant 4 : i32
      %mul3A_268 = arith.muli %mul3A_267, %scan3A_79 : i32
      %add3A_269 = arith.constant 3 : i32
      %add3A_270 = arith.addi %mul3A_268, %add3A_269 : i32
      %get3A_271 = arith.index_cast %add3A_270 : i32 to index
      %get3A_272 = arith.constant 16 : index
      %get3A_273 = tpu.vector_load %arg14[%get3A_271, %get3A_272] {strides = array<i32>} : memref<80x32xf32, #tpu.memory_space<vmem>>, vector<1x16xf32>,
      %get3A_274 = vector.shape_cast %get3A_273 : vector<1x16xf32> to vector<16xf32>
      %sub3A_275 = arith.subf %get3A_266, %get3A_274 : vector<16xf32>
      %add3A_276 = arith.addf %sub3A_275, %get3A_19 : vector<16xf32>
      %max3A_277 = arith.constant 0.000000e+00 : f32
      %max3A_278 = vector.broadcast %max3A_277 : f32 to vector<16xf32>
      %max3A_279 = arith.maximumf %add3A_276, %max3A_278 : vector<16xf32>
      %swap3A_280 = arith.index_cast %scan3A_79 : i32 to index
      %swap3A_281 = arith.constant 112 : index
      %swap3A_282 = tpu.vector_load %arg16[%swap3A_280, %swap3A_281] {strides = array<i32>} : memref<20x128xf32, #tpu.memory_space<vmem>>, vector<1x16xf32>,
      %swap3A_283 = vector.shape_cast %swap3A_282 : vector<1x16xf32> to vector<16xf32>
      %swap3A_284 = vector.shape_cast %max3A_279 : vector<16xf32> to vector<1x16xf32>
      tpu.vector_store %arg16[%swap3A_280, %swap3A_281], %swap3A_284 {strides = array<i32>} : memref<20x128xf32, #tpu.memory_space<vmem>>, vector<1x16xf32>,
    }
    %scan3A_49 = arith.constant 20 : i32
    %mul3A_50 = arith.constant 2500 : i32
    %mul3A_51 = arith.muli %add3A, %mul3A_50 : i32
    %mul3A_52 = arith.constant 124 : i32
    %mul3A_53 = arith.constant 20 : i32
    %mul3A_54 = arith.muli %mul3A_52, %mul3A_53 : i32
    %add3A_55 = arith.addi %mul3A_51, %mul3A_54 : i32
    %dma_start3A_56 = arith.constant 0 : i32
    %dma_start3A_57 = tpu.memref_slice %arg6[%add3A_55, %dma_start3A_56] : memref<80000x128xf32, #tpu.memory_space<hbm>> -> memref<20x128xf32, #tpu.memory_space<hbm>>
    %dma_start3A_58 = arith.constant 0 : i32
    %dma_start3A_59 = tpu.memref_slice %arg6[%add3A_55, %dma_start3A_58] : memref<80000x128xf32, #tpu.memory_space<hbm>> -> memref<20x128xf32, #tpu.memory_space<hbm>>
    tpu.enqueue_dma source(%arg16 : memref<20x128xf32, #tpu.memory_space<vmem>>) target(%dma_start3A_59 : memref<20x128xf32, #tpu.memory_space<hbm>>) target_semaphore(%arg24 : memref<!tpu.dma_semaphore, #tpu.memory_space<semaphore_mem>>)
    "tpu.region"() ({
      %run_scoped3A = tpu.sem_alloc : memref<!tpu.dma_semaphore, #tpu.memory_space<semaphore_mem>>
      %dma_start3A_79 = arith.constant 0 : i32
      %dma_start3A_80 = arith.constant 0 : i32
      %dma_start3A_81 = tpu.memref_slice %arg21[%dma_start3A_79, %dma_start3A_80] : memref<10000x16xf32, #tpu.memory_space<vmem_shared>> -> memref<10000x16xf32, #tpu.memory_space<vmem_shared>>
      tpu.enqueue_indirect_dma source(%arg19 : memref<80x16xf32, #tpu.memory_space<vmem>>) target(%dma_start3A_81 : memref<10000x16xf32, #tpu.memory_space<vmem_shared>>) offsets(%arg10 : memref<80xi32, #tpu.memory_space<vmem>>) semaphore(%run_scoped3A : memref<!tpu.dma_semaphore, #tpu.memory_space<semaphore_mem>>) {add = true}
      %dma_wait3A_82 = arith.constant 0 : i32
      %dma_wait3A_83 = arith.constant 0 : i32
      %dma_wait3A_84 = tpu.memref_slice %arg21[%dma_wait3A_82, %dma_wait3A_83] : memref<10000x16xf32, #tpu.memory_space<vmem_shared>> -> memref<10000x16xf32, #tpu.memory_space<vmem_shared>>
      tpu.wait_indirect_dma semaphore(%run_scoped3A : memref<!tpu.dma_semaphore, #tpu.memory_space<semaphore_mem>>) src(%arg19 : memref<80x16xf32, #tpu.memory_space<vmem>>) dst(%dma_wait3A_84 : memref<10000x16xf32, #tpu.memory_space<vmem_shared>>)
      tpu.yield
    }) : () -> ()
    %mul3A_60 = arith.constant 2500 : i32
    %mul3A_61 = arith.muli %add3A, %mul3A_60 : i32
    %add3A_62 = arith.constant 2480 : i32
    %add3A_63 = arith.addi %mul3A_61, %add3A_62 : i32
    %dma_wait3A_64 = arith.constant 0 : i32
    %dma_wait3A_65 = tpu.memref_slice %arg6[%add3A_63, %dma_wait3A_64] : memref<80000x128xf32, #tpu.memory_space<hbm>> -> memref<20x128xf32, #tpu.memory_space<hbm>>
    %dma_wait3A_66 = arith.constant 0 : i32
    %dma_wait3A_67 = tpu.memref_slice %arg6[%add3A_63, %dma_wait3A_66] : memref<80000x128xf32, #tpu.memory_space<hbm>> -> memref<20x128xf32, #tpu.memory_space<hbm>>
    tpu.wait_dma2 semaphore(%arg24 : memref<!tpu.dma_semaphore, #tpu.memory_space<semaphore_mem>>) src(%arg16 : memref<20x128xf32, #tpu.memory_space<vmem>>) dst(%dma_wait3A_67 : memref<20x128xf32, #tpu.memory_space<hbm>>)
    %mul3A_68 = arith.constant 2500 : i32
    %mul3A_69 = arith.muli %add3A, %mul3A_68 : i32
    %add3A_70 = arith.constant 2460 : i32
    %add3A_71 = arith.addi %mul3A_69, %add3A_70 : i32
    %dma_wait3A_72 = arith.constant 0 : i32
    %dma_wait3A_73 = tpu.memref_slice %arg6[%add3A_71, %dma_wait3A_72] : memref<80000x128xf32, #tpu.memory_space<hbm>> -> memref<20x128xf32, #tpu.memory_space<hbm>>
    %dma_wait3A_74 = arith.constant 0 : i32
    %dma_wait3A_75 = tpu.memref_slice %arg6[%add3A_71, %dma_wait3A_74] : memref<80000x128xf32, #tpu.memory_space<hbm>> -> memref<20x128xf32, #tpu.memory_space<hbm>>
    tpu.wait_dma2 semaphore(%arg25 : memref<!tpu.dma_semaphore, #tpu.memory_space<semaphore_mem>>) src(%arg17 : memref<20x128xf32, #tpu.memory_space<vmem>>) dst(%dma_wait3A_75 : memref<20x128xf32, #tpu.memory_space<hbm>>)
    %barrier3A_76 = arith.constant 0 : index
    tpu.barrier barrier_id(%barrier3A_76)
    %mul3A_77 = arith.constant 625 : i32
    %mul3A_78 = arith.muli %arg1, %mul3A_77 : i32
    "tpu.region"() ({
      %run_scoped3A = tpu.sem_alloc : memref<!tpu.dma_semaphore, #tpu.memory_space<semaphore_mem>>
      %dma_start3A_79 = arith.constant 0 : i32
      %dma_start3A_80 = tpu.memref_slice %arg7[%arg0, %mul3A_78, %dma_start3A_79] : memref<2x10000x16xf32, #tpu.memory_space<hbm>> -> memref<1x625x16xf32, #tpu.memory_space<hbm>>
      %dma_start3A_81 = tpu.memref_squeeze %dma_start3A_80 : memref<1x625x16xf32, #tpu.memory_space<hbm>> -> memref<625x16xf32, #tpu.memory_space<hbm>>
      %dma_start3A_82 = arith.constant 0 : i32
      %dma_start3A_83 = tpu.memref_slice %arg21[%mul3A_78, %dma_start3A_82] : memref<10000x16xf32, #tpu.memory_space<vmem_shared>> -> memref<625x16xf32, #tpu.memory_space<vmem_shared>>
      tpu.enqueue_dma source(%dma_start3A_83 : memref<625x16xf32, #tpu.memory_space<vmem_shared>>) target(%dma_start3A_81 : memref<625x16xf32, #tpu.memory_space<hbm>>) target_semaphore(%run_scoped3A : memref<!tpu.dma_semaphore, #tpu.memory_space<semaphore_mem>>)
      %dma_wait3A_84 = arith.constant 0 : i32
      %dma_wait3A_85 = tpu.memref_slice %arg7[%arg0, %mul3A_78, %dma_wait3A_84] : memref<2x10000x16xf32, #tpu.memory_space<hbm>> -> memref<1x625x16xf32, #tpu.memory_space<hbm>>
      %dma_wait3A_86 = tpu.memref_squeeze %dma_wait3A_85 : memref<1x625x16xf32, #tpu.memory_space<hbm>> -> memref<625x16xf32, #tpu.memory_space<hbm>>
      %dma_wait3A_87 = arith.constant 0 : i32
      %dma_wait3A_88 = tpu.memref_slice %arg21[%mul3A_78, %dma_wait3A_87] : memref<10000x16xf32, #tpu.memory_space<vmem_shared>> -> memref<625x16xf32, #tpu.memory_space<vmem_shared>>
      tpu.wait_dma2 semaphore(%run_scoped3A : memref<!tpu.dma_semaphore, #tpu.memory_space<semaphore_mem>>) src(%dma_wait3A_88 : memref<625x16xf32, #tpu.memory_space<vmem_shared>>) dst(%dma_wait3A_86 : memref<625x16xf32, #tpu.memory_space<hbm>>)
      tpu.yield
    }) : () -> ()
    return
  }
}

#map = affine_map<(d0, d1) -> (0, 0)>
#map1 = affine_map<(d0, d1) -> (0)>
#map2 = affine_map<(d0, d1) -> (0, 0, 0)>
module attributes {stable_mosaic.version = 14 : i64} {
  func.func @_sc_scatter(%arg0: i32, %arg1: i32, %arg2: memref<10000x128xf32, #tpu.memory_space<hbm>>, %arg3: memref<10000x128xf32, #tpu.memory_space<hbm>>, %arg4: memref<320000x128xf32, #tpu.memory_space<hbm>>, %arg5: memref<320000xi32, #tpu.memory_space<hbm>>, %arg6: memref<320000xi32, #tpu.memory_space<hbm>>, %arg7: memref<2x10000x128xf32, #tpu.memory_space<hbm>>, %arg8: memref<80xi32, #tpu.memory_space<vmem>>, %arg9: memref<80xi32, #tpu.memory_space<vmem>>, %arg10: memref<80xi32, #tpu.memory_space<vmem>>, %arg11: memref<80xi32, #tpu.memory_space<vmem>>, %arg12: memref<80xi32, #tpu.memory_space<vmem>>, %arg13: memref<80xi32, #tpu.memory_space<vmem>>, %arg14: memref<80xi32, #tpu.memory_space<vmem>>, %arg15: memref<80xi32, #tpu.memory_space<vmem>>, %arg16: memref<80x128xf32, #tpu.memory_space<vmem>>, %arg17: memref<80x128xf32, #tpu.memory_space<vmem>>, %arg18: memref<80x128xf32, #tpu.memory_space<vmem>>, %arg19: memref<80x128xf32, #tpu.memory_space<vmem>>, %arg20: memref<10000x128xf32, #tpu.memory_space<vmem_shared>>, %arg21: memref<!tpu.dma_semaphore, #tpu.memory_space<semaphore_mem>>, %arg22: memref<!tpu.dma_semaphore, #tpu.memory_space<semaphore_mem>>, %arg23: memref<!tpu.dma_semaphore, #tpu.memory_space<semaphore_mem>>, %arg24: memref<!tpu.dma_semaphore, #tpu.memory_space<semaphore_mem>>, %arg25: memref<!tpu.dma_semaphore, #tpu.memory_space<semaphore_mem>>, %arg26: memref<!tpu.dma_semaphore, #tpu.memory_space<semaphore_mem>>) attributes {dimension_semantics = [#tpu.dimension_semantics<core_parallel>, #tpu.dimension_semantics<subcore_parallel>], iteration_bounds = array<i64: 2, 16>, scalar_prefetch = 0 : i64, scratch_operands = 19 : i64, tpu.core_type = #tpu.core_type<sc_vector_subcore>, window_params = [{transform_indices = #map}, {transform_indices = #map}, {transform_indices = #map}, {transform_indices = #map1}, {transform_indices = #map1}, {transform_indices = #map2}]} {
    %mul3A = arith.constant 16 : i32
    %mul3A_0 = arith.muli %arg0, %mul3A : i32
    %add3A = arith.addi %mul3A_0, %arg1 : i32
    %broadcast_in_dim3A = arith.constant 0.000000e+00 : f32
    %broadcast_in_dim3A_1 = vector.broadcast %broadcast_in_dim3A : f32 to vector<16xf32>
    %iota3A = tpu.iota {dimensions = array<i32: 0>} : vector<16xi32>
    %scan3A = arith.constant 0 : i32
    %scan3A_2 = arith.constant 0 : i32
    %scan3A_3 = arith.constant 80 : i32
    %scan3A_4 = arith.addi %scan3A_2, %scan3A_3 : i32
    %scan3A_5 = arith.constant 1 : i32
    scf.for %scan3A_207 = %scan3A_2 to %scan3A_4 step %scan3A_5  : i32 {
      %swap3A_208 = arith.index_cast %scan3A_207 : i32 to index
      %swap3A_209 = arith.constant 0 : index
      %swap3A_210 = tpu.vector_load %arg16[%swap3A_208, %swap3A_209] {strides = array<i32>} : memref<80x128xf32, #tpu.memory_space<vmem>>, vector<1x16xf32>,
      %swap3A_211 = vector.shape_cast %swap3A_210 : vector<1x16xf32> to vector<16xf32>
      %swap3A_212 = vector.shape_cast %broadcast_in_dim3A_1 : vector<16xf32> to vector<1x16xf32>
      tpu.vector_store %arg16[%swap3A_208, %swap3A_209], %swap3A_212 {strides = array<i32>} : memref<80x128xf32, #tpu.memory_space<vmem>>, vector<1x16xf32>,
      %swap3A_213 = arith.index_cast %scan3A_207 : i32 to index
      %swap3A_214 = arith.constant 16 : index
      %swap3A_215 = tpu.vector_load %arg16[%swap3A_213, %swap3A_214] {strides = array<i32>} : memref<80x128xf32, #tpu.memory_space<vmem>>, vector<1x16xf32>,
      %swap3A_216 = vector.shape_cast %swap3A_215 : vector<1x16xf32> to vector<16xf32>
      %swap3A_217 = vector.shape_cast %broadcast_in_dim3A_1 : vector<16xf32> to vector<1x16xf32>
      tpu.vector_store %arg16[%swap3A_213, %swap3A_214], %swap3A_217 {strides = array<i32>} : memref<80x128xf32, #tpu.memory_space<vmem>>, vector<1x16xf32>,
      %swap3A_218 = arith.index_cast %scan3A_207 : i32 to index
      %swap3A_219 = arith.constant 32 : index
      %swap3A_220 = tpu.vector_load %arg16[%swap3A_218, %swap3A_219] {strides = array<i32>} : memref<80x128xf32, #tpu.memory_space<vmem>>, vector<1x16xf32>,
      %swap3A_221 = vector.shape_cast %swap3A_220 : vector<1x16xf32> to vector<16xf32>
      %swap3A_222 = vector.shape_cast %broadcast_in_dim3A_1 : vector<16xf32> to vector<1x16xf32>
      tpu.vector_store %arg16[%swap3A_218, %swap3A_219], %swap3A_222 {strides = array<i32>} : memref<80x128xf32, #tpu.memory_space<vmem>>, vector<1x16xf32>,
      %swap3A_223 = arith.index_cast %scan3A_207 : i32 to index
      %swap3A_224 = arith.constant 48 : index
      %swap3A_225 = tpu.vector_load %arg16[%swap3A_223, %swap3A_224] {strides = array<i32>} : memref<80x128xf32, #tpu.memory_space<vmem>>, vector<1x16xf32>,
      %swap3A_226 = vector.shape_cast %swap3A_225 : vector<1x16xf32> to vector<16xf32>
      %swap3A_227 = vector.shape_cast %broadcast_in_dim3A_1 : vector<16xf32> to vector<1x16xf32>
      tpu.vector_store %arg16[%swap3A_223, %swap3A_224], %swap3A_227 {strides = array<i32>} : memref<80x128xf32, #tpu.memory_space<vmem>>, vector<1x16xf32>,
      %swap3A_228 = arith.index_cast %scan3A_207 : i32 to index
      %swap3A_229 = arith.constant 64 : index
      %swap3A_230 = tpu.vector_load %arg16[%swap3A_228, %swap3A_229] {strides = array<i32>} : memref<80x128xf32, #tpu.memory_space<vmem>>, vector<1x16xf32>,
      %swap3A_231 = vector.shape_cast %swap3A_230 : vector<1x16xf32> to vector<16xf32>
      %swap3A_232 = vector.shape_cast %broadcast_in_dim3A_1 : vector<16xf32> to vector<1x16xf32>
      tpu.vector_store %arg16[%swap3A_228, %swap3A_229], %swap3A_232 {strides = array<i32>} : memref<80x128xf32, #tpu.memory_space<vmem>>, vector<1x16xf32>,
      %swap3A_233 = arith.index_cast %scan3A_207 : i32 to index
      %swap3A_234 = arith.constant 80 : index
      %swap3A_235 = tpu.vector_load %arg16[%swap3A_233, %swap3A_234] {strides = array<i32>} : memref<80x128xf32, #tpu.memory_space<vmem>>, vector<1x16xf32>,
      %swap3A_236 = vector.shape_cast %swap3A_235 : vector<1x16xf32> to vector<16xf32>
      %swap3A_237 = vector.shape_cast %broadcast_in_dim3A_1 : vector<16xf32> to vector<1x16xf32>
      tpu.vector_store %arg16[%swap3A_233, %swap3A_234], %swap3A_237 {strides = array<i32>} : memref<80x128xf32, #tpu.memory_space<vmem>>, vector<1x16xf32>,
      %swap3A_238 = arith.index_cast %scan3A_207 : i32 to index
      %swap3A_239 = arith.constant 96 : index
      %swap3A_240 = tpu.vector_load %arg16[%swap3A_238, %swap3A_239] {strides = array<i32>} : memref<80x128xf32, #tpu.memory_space<vmem>>, vector<1x16xf32>,
      %swap3A_241 = vector.shape_cast %swap3A_240 : vector<1x16xf32> to vector<16xf32>
      %swap3A_242 = vector.shape_cast %broadcast_in_dim3A_1 : vector<16xf32> to vector<1x16xf32>
      tpu.vector_store %arg16[%swap3A_238, %swap3A_239], %swap3A_242 {strides = array<i32>} : memref<80x128xf32, #tpu.memory_space<vmem>>, vector<1x16xf32>,
      %swap3A_243 = arith.index_cast %scan3A_207 : i32 to index
      %swap3A_244 = arith.constant 112 : index
      %swap3A_245 = tpu.vector_load %arg16[%swap3A_243, %swap3A_244] {strides = array<i32>} : memref<80x128xf32, #tpu.memory_space<vmem>>, vector<1x16xf32>,
      %swap3A_246 = vector.shape_cast %swap3A_245 : vector<1x16xf32> to vector<16xf32>
      %swap3A_247 = vector.shape_cast %broadcast_in_dim3A_1 : vector<16xf32> to vector<1x16xf32>
      tpu.vector_store %arg16[%swap3A_243, %swap3A_244], %swap3A_247 {strides = array<i32>} : memref<80x128xf32, #tpu.memory_space<vmem>>, vector<1x16xf32>,
    }
    %scan3A_6 = arith.constant 80 : i32
    %mul3A_7 = arith.constant 625 : i32
    %mul3A_8 = arith.muli %arg1, %mul3A_7 : i32
    %add3A_9 = arith.constant 0 : i32
    %add3A_10 = arith.addi %mul3A_8, %add3A_9 : i32
    "tpu.region"() ({
      %run_scoped3A = tpu.sem_alloc : memref<!tpu.dma_semaphore, #tpu.memory_space<semaphore_mem>>
      %dma_start3A_207 = arith.constant 0 : i32
      %dma_start3A_208 = tpu.memref_slice %arg20[%add3A_10, %dma_start3A_207] : memref<10000x128xf32, #tpu.memory_space<vmem_shared>> -> memref<80x128xf32, #tpu.memory_space<vmem_shared>>
      %dma_start3A_209 = arith.constant 0 : i32
      %dma_start3A_210 = tpu.memref_slice %arg20[%add3A_10, %dma_start3A_209] : memref<10000x128xf32, #tpu.memory_space<vmem_shared>> -> memref<80x128xf32, #tpu.memory_space<vmem_shared>>
      tpu.enqueue_dma source(%arg16 : memref<80x128xf32, #tpu.memory_space<vmem>>) target(%dma_start3A_210 : memref<80x128xf32, #tpu.memory_space<vmem_shared>>) target_semaphore(%run_scoped3A : memref<!tpu.dma_semaphore, #tpu.memory_space<semaphore_mem>>)
      %dma_wait3A_211 = arith.constant 0 : i32
      %dma_wait3A_212 = tpu.memref_slice %arg20[%add3A_10, %dma_wait3A_211] : memref<10000x128xf32, #tpu.memory_space<vmem_shared>> -> memref<80x128xf32, #tpu.memory_space<vmem_shared>>
      %dma_wait3A_213 = arith.constant 0 : i32
      %dma_wait3A_214 = tpu.memref_slice %arg20[%add3A_10, %dma_wait3A_213] : memref<10000x128xf32, #tpu.memory_space<vmem_shared>> -> memref<80x128xf32, #tpu.memory_space<vmem_shared>>
      tpu.wait_dma2 semaphore(%run_scoped3A : memref<!tpu.dma_semaphore, #tpu.memory_space<semaphore_mem>>) src(%arg16 : memref<80x128xf32, #tpu.memory_space<vmem>>) dst(%dma_wait3A_214 : memref<80x128xf32, #tpu.memory_space<vmem_shared>>)
      tpu.yield
    }) : () -> ()
    %mul3A_11 = arith.constant 625 : i32
    %mul3A_12 = arith.muli %arg1, %mul3A_11 : i32
    %add3A_13 = arith.constant 80 : i32
    %add3A_14 = arith.addi %mul3A_12, %add3A_13 : i32
    "tpu.region"() ({
      %run_scoped3A = tpu.sem_alloc : memref<!tpu.dma_semaphore, #tpu.memory_space<semaphore_mem>>
      %dma_start3A_207 = arith.constant 0 : i32
      %dma_start3A_208 = tpu.memref_slice %arg20[%add3A_14, %dma_start3A_207] : memref<10000x128xf32, #tpu.memory_space<vmem_shared>> -> memref<80x128xf32, #tpu.memory_space<vmem_shared>>
      %dma_start3A_209 = arith.constant 0 : i32
      %dma_start3A_210 = tpu.memref_slice %arg20[%add3A_14, %dma_start3A_209] : memref<10000x128xf32, #tpu.memory_space<vmem_shared>> -> memref<80x128xf32, #tpu.memory_space<vmem_shared>>
      tpu.enqueue_dma source(%arg16 : memref<80x128xf32, #tpu.memory_space<vmem>>) target(%dma_start3A_210 : memref<80x128xf32, #tpu.memory_space<vmem_shared>>) target_semaphore(%run_scoped3A : memref<!tpu.dma_semaphore, #tpu.memory_space<semaphore_mem>>)
      %dma_wait3A_211 = arith.constant 0 : i32
      %dma_wait3A_212 = tpu.memref_slice %arg20[%add3A_14, %dma_wait3A_211] : memref<10000x128xf32, #tpu.memory_space<vmem_shared>> -> memref<80x128xf32, #tpu.memory_space<vmem_shared>>
      %dma_wait3A_213 = arith.constant 0 : i32
      %dma_wait3A_214 = tpu.memref_slice %arg20[%add3A_14, %dma_wait3A_213] : memref<10000x128xf32, #tpu.memory_space<vmem_shared>> -> memref<80x128xf32, #tpu.memory_space<vmem_shared>>
      tpu.wait_dma2 semaphore(%run_scoped3A : memref<!tpu.dma_semaphore, #tpu.memory_space<semaphore_mem>>) src(%arg16 : memref<80x128xf32, #tpu.memory_space<vmem>>) dst(%dma_wait3A_214 : memref<80x128xf32, #tpu.memory_space<vmem_shared>>)
      tpu.yield
    }) : () -> ()
    %mul3A_15 = arith.constant 625 : i32
    %mul3A_16 = arith.muli %arg1, %mul3A_15 : i32
    %add3A_17 = arith.constant 160 : i32
    %add3A_18 = arith.addi %mul3A_16, %add3A_17 : i32
    "tpu.region"() ({
      %run_scoped3A = tpu.sem_alloc : memref<!tpu.dma_semaphore, #tpu.memory_space<semaphore_mem>>
      %dma_start3A_207 = arith.constant 0 : i32
      %dma_start3A_208 = tpu.memref_slice %arg20[%add3A_18, %dma_start3A_207] : memref<10000x128xf32, #tpu.memory_space<vmem_shared>> -> memref<80x128xf32, #tpu.memory_space<vmem_shared>>
      %dma_start3A_209 = arith.constant 0 : i32
      %dma_start3A_210 = tpu.memref_slice %arg20[%add3A_18, %dma_start3A_209] : memref<10000x128xf32, #tpu.memory_space<vmem_shared>> -> memref<80x128xf32, #tpu.memory_space<vmem_shared>>
      tpu.enqueue_dma source(%arg16 : memref<80x128xf32, #tpu.memory_space<vmem>>) target(%dma_start3A_210 : memref<80x128xf32, #tpu.memory_space<vmem_shared>>) target_semaphore(%run_scoped3A : memref<!tpu.dma_semaphore, #tpu.memory_space<semaphore_mem>>)
      %dma_wait3A_211 = arith.constant 0 : i32
      %dma_wait3A_212 = tpu.memref_slice %arg20[%add3A_18, %dma_wait3A_211] : memref<10000x128xf32, #tpu.memory_space<vmem_shared>> -> memref<80x128xf32, #tpu.memory_space<vmem_shared>>
      %dma_wait3A_213 = arith.constant 0 : i32
      %dma_wait3A_214 = tpu.memref_slice %arg20[%add3A_18, %dma_wait3A_213] : memref<10000x128xf32, #tpu.memory_space<vmem_shared>> -> memref<80x128xf32, #tpu.memory_space<vmem_shared>>
      tpu.wait_dma2 semaphore(%run_scoped3A : memref<!tpu.dma_semaphore, #tpu.memory_space<semaphore_mem>>) src(%arg16 : memref<80x128xf32, #tpu.memory_space<vmem>>) dst(%dma_wait3A_214 : memref<80x128xf32, #tpu.memory_space<vmem_shared>>)
      tpu.yield
    }) : () -> ()
    %mul3A_19 = arith.constant 625 : i32
    %mul3A_20 = arith.muli %arg1, %mul3A_19 : i32
    %add3A_21 = arith.constant 240 : i32
    %add3A_22 = arith.addi %mul3A_20, %add3A_21 : i32
    "tpu.region"() ({
      %run_scoped3A = tpu.sem_alloc : memref<!tpu.dma_semaphore, #tpu.memory_space<semaphore_mem>>
      %dma_start3A_207 = arith.constant 0 : i32
      %dma_start3A_208 = tpu.memref_slice %arg20[%add3A_22, %dma_start3A_207] : memref<10000x128xf32, #tpu.memory_space<vmem_shared>> -> memref<80x128xf32, #tpu.memory_space<vmem_shared>>
      %dma_start3A_209 = arith.constant 0 : i32
      %dma_start3A_210 = tpu.memref_slice %arg20[%add3A_22, %dma_start3A_209] : memref<10000x128xf32, #tpu.memory_space<vmem_shared>> -> memref<80x128xf32, #tpu.memory_space<vmem_shared>>
      tpu.enqueue_dma source(%arg16 : memref<80x128xf32, #tpu.memory_space<vmem>>) target(%dma_start3A_210 : memref<80x128xf32, #tpu.memory_space<vmem_shared>>) target_semaphore(%run_scoped3A : memref<!tpu.dma_semaphore, #tpu.memory_space<semaphore_mem>>)
      %dma_wait3A_211 = arith.constant 0 : i32
      %dma_wait3A_212 = tpu.memref_slice %arg20[%add3A_22, %dma_wait3A_211] : memref<10000x128xf32, #tpu.memory_space<vmem_shared>> -> memref<80x128xf32, #tpu.memory_space<vmem_shared>>
      %dma_wait3A_213 = arith.constant 0 : i32
      %dma_wait3A_214 = tpu.memref_slice %arg20[%add3A_22, %dma_wait3A_213] : memref<10000x128xf32, #tpu.memory_space<vmem_shared>> -> memref<80x128xf32, #tpu.memory_space<vmem_shared>>
      tpu.wait_dma2 semaphore(%run_scoped3A : memref<!tpu.dma_semaphore, #tpu.memory_space<semaphore_mem>>) src(%arg16 : memref<80x128xf32, #tpu.memory_space<vmem>>) dst(%dma_wait3A_214 : memref<80x128xf32, #tpu.memory_space<vmem_shared>>)
      tpu.yield
    }) : () -> ()
    %mul3A_23 = arith.constant 625 : i32
    %mul3A_24 = arith.muli %arg1, %mul3A_23 : i32
    %add3A_25 = arith.constant 320 : i32
    %add3A_26 = arith.addi %mul3A_24, %add3A_25 : i32
    "tpu.region"() ({
      %run_scoped3A = tpu.sem_alloc : memref<!tpu.dma_semaphore, #tpu.memory_space<semaphore_mem>>
      %dma_start3A_207 = arith.constant 0 : i32
      %dma_start3A_208 = tpu.memref_slice %arg20[%add3A_26, %dma_start3A_207] : memref<10000x128xf32, #tpu.memory_space<vmem_shared>> -> memref<80x128xf32, #tpu.memory_space<vmem_shared>>
      %dma_start3A_209 = arith.constant 0 : i32
      %dma_start3A_210 = tpu.memref_slice %arg20[%add3A_26, %dma_start3A_209] : memref<10000x128xf32, #tpu.memory_space<vmem_shared>> -> memref<80x128xf32, #tpu.memory_space<vmem_shared>>
      tpu.enqueue_dma source(%arg16 : memref<80x128xf32, #tpu.memory_space<vmem>>) target(%dma_start3A_210 : memref<80x128xf32, #tpu.memory_space<vmem_shared>>) target_semaphore(%run_scoped3A : memref<!tpu.dma_semaphore, #tpu.memory_space<semaphore_mem>>)
      %dma_wait3A_211 = arith.constant 0 : i32
      %dma_wait3A_212 = tpu.memref_slice %arg20[%add3A_26, %dma_wait3A_211] : memref<10000x128xf32, #tpu.memory_space<vmem_shared>> -> memref<80x128xf32, #tpu.memory_space<vmem_shared>>
      %dma_wait3A_213 = arith.constant 0 : i32
      %dma_wait3A_214 = tpu.memref_slice %arg20[%add3A_26, %dma_wait3A_213] : memref<10000x128xf32, #tpu.memory_space<vmem_shared>> -> memref<80x128xf32, #tpu.memory_space<vmem_shared>>
      tpu.wait_dma2 semaphore(%run_scoped3A : memref<!tpu.dma_semaphore, #tpu.memory_space<semaphore_mem>>) src(%arg16 : memref<80x128xf32, #tpu.memory_space<vmem>>) dst(%dma_wait3A_214 : memref<80x128xf32, #tpu.memory_space<vmem_shared>>)
      tpu.yield
    }) : () -> ()
    %mul3A_27 = arith.constant 625 : i32
    %mul3A_28 = arith.muli %arg1, %mul3A_27 : i32
    %add3A_29 = arith.constant 400 : i32
    %add3A_30 = arith.addi %mul3A_28, %add3A_29 : i32
    "tpu.region"() ({
      %run_scoped3A = tpu.sem_alloc : memref<!tpu.dma_semaphore, #tpu.memory_space<semaphore_mem>>
      %dma_start3A_207 = arith.constant 0 : i32
      %dma_start3A_208 = tpu.memref_slice %arg20[%add3A_30, %dma_start3A_207] : memref<10000x128xf32, #tpu.memory_space<vmem_shared>> -> memref<80x128xf32, #tpu.memory_space<vmem_shared>>
      %dma_start3A_209 = arith.constant 0 : i32
      %dma_start3A_210 = tpu.memref_slice %arg20[%add3A_30, %dma_start3A_209] : memref<10000x128xf32, #tpu.memory_space<vmem_shared>> -> memref<80x128xf32, #tpu.memory_space<vmem_shared>>
      tpu.enqueue_dma source(%arg16 : memref<80x128xf32, #tpu.memory_space<vmem>>) target(%dma_start3A_210 : memref<80x128xf32, #tpu.memory_space<vmem_shared>>) target_semaphore(%run_scoped3A : memref<!tpu.dma_semaphore, #tpu.memory_space<semaphore_mem>>)
      %dma_wait3A_211 = arith.constant 0 : i32
      %dma_wait3A_212 = tpu.memref_slice %arg20[%add3A_30, %dma_wait3A_211] : memref<10000x128xf32, #tpu.memory_space<vmem_shared>> -> memref<80x128xf32, #tpu.memory_space<vmem_shared>>
      %dma_wait3A_213 = arith.constant 0 : i32
      %dma_wait3A_214 = tpu.memref_slice %arg20[%add3A_30, %dma_wait3A_213] : memref<10000x128xf32, #tpu.memory_space<vmem_shared>> -> memref<80x128xf32, #tpu.memory_space<vmem_shared>>
      tpu.wait_dma2 semaphore(%run_scoped3A : memref<!tpu.dma_semaphore, #tpu.memory_space<semaphore_mem>>) src(%arg16 : memref<80x128xf32, #tpu.memory_space<vmem>>) dst(%dma_wait3A_214 : memref<80x128xf32, #tpu.memory_space<vmem_shared>>)
      tpu.yield
    }) : () -> ()
    %mul3A_31 = arith.constant 625 : i32
    %mul3A_32 = arith.muli %arg1, %mul3A_31 : i32
    %add3A_33 = arith.constant 480 : i32
    %add3A_34 = arith.addi %mul3A_32, %add3A_33 : i32
    "tpu.region"() ({
      %run_scoped3A = tpu.sem_alloc : memref<!tpu.dma_semaphore, #tpu.memory_space<semaphore_mem>>
      %dma_start3A_207 = arith.constant 0 : i32
      %dma_start3A_208 = tpu.memref_slice %arg20[%add3A_34, %dma_start3A_207] : memref<10000x128xf32, #tpu.memory_space<vmem_shared>> -> memref<80x128xf32, #tpu.memory_space<vmem_shared>>
      %dma_start3A_209 = arith.constant 0 : i32
      %dma_start3A_210 = tpu.memref_slice %arg20[%add3A_34, %dma_start3A_209] : memref<10000x128xf32, #tpu.memory_space<vmem_shared>> -> memref<80x128xf32, #tpu.memory_space<vmem_shared>>
      tpu.enqueue_dma source(%arg16 : memref<80x128xf32, #tpu.memory_space<vmem>>) target(%dma_start3A_210 : memref<80x128xf32, #tpu.memory_space<vmem_shared>>) target_semaphore(%run_scoped3A : memref<!tpu.dma_semaphore, #tpu.memory_space<semaphore_mem>>)
      %dma_wait3A_211 = arith.constant 0 : i32
      %dma_wait3A_212 = tpu.memref_slice %arg20[%add3A_34, %dma_wait3A_211] : memref<10000x128xf32, #tpu.memory_space<vmem_shared>> -> memref<80x128xf32, #tpu.memory_space<vmem_shared>>
      %dma_wait3A_213 = arith.constant 0 : i32
      %dma_wait3A_214 = tpu.memref_slice %arg20[%add3A_34, %dma_wait3A_213] : memref<10000x128xf32, #tpu.memory_space<vmem_shared>> -> memref<80x128xf32, #tpu.memory_space<vmem_shared>>
      tpu.wait_dma2 semaphore(%run_scoped3A : memref<!tpu.dma_semaphore, #tpu.memory_space<semaphore_mem>>) src(%arg16 : memref<80x128xf32, #tpu.memory_space<vmem>>) dst(%dma_wait3A_214 : memref<80x128xf32, #tpu.memory_space<vmem_shared>>)
      tpu.yield
    }) : () -> ()
    %mul3A_35 = arith.constant 625 : i32
    %mul3A_36 = arith.muli %arg1, %mul3A_35 : i32
    %add3A_37 = arith.constant 625 : i32
    %add3A_38 = arith.addi %mul3A_36, %add3A_37 : i32
    %sub3A = arith.constant 65 : i32
    %sub3A_39 = arith.subi %add3A_38, %sub3A : i32
    "tpu.region"() ({
      %run_scoped3A = tpu.sem_alloc : memref<!tpu.dma_semaphore, #tpu.memory_space<semaphore_mem>>
      %dma_start3A_207 = arith.constant 0 : i32
      %dma_start3A_208 = arith.constant 0 : i32
      %dma_start3A_209 = tpu.memref_slice %arg16[%dma_start3A_207, %dma_start3A_208] : memref<80x128xf32, #tpu.memory_space<vmem>> -> memref<65x128xf32, #tpu.memory_space<vmem>>
      %dma_start3A_210 = arith.constant 0 : i32
      %dma_start3A_211 = tpu.memref_slice %arg20[%sub3A_39, %dma_start3A_210] : memref<10000x128xf32, #tpu.memory_space<vmem_shared>> -> memref<65x128xf32, #tpu.memory_space<vmem_shared>>
      %dma_start3A_212 = arith.constant 0 : i32
      %dma_start3A_213 = tpu.memref_slice %arg20[%sub3A_39, %dma_start3A_212] : memref<10000x128xf32, #tpu.memory_space<vmem_shared>> -> memref<65x128xf32, #tpu.memory_space<vmem_shared>>
      %dma_start3A_214 = arith.constant 0 : i32
      %dma_start3A_215 = arith.constant 0 : i32
      %dma_start3A_216 = tpu.memref_slice %arg16[%dma_start3A_214, %dma_start3A_215] : memref<80x128xf32, #tpu.memory_space<vmem>> -> memref<65x128xf32, #tpu.memory_space<vmem>>
      tpu.enqueue_dma source(%dma_start3A_216 : memref<65x128xf32, #tpu.memory_space<vmem>>) target(%dma_start3A_213 : memref<65x128xf32, #tpu.memory_space<vmem_shared>>) target_semaphore(%run_scoped3A : memref<!tpu.dma_semaphore, #tpu.memory_space<semaphore_mem>>)
      %dma_wait3A_217 = arith.constant 0 : i32
      %dma_wait3A_218 = arith.constant 0 : i32
      %dma_wait3A_219 = tpu.memref_slice %arg16[%dma_wait3A_217, %dma_wait3A_218] : memref<80x128xf32, #tpu.memory_space<vmem>> -> memref<65x128xf32, #tpu.memory_space<vmem>>
      %dma_wait3A_220 = arith.constant 0 : i32
      %dma_wait3A_221 = tpu.memref_slice %arg20[%sub3A_39, %dma_wait3A_220] : memref<10000x128xf32, #tpu.memory_space<vmem_shared>> -> memref<65x128xf32, #tpu.memory_space<vmem_shared>>
      %dma_wait3A_222 = arith.constant 0 : i32
      %dma_wait3A_223 = tpu.memref_slice %arg20[%sub3A_39, %dma_wait3A_222] : memref<10000x128xf32, #tpu.memory_space<vmem_shared>> -> memref<65x128xf32, #tpu.memory_space<vmem_shared>>
      %dma_wait3A_224 = arith.constant 0 : i32
      %dma_wait3A_225 = arith.constant 0 : i32
      %dma_wait3A_226 = tpu.memref_slice %arg16[%dma_wait3A_224, %dma_wait3A_225] : memref<80x128xf32, #tpu.memory_space<vmem>> -> memref<65x128xf32, #tpu.memory_space<vmem>>
      tpu.wait_dma2 semaphore(%run_scoped3A : memref<!tpu.dma_semaphore, #tpu.memory_space<semaphore_mem>>) src(%dma_wait3A_226 : memref<65x128xf32, #tpu.memory_space<vmem>>) dst(%dma_wait3A_223 : memref<65x128xf32, #tpu.memory_space<vmem_shared>>)
      tpu.yield
    }) : () -> ()
    %barrier3A = arith.constant 0 : index
    tpu.barrier barrier_id(%barrier3A)
    %mul3A_40 = arith.constant 10000 : i32
    %mul3A_41 = arith.muli %add3A, %mul3A_40 : i32
    %add3A_42 = arith.constant 0 : i32
    %add3A_43 = arith.addi %mul3A_41, %add3A_42 : i32
    "tpu.region"() ({
      %run_scoped3A = tpu.sem_alloc : memref<!tpu.dma_semaphore, #tpu.memory_space<semaphore_mem>>
      %dma_start3A_207 = tpu.memref_slice %arg5[%add3A_43] : memref<320000xi32, #tpu.memory_space<hbm>> -> memref<80xi32, #tpu.memory_space<hbm>>
      %dma_start3A_208 = tpu.memref_slice %arg5[%add3A_43] : memref<320000xi32, #tpu.memory_space<hbm>> -> memref<80xi32, #tpu.memory_space<hbm>>
      tpu.enqueue_dma source(%dma_start3A_208 : memref<80xi32, #tpu.memory_space<hbm>>) target(%arg8 : memref<80xi32, #tpu.memory_space<vmem>>) target_semaphore(%run_scoped3A : memref<!tpu.dma_semaphore, #tpu.memory_space<semaphore_mem>>)
      %dma_wait3A_209 = tpu.memref_slice %arg5[%add3A_43] : memref<320000xi32, #tpu.memory_space<hbm>> -> memref<80xi32, #tpu.memory_space<hbm>>
      %dma_wait3A_210 = tpu.memref_slice %arg5[%add3A_43] : memref<320000xi32, #tpu.memory_space<hbm>> -> memref<80xi32, #tpu.memory_space<hbm>>
      tpu.wait_dma2 semaphore(%run_scoped3A : memref<!tpu.dma_semaphore, #tpu.memory_space<semaphore_mem>>) src(%dma_wait3A_210 : memref<80xi32, #tpu.memory_space<hbm>>) dst(%arg8 : memref<80xi32, #tpu.memory_space<vmem>>)
      tpu.yield
    }) : () -> ()
    "tpu.region"() ({
      %run_scoped3A = tpu.sem_alloc : memref<!tpu.dma_semaphore, #tpu.memory_space<semaphore_mem>>
      %dma_start3A_207 = tpu.memref_slice %arg6[%add3A_43] : memref<320000xi32, #tpu.memory_space<hbm>> -> memref<80xi32, #tpu.memory_space<hbm>>
      %dma_start3A_208 = tpu.memref_slice %arg6[%add3A_43] : memref<320000xi32, #tpu.memory_space<hbm>> -> memref<80xi32, #tpu.memory_space<hbm>>
      tpu.enqueue_dma source(%dma_start3A_208 : memref<80xi32, #tpu.memory_space<hbm>>) target(%arg10 : memref<80xi32, #tpu.memory_space<vmem>>) target_semaphore(%run_scoped3A : memref<!tpu.dma_semaphore, #tpu.memory_space<semaphore_mem>>)
      %dma_wait3A_209 = tpu.memref_slice %arg6[%add3A_43] : memref<320000xi32, #tpu.memory_space<hbm>> -> memref<80xi32, #tpu.memory_space<hbm>>
      %dma_wait3A_210 = tpu.memref_slice %arg6[%add3A_43] : memref<320000xi32, #tpu.memory_space<hbm>> -> memref<80xi32, #tpu.memory_space<hbm>>
      tpu.wait_dma2 semaphore(%run_scoped3A : memref<!tpu.dma_semaphore, #tpu.memory_space<semaphore_mem>>) src(%dma_wait3A_210 : memref<80xi32, #tpu.memory_space<hbm>>) dst(%arg10 : memref<80xi32, #tpu.memory_space<vmem>>)
      tpu.yield
    }) : () -> ()
    %dma_start3A = arith.constant 0 : i32
    %dma_start3A_44 = arith.constant 0 : i32
    %dma_start3A_45 = tpu.memref_slice %arg2[%dma_start3A, %dma_start3A_44] : memref<10000x128xf32, #tpu.memory_space<hbm>> -> memref<10000x128xf32, #tpu.memory_space<hbm>>
    tpu.enqueue_indirect_dma source(%dma_start3A_45 : memref<10000x128xf32, #tpu.memory_space<hbm>>) target(%arg16 : memref<80x128xf32, #tpu.memory_space<vmem>>) offsets(%arg8 : memref<80xi32, #tpu.memory_space<vmem>>) semaphore(%arg21 : memref<!tpu.dma_semaphore, #tpu.memory_space<semaphore_mem>>)
    %add3A_46 = arith.constant 0 : i32
    %add3A_47 = arith.addi %add3A_43, %add3A_46 : i32
    %add3A_48 = vector.broadcast %add3A_47 : i32 to vector<16xi32>
    %add3A_49 = arith.addi %iota3A, %add3A_48 : vector<16xi32>
    %swap3A = arith.constant 0 : index
    %swap3A_50 = tpu.vector_load %arg14[%swap3A] {strides = array<i32>} : memref<80xi32, #tpu.memory_space<vmem>>, vector<16xi32>,
    %swap3A_51 = vector.shape_cast %swap3A_50 : vector<16xi32> to vector<16xi32>
    %swap3A_52 = vector.shape_cast %add3A_49 : vector<16xi32> to vector<16xi32>
    tpu.vector_store %arg14[%swap3A], %swap3A_52 {strides = array<i32>} : memref<80xi32, #tpu.memory_space<vmem>>, vector<16xi32>,
    %add3A_53 = arith.constant 16 : i32
    %add3A_54 = arith.addi %add3A_43, %add3A_53 : i32
    %add3A_55 = vector.broadcast %add3A_54 : i32 to vector<16xi32>
    %add3A_56 = arith.addi %iota3A, %add3A_55 : vector<16xi32>
    %swap3A_57 = arith.constant 16 : index
    %swap3A_58 = tpu.vector_load %arg14[%swap3A_57] {strides = array<i32>} : memref<80xi32, #tpu.memory_space<vmem>>, vector<16xi32>,
    %swap3A_59 = vector.shape_cast %swap3A_58 : vector<16xi32> to vector<16xi32>
    %swap3A_60 = vector.shape_cast %add3A_56 : vector<16xi32> to vector<16xi32>
    tpu.vector_store %arg14[%swap3A_57], %swap3A_60 {strides = array<i32>} : memref<80xi32, #tpu.memory_space<vmem>>, vector<16xi32>,
    %add3A_61 = arith.constant 32 : i32
    %add3A_62 = arith.addi %add3A_43, %add3A_61 : i32
    %add3A_63 = vector.broadcast %add3A_62 : i32 to vector<16xi32>
    %add3A_64 = arith.addi %iota3A, %add3A_63 : vector<16xi32>
    %swap3A_65 = arith.constant 32 : index
    %swap3A_66 = tpu.vector_load %arg14[%swap3A_65] {strides = array<i32>} : memref<80xi32, #tpu.memory_space<vmem>>, vector<16xi32>,
    %swap3A_67 = vector.shape_cast %swap3A_66 : vector<16xi32> to vector<16xi32>
    %swap3A_68 = vector.shape_cast %add3A_64 : vector<16xi32> to vector<16xi32>
    tpu.vector_store %arg14[%swap3A_65], %swap3A_68 {strides = array<i32>} : memref<80xi32, #tpu.memory_space<vmem>>, vector<16xi32>,
    %add3A_69 = arith.constant 48 : i32
    %add3A_70 = arith.addi %add3A_43, %add3A_69 : i32
    %add3A_71 = vector.broadcast %add3A_70 : i32 to vector<16xi32>
    %add3A_72 = arith.addi %iota3A, %add3A_71 : vector<16xi32>
    %swap3A_73 = arith.constant 48 : index
    %swap3A_74 = tpu.vector_load %arg14[%swap3A_73] {strides = array<i32>} : memref<80xi32, #tpu.memory_space<vmem>>, vector<16xi32>,
    %swap3A_75 = vector.shape_cast %swap3A_74 : vector<16xi32> to vector<16xi32>
    %swap3A_76 = vector.shape_cast %add3A_72 : vector<16xi32> to vector<16xi32>
    tpu.vector_store %arg14[%swap3A_73], %swap3A_76 {strides = array<i32>} : memref<80xi32, #tpu.memory_space<vmem>>, vector<16xi32>,
    %add3A_77 = arith.constant 64 : i32
    %add3A_78 = arith.addi %add3A_43, %add3A_77 : i32
    %add3A_79 = vector.broadcast %add3A_78 : i32 to vector<16xi32>
    %add3A_80 = arith.addi %iota3A, %add3A_79 : vector<16xi32>
    %swap3A_81 = arith.constant 64 : index
    %swap3A_82 = tpu.vector_load %arg14[%swap3A_81] {strides = array<i32>} : memref<80xi32, #tpu.memory_space<vmem>>, vector<16xi32>,
    %swap3A_83 = vector.shape_cast %swap3A_82 : vector<16xi32> to vector<16xi32>
    %swap3A_84 = vector.shape_cast %add3A_80 : vector<16xi32> to vector<16xi32>
    tpu.vector_store %arg14[%swap3A_81], %swap3A_84 {strides = array<i32>} : memref<80xi32, #tpu.memory_space<vmem>>, vector<16xi32>,
    %mul3A_85 = arith.constant 10000 : i32
    %mul3A_86 = arith.muli %add3A, %mul3A_85 : i32
    %add3A_87 = arith.constant 80 : i32
    %add3A_88 = arith.addi %mul3A_86, %add3A_87 : i32
    "tpu.region"() ({
      %run_scoped3A = tpu.sem_alloc : memref<!tpu.dma_semaphore, #tpu.memory_space<semaphore_mem>>
      %dma_start3A_207 = tpu.memref_slice %arg5[%add3A_88] : memref<320000xi32, #tpu.memory_space<hbm>> -> memref<80xi32, #tpu.memory_space<hbm>>
      %dma_start3A_208 = tpu.memref_slice %arg5[%add3A_88] : memref<320000xi32, #tpu.memory_space<hbm>> -> memref<80xi32, #tpu.memory_space<hbm>>
      tpu.enqueue_dma source(%dma_start3A_208 : memref<80xi32, #tpu.memory_space<hbm>>) target(%arg9 : memref<80xi32, #tpu.memory_space<vmem>>) target_semaphore(%run_scoped3A : memref<!tpu.dma_semaphore, #tpu.memory_space<semaphore_mem>>)
      %dma_wait3A_209 = tpu.memref_slice %arg5[%add3A_88] : memref<320000xi32, #tpu.memory_space<hbm>> -> memref<80xi32, #tpu.memory_space<hbm>>
      %dma_wait3A_210 = tpu.memref_slice %arg5[%add3A_88] : memref<320000xi32, #tpu.memory_space<hbm>> -> memref<80xi32, #tpu.memory_space<hbm>>
      tpu.wait_dma2 semaphore(%run_scoped3A : memref<!tpu.dma_semaphore, #tpu.memory_space<semaphore_mem>>) src(%dma_wait3A_210 : memref<80xi32, #tpu.memory_space<hbm>>) dst(%arg9 : memref<80xi32, #tpu.memory_space<vmem>>)
      tpu.yield
    }) : () -> ()
    "tpu.region"() ({
      %run_scoped3A = tpu.sem_alloc : memref<!tpu.dma_semaphore, #tpu.memory_space<semaphore_mem>>
      %dma_start3A_207 = tpu.memref_slice %arg6[%add3A_88] : memref<320000xi32, #tpu.memory_space<hbm>> -> memref<80xi32, #tpu.memory_space<hbm>>
      %dma_start3A_208 = tpu.memref_slice %arg6[%add3A_88] : memref<320000xi32, #tpu.memory_space<hbm>> -> memref<80xi32, #tpu.memory_space<hbm>>
      tpu.enqueue_dma source(%dma_start3A_208 : memref<80xi32, #tpu.memory_space<hbm>>) target(%arg11 : memref<80xi32, #tpu.memory_space<vmem>>) target_semaphore(%run_scoped3A : memref<!tpu.dma_semaphore, #tpu.memory_space<semaphore_mem>>)
      %dma_wait3A_209 = tpu.memref_slice %arg6[%add3A_88] : memref<320000xi32, #tpu.memory_space<hbm>> -> memref<80xi32, #tpu.memory_space<hbm>>
      %dma_wait3A_210 = tpu.memref_slice %arg6[%add3A_88] : memref<320000xi32, #tpu.memory_space<hbm>> -> memref<80xi32, #tpu.memory_space<hbm>>
      tpu.wait_dma2 semaphore(%run_scoped3A : memref<!tpu.dma_semaphore, #tpu.memory_space<semaphore_mem>>) src(%dma_wait3A_210 : memref<80xi32, #tpu.memory_space<hbm>>) dst(%arg11 : memref<80xi32, #tpu.memory_space<vmem>>)
      tpu.yield
    }) : () -> ()
    %dma_start3A_89 = arith.constant 0 : i32
    %dma_start3A_90 = arith.constant 0 : i32
    %dma_start3A_91 = tpu.memref_slice %arg2[%dma_start3A_89, %dma_start3A_90] : memref<10000x128xf32, #tpu.memory_space<hbm>> -> memref<10000x128xf32, #tpu.memory_space<hbm>>
    tpu.enqueue_indirect_dma source(%dma_start3A_91 : memref<10000x128xf32, #tpu.memory_space<hbm>>) target(%arg17 : memref<80x128xf32, #tpu.memory_space<vmem>>) offsets(%arg9 : memref<80xi32, #tpu.memory_space<vmem>>) semaphore(%arg22 : memref<!tpu.dma_semaphore, #tpu.memory_space<semaphore_mem>>)
    %add3A_92 = arith.constant 0 : i32
    %add3A_93 = arith.addi %add3A_88, %add3A_92 : i32
    %add3A_94 = vector.broadcast %add3A_93 : i32 to vector<16xi32>
    %add3A_95 = arith.addi %iota3A, %add3A_94 : vector<16xi32>
    %swap3A_96 = arith.constant 0 : index
    %swap3A_97 = tpu.vector_load %arg15[%swap3A_96] {strides = array<i32>} : memref<80xi32, #tpu.memory_space<vmem>>, vector<16xi32>,
    %swap3A_98 = vector.shape_cast %swap3A_97 : vector<16xi32> to vector<16xi32>
    %swap3A_99 = vector.shape_cast %add3A_95 : vector<16xi32> to vector<16xi32>
    tpu.vector_store %arg15[%swap3A_96], %swap3A_99 {strides = array<i32>} : memref<80xi32, #tpu.memory_space<vmem>>, vector<16xi32>,
    %add3A_100 = arith.constant 16 : i32
    %add3A_101 = arith.addi %add3A_88, %add3A_100 : i32
    %add3A_102 = vector.broadcast %add3A_101 : i32 to vector<16xi32>
    %add3A_103 = arith.addi %iota3A, %add3A_102 : vector<16xi32>
    %swap3A_104 = arith.constant 16 : index
    %swap3A_105 = tpu.vector_load %arg15[%swap3A_104] {strides = array<i32>} : memref<80xi32, #tpu.memory_space<vmem>>, vector<16xi32>,
    %swap3A_106 = vector.shape_cast %swap3A_105 : vector<16xi32> to vector<16xi32>
    %swap3A_107 = vector.shape_cast %add3A_103 : vector<16xi32> to vector<16xi32>
    tpu.vector_store %arg15[%swap3A_104], %swap3A_107 {strides = array<i32>} : memref<80xi32, #tpu.memory_space<vmem>>, vector<16xi32>,
    %add3A_108 = arith.constant 32 : i32
    %add3A_109 = arith.addi %add3A_88, %add3A_108 : i32
    %add3A_110 = vector.broadcast %add3A_109 : i32 to vector<16xi32>
    %add3A_111 = arith.addi %iota3A, %add3A_110 : vector<16xi32>
    %swap3A_112 = arith.constant 32 : index
    %swap3A_113 = tpu.vector_load %arg15[%swap3A_112] {strides = array<i32>} : memref<80xi32, #tpu.memory_space<vmem>>, vector<16xi32>,
    %swap3A_114 = vector.shape_cast %swap3A_113 : vector<16xi32> to vector<16xi32>
    %swap3A_115 = vector.shape_cast %add3A_111 : vector<16xi32> to vector<16xi32>
    tpu.vector_store %arg15[%swap3A_112], %swap3A_115 {strides = array<i32>} : memref<80xi32, #tpu.memory_space<vmem>>, vector<16xi32>,
    %add3A_116 = arith.constant 48 : i32
    %add3A_117 = arith.addi %add3A_88, %add3A_116 : i32
    %add3A_118 = vector.broadcast %add3A_117 : i32 to vector<16xi32>
    %add3A_119 = arith.addi %iota3A, %add3A_118 : vector<16xi32>
    %swap3A_120 = arith.constant 48 : index
    %swap3A_121 = tpu.vector_load %arg15[%swap3A_120] {strides = array<i32>} : memref<80xi32, #tpu.memory_space<vmem>>, vector<16xi32>,
    %swap3A_122 = vector.shape_cast %swap3A_121 : vector<16xi32> to vector<16xi32>
    %swap3A_123 = vector.shape_cast %add3A_119 : vector<16xi32> to vector<16xi32>
    tpu.vector_store %arg15[%swap3A_120], %swap3A_123 {strides = array<i32>} : memref<80xi32, #tpu.memory_space<vmem>>, vector<16xi32>,
    %add3A_124 = arith.constant 64 : i32
    %add3A_125 = arith.addi %add3A_88, %add3A_124 : i32
    %add3A_126 = vector.broadcast %add3A_125 : i32 to vector<16xi32>
    %add3A_127 = arith.addi %iota3A, %add3A_126 : vector<16xi32>
    %swap3A_128 = arith.constant 64 : index
    %swap3A_129 = tpu.vector_load %arg15[%swap3A_128] {strides = array<i32>} : memref<80xi32, #tpu.memory_space<vmem>>, vector<16xi32>,
    %swap3A_130 = vector.shape_cast %swap3A_129 : vector<16xi32> to vector<16xi32>
    %swap3A_131 = vector.shape_cast %add3A_127 : vector<16xi32> to vector<16xi32>
    tpu.vector_store %arg15[%swap3A_128], %swap3A_131 {strides = array<i32>} : memref<80xi32, #tpu.memory_space<vmem>>, vector<16xi32>,
    %dma_wait3A = arith.constant 0 : i32
    %dma_wait3A_132 = arith.constant 0 : i32
    %dma_wait3A_133 = tpu.memref_slice %arg2[%dma_wait3A, %dma_wait3A_132] : memref<10000x128xf32, #tpu.memory_space<hbm>> -> memref<10000x128xf32, #tpu.memory_space<hbm>>
    tpu.wait_indirect_dma semaphore(%arg21 : memref<!tpu.dma_semaphore, #tpu.memory_space<semaphore_mem>>) src(%dma_wait3A_133 : memref<10000x128xf32, #tpu.memory_space<hbm>>) dst(%arg16 : memref<80x128xf32, #tpu.memory_space<vmem>>)
    %dma_start3A_134 = arith.constant 0 : i32
    %dma_start3A_135 = arith.constant 0 : i32
    %dma_start3A_136 = tpu.memref_slice %arg3[%dma_start3A_134, %dma_start3A_135] : memref<10000x128xf32, #tpu.memory_space<hbm>> -> memref<10000x128xf32, #tpu.memory_space<hbm>>
    tpu.enqueue_indirect_dma source(%dma_start3A_136 : memref<10000x128xf32, #tpu.memory_space<hbm>>) target(%arg16 : memref<80x128xf32, #tpu.memory_space<vmem>>) offsets(%arg10 : memref<80xi32, #tpu.memory_space<vmem>>) semaphore(%arg23 : memref<!tpu.dma_semaphore, #tpu.memory_space<semaphore_mem>>) {add = true}
    %dma_start3A_137 = arith.constant 0 : i32
    %dma_start3A_138 = arith.constant 0 : i32
    %dma_start3A_139 = tpu.memref_slice %arg4[%dma_start3A_137, %dma_start3A_138] : memref<320000x128xf32, #tpu.memory_space<hbm>> -> memref<320000x128xf32, #tpu.memory_space<hbm>>
    tpu.enqueue_indirect_dma source(%dma_start3A_139 : memref<320000x128xf32, #tpu.memory_space<hbm>>) target(%arg16 : memref<80x128xf32, #tpu.memory_space<vmem>>) offsets(%arg14 : memref<80xi32, #tpu.memory_space<vmem>>) semaphore(%arg23 : memref<!tpu.dma_semaphore, #tpu.memory_space<semaphore_mem>>) {add = true}
    %scan3A_140 = arith.constant 0 : i32
    %scan3A_141 = arith.constant 0 : i32
    %scan3A_142 = arith.constant 62 : i32
    %scan3A_143 = arith.addi %scan3A_141, %scan3A_142 : i32
    %scan3A_144 = arith.constant 1 : i32
    scf.for %scan3A_207 = %scan3A_141 to %scan3A_143 step %scan3A_144  : i32 {
      %mul3A_208 = arith.constant 2 : i32
      %mul3A_209 = arith.muli %scan3A_207, %mul3A_208 : i32
      %add3A_210 = arith.constant 1 : i32
      %add3A_211 = arith.addi %mul3A_209, %add3A_210 : i32
      %dma_wait3A_212 = arith.constant 0 : i32
      %dma_wait3A_213 = arith.constant 0 : i32
      %dma_wait3A_214 = tpu.memref_slice %arg2[%dma_wait3A_212, %dma_wait3A_213] : memref<10000x128xf32, #tpu.memory_space<hbm>> -> memref<10000x128xf32, #tpu.memory_space<hbm>>
      tpu.wait_indirect_dma semaphore(%arg22 : memref<!tpu.dma_semaphore, #tpu.memory_space<semaphore_mem>>) src(%dma_wait3A_214 : memref<10000x128xf32, #tpu.memory_space<hbm>>) dst(%arg17 : memref<80x128xf32, #tpu.memory_space<vmem>>)
      %dma_start3A_215 = arith.constant 0 : i32
      %dma_start3A_216 = arith.constant 0 : i32
      %dma_start3A_217 = tpu.memref_slice %arg3[%dma_start3A_215, %dma_start3A_216] : memref<10000x128xf32, #tpu.memory_space<hbm>> -> memref<10000x128xf32, #tpu.memory_space<hbm>>
      tpu.enqueue_indirect_dma source(%dma_start3A_217 : memref<10000x128xf32, #tpu.memory_space<hbm>>) target(%arg17 : memref<80x128xf32, #tpu.memory_space<vmem>>) offsets(%arg11 : memref<80xi32, #tpu.memory_space<vmem>>) semaphore(%arg24 : memref<!tpu.dma_semaphore, #tpu.memory_space<semaphore_mem>>) {add = true}
      %dma_start3A_218 = arith.constant 0 : i32
      %dma_start3A_219 = arith.constant 0 : i32
      %dma_start3A_220 = tpu.memref_slice %arg4[%dma_start3A_218, %dma_start3A_219] : memref<320000x128xf32, #tpu.memory_space<hbm>> -> memref<320000x128xf32, #tpu.memory_space<hbm>>
      tpu.enqueue_indirect_dma source(%dma_start3A_220 : memref<320000x128xf32, #tpu.memory_space<hbm>>) target(%arg17 : memref<80x128xf32, #tpu.memory_space<vmem>>) offsets(%arg15 : memref<80xi32, #tpu.memory_space<vmem>>) semaphore(%arg24 : memref<!tpu.dma_semaphore, #tpu.memory_space<semaphore_mem>>) {add = true}
      %dma_wait3A_221 = arith.constant 0 : i32
      %dma_wait3A_222 = arith.constant 0 : i32
      %dma_wait3A_223 = tpu.memref_slice %arg3[%dma_wait3A_221, %dma_wait3A_222] : memref<10000x128xf32, #tpu.memory_space<hbm>> -> memref<10000x128xf32, #tpu.memory_space<hbm>>
      tpu.wait_indirect_dma semaphore(%arg23 : memref<!tpu.dma_semaphore, #tpu.memory_space<semaphore_mem>>) src(%dma_wait3A_223 : memref<10000x128xf32, #tpu.memory_space<hbm>>) dst(%arg16 : memref<80x128xf32, #tpu.memory_space<vmem>>)
      %dma_wait3A_224 = arith.constant 0 : i32
      %dma_wait3A_225 = arith.constant 0 : i32
      %dma_wait3A_226 = tpu.memref_slice %arg4[%dma_wait3A_224, %dma_wait3A_225] : memref<320000x128xf32, #tpu.memory_space<hbm>> -> memref<320000x128xf32, #tpu.memory_space<hbm>>
      tpu.wait_indirect_dma semaphore(%arg23 : memref<!tpu.dma_semaphore, #tpu.memory_space<semaphore_mem>>) src(%dma_wait3A_226 : memref<320000x128xf32, #tpu.memory_space<hbm>>) dst(%arg16 : memref<80x128xf32, #tpu.memory_space<vmem>>)
      %ge3A_227 = arith.constant 2 : i32
      %ge3A_228 = arith.cmpi sge, %mul3A_209, %ge3A_227 : i32
      %convert_element_type3A_229 = arith.extui %ge3A_228 : i1 to i32
      %cond3A_230 = arith.constant 0 : i32
      %cond3A_231 = arith.cmpi ne, %convert_element_type3A_229, %cond3A_230 : i32
      scf.if %cond3A_231 {
        %dma_wait3A_353 = arith.constant 0 : i32
        %dma_wait3A_354 = arith.constant 0 : i32
        %dma_wait3A_355 = tpu.memref_slice %arg20[%dma_wait3A_353, %dma_wait3A_354] : memref<10000x128xf32, #tpu.memory_space<vmem_shared>> -> memref<10000x128xf32, #tpu.memory_space<vmem_shared>>
        tpu.wait_indirect_dma semaphore(%arg25 : memref<!tpu.dma_semaphore, #tpu.memory_space<semaphore_mem>>) src(%arg18 : memref<80x128xf32, #tpu.memory_space<vmem>>) dst(%dma_wait3A_355 : memref<10000x128xf32, #tpu.memory_space<vmem_shared>>)
      } else {
      }
      %scan3A_232 = arith.constant 0 : i32
      %scan3A_233 = arith.constant 0 : i32
      %scan3A_234 = arith.constant 80 : i32
      %scan3A_235 = arith.addi %scan3A_233, %scan3A_234 : i32
      %scan3A_236 = arith.constant 1 : i32
      scf.for %scan3A_353 = %scan3A_233 to %scan3A_235 step %scan3A_236  : i32 {
        %get3A_354 = arith.index_cast %scan3A_353 : i32 to index
        %get3A_355 = arith.constant 0 : index
        %get3A_356 = tpu.vector_load %arg16[%get3A_354, %get3A_355] {strides = array<i32>} : memref<80x128xf32, #tpu.memory_space<vmem>>, vector<1x16xf32>,
        %get3A_357 = vector.shape_cast %get3A_356 : vector<1x16xf32> to vector<16xf32>
        %max3A = arith.constant 0.000000e+00 : f32
        %max3A_358 = vector.broadcast %max3A : f32 to vector<16xf32>
        %max3A_359 = arith.maximumf %get3A_357, %max3A_358 : vector<16xf32>
        %swap3A_360 = arith.index_cast %scan3A_353 : i32 to index
        %swap3A_361 = arith.constant 0 : index
        %swap3A_362 = tpu.vector_load %arg18[%swap3A_360, %swap3A_361] {strides = array<i32>} : memref<80x128xf32, #tpu.memory_space<vmem>>, vector<1x16xf32>,
        %swap3A_363 = vector.shape_cast %swap3A_362 : vector<1x16xf32> to vector<16xf32>
        %swap3A_364 = vector.shape_cast %max3A_359 : vector<16xf32> to vector<1x16xf32>
        tpu.vector_store %arg18[%swap3A_360, %swap3A_361], %swap3A_364 {strides = array<i32>} : memref<80x128xf32, #tpu.memory_space<vmem>>, vector<1x16xf32>,
        %get3A_365 = arith.index_cast %scan3A_353 : i32 to index
        %get3A_366 = arith.constant 16 : index
        %get3A_367 = tpu.vector_load %arg16[%get3A_365, %get3A_366] {strides = array<i32>} : memref<80x128xf32, #tpu.memory_space<vmem>>, vector<1x16xf32>,
        %get3A_368 = vector.shape_cast %get3A_367 : vector<1x16xf32> to vector<16xf32>
        %max3A_369 = arith.constant 0.000000e+00 : f32
        %max3A_370 = vector.broadcast %max3A_369 : f32 to vector<16xf32>
        %max3A_371 = arith.maximumf %get3A_368, %max3A_370 : vector<16xf32>
        %swap3A_372 = arith.index_cast %scan3A_353 : i32 to index
        %swap3A_373 = arith.constant 16 : index
        %swap3A_374 = tpu.vector_load %arg18[%swap3A_372, %swap3A_373] {strides = array<i32>} : memref<80x128xf32, #tpu.memory_space<vmem>>, vector<1x16xf32>,
        %swap3A_375 = vector.shape_cast %swap3A_374 : vector<1x16xf32> to vector<16xf32>
        %swap3A_376 = vector.shape_cast %max3A_371 : vector<16xf32> to vector<1x16xf32>
        tpu.vector_store %arg18[%swap3A_372, %swap3A_373], %swap3A_376 {strides = array<i32>} : memref<80x128xf32, #tpu.memory_space<vmem>>, vector<1x16xf32>,
        %get3A_377 = arith.index_cast %scan3A_353 : i32 to index
        %get3A_378 = arith.constant 32 : index
        %get3A_379 = tpu.vector_load %arg16[%get3A_377, %get3A_378] {strides = array<i32>} : memref<80x128xf32, #tpu.memory_space<vmem>>, vector<1x16xf32>,
        %get3A_380 = vector.shape_cast %get3A_379 : vector<1x16xf32> to vector<16xf32>
        %max3A_381 = arith.constant 0.000000e+00 : f32
        %max3A_382 = vector.broadcast %max3A_381 : f32 to vector<16xf32>
        %max3A_383 = arith.maximumf %get3A_380, %max3A_382 : vector<16xf32>
        %swap3A_384 = arith.index_cast %scan3A_353 : i32 to index
        %swap3A_385 = arith.constant 32 : index
        %swap3A_386 = tpu.vector_load %arg18[%swap3A_384, %swap3A_385] {strides = array<i32>} : memref<80x128xf32, #tpu.memory_space<vmem>>, vector<1x16xf32>,
        %swap3A_387 = vector.shape_cast %swap3A_386 : vector<1x16xf32> to vector<16xf32>
        %swap3A_388 = vector.shape_cast %max3A_383 : vector<16xf32> to vector<1x16xf32>
        tpu.vector_store %arg18[%swap3A_384, %swap3A_385], %swap3A_388 {strides = array<i32>} : memref<80x128xf32, #tpu.memory_space<vmem>>, vector<1x16xf32>,
        %get3A_389 = arith.index_cast %scan3A_353 : i32 to index
        %get3A_390 = arith.constant 48 : index
        %get3A_391 = tpu.vector_load %arg16[%get3A_389, %get3A_390] {strides = array<i32>} : memref<80x128xf32, #tpu.memory_space<vmem>>, vector<1x16xf32>,
        %get3A_392 = vector.shape_cast %get3A_391 : vector<1x16xf32> to vector<16xf32>
        %max3A_393 = arith.constant 0.000000e+00 : f32
        %max3A_394 = vector.broadcast %max3A_393 : f32 to vector<16xf32>
        %max3A_395 = arith.maximumf %get3A_392, %max3A_394 : vector<16xf32>
        %swap3A_396 = arith.index_cast %scan3A_353 : i32 to index
        %swap3A_397 = arith.constant 48 : index
        %swap3A_398 = tpu.vector_load %arg18[%swap3A_396, %swap3A_397] {strides = array<i32>} : memref<80x128xf32, #tpu.memory_space<vmem>>, vector<1x16xf32>,
        %swap3A_399 = vector.shape_cast %swap3A_398 : vector<1x16xf32> to vector<16xf32>
        %swap3A_400 = vector.shape_cast %max3A_395 : vector<16xf32> to vector<1x16xf32>
        tpu.vector_store %arg18[%swap3A_396, %swap3A_397], %swap3A_400 {strides = array<i32>} : memref<80x128xf32, #tpu.memory_space<vmem>>, vector<1x16xf32>,
        %get3A_401 = arith.index_cast %scan3A_353 : i32 to index
        %get3A_402 = arith.constant 64 : index
        %get3A_403 = tpu.vector_load %arg16[%get3A_401, %get3A_402] {strides = array<i32>} : memref<80x128xf32, #tpu.memory_space<vmem>>, vector<1x16xf32>,
        %get3A_404 = vector.shape_cast %get3A_403 : vector<1x16xf32> to vector<16xf32>
        %max3A_405 = arith.constant 0.000000e+00 : f32
        %max3A_406 = vector.broadcast %max3A_405 : f32 to vector<16xf32>
        %max3A_407 = arith.maximumf %get3A_404, %max3A_406 : vector<16xf32>
        %swap3A_408 = arith.index_cast %scan3A_353 : i32 to index
        %swap3A_409 = arith.constant 64 : index
        %swap3A_410 = tpu.vector_load %arg18[%swap3A_408, %swap3A_409] {strides = array<i32>} : memref<80x128xf32, #tpu.memory_space<vmem>>, vector<1x16xf32>,
        %swap3A_411 = vector.shape_cast %swap3A_410 : vector<1x16xf32> to vector<16xf32>
        %swap3A_412 = vector.shape_cast %max3A_407 : vector<16xf32> to vector<1x16xf32>
        tpu.vector_store %arg18[%swap3A_408, %swap3A_409], %swap3A_412 {strides = array<i32>} : memref<80x128xf32, #tpu.memory_space<vmem>>, vector<1x16xf32>,
        %get3A_413 = arith.index_cast %scan3A_353 : i32 to index
        %get3A_414 = arith.constant 80 : index
        %get3A_415 = tpu.vector_load %arg16[%get3A_413, %get3A_414] {strides = array<i32>} : memref<80x128xf32, #tpu.memory_space<vmem>>, vector<1x16xf32>,
        %get3A_416 = vector.shape_cast %get3A_415 : vector<1x16xf32> to vector<16xf32>
        %max3A_417 = arith.constant 0.000000e+00 : f32
        %max3A_418 = vector.broadcast %max3A_417 : f32 to vector<16xf32>
        %max3A_419 = arith.maximumf %get3A_416, %max3A_418 : vector<16xf32>
        %swap3A_420 = arith.index_cast %scan3A_353 : i32 to index
        %swap3A_421 = arith.constant 80 : index
        %swap3A_422 = tpu.vector_load %arg18[%swap3A_420, %swap3A_421] {strides = array<i32>} : memref<80x128xf32, #tpu.memory_space<vmem>>, vector<1x16xf32>,
        %swap3A_423 = vector.shape_cast %swap3A_422 : vector<1x16xf32> to vector<16xf32>
        %swap3A_424 = vector.shape_cast %max3A_419 : vector<16xf32> to vector<1x16xf32>
        tpu.vector_store %arg18[%swap3A_420, %swap3A_421], %swap3A_424 {strides = array<i32>} : memref<80x128xf32, #tpu.memory_space<vmem>>, vector<1x16xf32>,
        %get3A_425 = arith.index_cast %scan3A_353 : i32 to index
        %get3A_426 = arith.constant 96 : index
        %get3A_427 = tpu.vector_load %arg16[%get3A_425, %get3A_426] {strides = array<i32>} : memref<80x128xf32, #tpu.memory_space<vmem>>, vector<1x16xf32>,
        %get3A_428 = vector.shape_cast %get3A_427 : vector<1x16xf32> to vector<16xf32>
        %max3A_429 = arith.constant 0.000000e+00 : f32
        %max3A_430 = vector.broadcast %max3A_429 : f32 to vector<16xf32>
        %max3A_431 = arith.maximumf %get3A_428, %max3A_430 : vector<16xf32>
        %swap3A_432 = arith.index_cast %scan3A_353 : i32 to index
        %swap3A_433 = arith.constant 96 : index
        %swap3A_434 = tpu.vector_load %arg18[%swap3A_432, %swap3A_433] {strides = array<i32>} : memref<80x128xf32, #tpu.memory_space<vmem>>, vector<1x16xf32>,
        %swap3A_435 = vector.shape_cast %swap3A_434 : vector<1x16xf32> to vector<16xf32>
        %swap3A_436 = vector.shape_cast %max3A_431 : vector<16xf32> to vector<1x16xf32>
        tpu.vector_store %arg18[%swap3A_432, %swap3A_433], %swap3A_436 {strides = array<i32>} : memref<80x128xf32, #tpu.memory_space<vmem>>, vector<1x16xf32>,
        %get3A_437 = arith.index_cast %scan3A_353 : i32 to index
        %get3A_438 = arith.constant 112 : index
        %get3A_439 = tpu.vector_load %arg16[%get3A_437, %get3A_438] {strides = array<i32>} : memref<80x128xf32, #tpu.memory_space<vmem>>, vector<1x16xf32>,
        %get3A_440 = vector.shape_cast %get3A_439 : vector<1x16xf32> to vector<16xf32>
        %max3A_441 = arith.constant 0.000000e+00 : f32
        %max3A_442 = vector.broadcast %max3A_441 : f32 to vector<16xf32>
        %max3A_443 = arith.maximumf %get3A_440, %max3A_442 : vector<16xf32>
        %swap3A_444 = arith.index_cast %scan3A_353 : i32 to index
        %swap3A_445 = arith.constant 112 : index
        %swap3A_446 = tpu.vector_load %arg18[%swap3A_444, %swap3A_445] {strides = array<i32>} : memref<80x128xf32, #tpu.memory_space<vmem>>, vector<1x16xf32>,
        %swap3A_447 = vector.shape_cast %swap3A_446 : vector<1x16xf32> to vector<16xf32>
        %swap3A_448 = vector.shape_cast %max3A_443 : vector<16xf32> to vector<1x16xf32>
        tpu.vector_store %arg18[%swap3A_444, %swap3A_445], %swap3A_448 {strides = array<i32>} : memref<80x128xf32, #tpu.memory_space<vmem>>, vector<1x16xf32>,
      }
      %scan3A_237 = arith.constant 80 : i32
      %get3A_238 = arith.constant 0 : index
      %get3A_239 = tpu.vector_load %arg10[%get3A_238] {strides = array<i32>} : memref<80xi32, #tpu.memory_space<vmem>>, vector<16xi32>,
      %get3A_240 = vector.shape_cast %get3A_239 : vector<16xi32> to vector<16xi32>
      %swap3A_241 = arith.constant 0 : index
      %swap3A_242 = tpu.vector_load %arg12[%swap3A_241] {strides = array<i32>} : memref<80xi32, #tpu.memory_space<vmem>>, vector<16xi32>,
      %swap3A_243 = vector.shape_cast %swap3A_242 : vector<16xi32> to vector<16xi32>
      %swap3A_244 = vector.shape_cast %get3A_240 : vector<16xi32> to vector<16xi32>
      tpu.vector_store %arg12[%swap3A_241], %swap3A_244 {strides = array<i32>} : memref<80xi32, #tpu.memory_space<vmem>>, vector<16xi32>,
      %get3A_245 = arith.constant 16 : index
      %get3A_246 = tpu.vector_load %arg10[%get3A_245] {strides = array<i32>} : memref<80xi32, #tpu.memory_space<vmem>>, vector<16xi32>,
      %get3A_247 = vector.shape_cast %get3A_246 : vector<16xi32> to vector<16xi32>
      %swap3A_248 = arith.constant 16 : index
      %swap3A_249 = tpu.vector_load %arg12[%swap3A_248] {strides = array<i32>} : memref<80xi32, #tpu.memory_space<vmem>>, vector<16xi32>,
      %swap3A_250 = vector.shape_cast %swap3A_249 : vector<16xi32> to vector<16xi32>
      %swap3A_251 = vector.shape_cast %get3A_247 : vector<16xi32> to vector<16xi32>
      tpu.vector_store %arg12[%swap3A_248], %swap3A_251 {strides = array<i32>} : memref<80xi32, #tpu.memory_space<vmem>>, vector<16xi32>,
      %get3A_252 = arith.constant 32 : index
      %get3A_253 = tpu.vector_load %arg10[%get3A_252] {strides = array<i32>} : memref<80xi32, #tpu.memory_space<vmem>>, vector<16xi32>,
      %get3A_254 = vector.shape_cast %get3A_253 : vector<16xi32> to vector<16xi32>
      %swap3A_255 = arith.constant 32 : index
      %swap3A_256 = tpu.vector_load %arg12[%swap3A_255] {strides = array<i32>} : memref<80xi32, #tpu.memory_space<vmem>>, vector<16xi32>,
      %swap3A_257 = vector.shape_cast %swap3A_256 : vector<16xi32> to vector<16xi32>
      %swap3A_258 = vector.shape_cast %get3A_254 : vector<16xi32> to vector<16xi32>
      tpu.vector_store %arg12[%swap3A_255], %swap3A_258 {strides = array<i32>} : memref<80xi32, #tpu.memory_space<vmem>>, vector<16xi32>,
      %get3A_259 = arith.constant 48 : index
      %get3A_260 = tpu.vector_load %arg10[%get3A_259] {strides = array<i32>} : memref<80xi32, #tpu.memory_space<vmem>>, vector<16xi32>,
      %get3A_261 = vector.shape_cast %get3A_260 : vector<16xi32> to vector<16xi32>
      %swap3A_262 = arith.constant 48 : index
      %swap3A_263 = tpu.vector_load %arg12[%swap3A_262] {strides = array<i32>} : memref<80xi32, #tpu.memory_space<vmem>>, vector<16xi32>,
      %swap3A_264 = vector.shape_cast %swap3A_263 : vector<16xi32> to vector<16xi32>
      %swap3A_265 = vector.shape_cast %get3A_261 : vector<16xi32> to vector<16xi32>
      tpu.vector_store %arg12[%swap3A_262], %swap3A_265 {strides = array<i32>} : memref<80xi32, #tpu.memory_space<vmem>>, vector<16xi32>,
      %get3A_266 = arith.constant 64 : index
      %get3A_267 = tpu.vector_load %arg10[%get3A_266] {strides = array<i32>} : memref<80xi32, #tpu.memory_space<vmem>>, vector<16xi32>,
      %get3A_268 = vector.shape_cast %get3A_267 : vector<16xi32> to vector<16xi32>
      %swap3A_269 = arith.constant 64 : index
      %swap3A_270 = tpu.vector_load %arg12[%swap3A_269] {strides = array<i32>} : memref<80xi32, #tpu.memory_space<vmem>>, vector<16xi32>,
      %swap3A_271 = vector.shape_cast %swap3A_270 : vector<16xi32> to vector<16xi32>
      %swap3A_272 = vector.shape_cast %get3A_268 : vector<16xi32> to vector<16xi32>
      tpu.vector_store %arg12[%swap3A_269], %swap3A_272 {strides = array<i32>} : memref<80xi32, #tpu.memory_space<vmem>>, vector<16xi32>,
      %dma_start3A_273 = arith.constant 0 : i32
      %dma_start3A_274 = arith.constant 0 : i32
      %dma_start3A_275 = tpu.memref_slice %arg20[%dma_start3A_273, %dma_start3A_274] : memref<10000x128xf32, #tpu.memory_space<vmem_shared>> -> memref<10000x128xf32, #tpu.memory_space<vmem_shared>>
      tpu.enqueue_indirect_dma source(%arg18 : memref<80x128xf32, #tpu.memory_space<vmem>>) target(%dma_start3A_275 : memref<10000x128xf32, #tpu.memory_space<vmem_shared>>) offsets(%arg12 : memref<80xi32, #tpu.memory_space<vmem>>) semaphore(%arg25 : memref<!tpu.dma_semaphore, #tpu.memory_space<semaphore_mem>>) {add = true}
      %add3A_276 = arith.constant 2 : i32
      %add3A_277 = arith.addi %mul3A_209, %add3A_276 : i32
      %lt3A = arith.constant 125 : i32
      %lt3A_278 = arith.cmpi slt, %add3A_277, %lt3A : i32
      %convert_element_type3A_279 = arith.extui %lt3A_278 : i1 to i32
      %cond3A_280 = arith.constant 0 : i32
      %cond3A_281 = arith.cmpi ne, %convert_element_type3A_279, %cond3A_280 : i32
      scf.if %cond3A_281 {
        %add3A_353 = arith.constant 2 : i32
        %add3A_354 = arith.addi %mul3A_209, %add3A_353 : i32
        %mul3A_355 = arith.constant 10000 : i32
        %mul3A_356 = arith.muli %add3A, %mul3A_355 : i32
        %mul3A_357 = arith.constant 80 : i32
        %mul3A_358 = arith.muli %add3A_354, %mul3A_357 : i32
        %add3A_359 = arith.addi %mul3A_356, %mul3A_358 : i32
        "tpu.region"() ({
          %run_scoped3A = tpu.sem_alloc : memref<!tpu.dma_semaphore, #tpu.memory_space<semaphore_mem>>
          %dma_start3A_403 = tpu.memref_slice %arg5[%add3A_359] : memref<320000xi32, #tpu.memory_space<hbm>> -> memref<80xi32, #tpu.memory_space<hbm>>
          %dma_start3A_404 = tpu.memref_slice %arg5[%add3A_359] : memref<320000xi32, #tpu.memory_space<hbm>> -> memref<80xi32, #tpu.memory_space<hbm>>
          tpu.enqueue_dma source(%dma_start3A_404 : memref<80xi32, #tpu.memory_space<hbm>>) target(%arg8 : memref<80xi32, #tpu.memory_space<vmem>>) target_semaphore(%run_scoped3A : memref<!tpu.dma_semaphore, #tpu.memory_space<semaphore_mem>>)
          %dma_wait3A_405 = tpu.memref_slice %arg5[%add3A_359] : memref<320000xi32, #tpu.memory_space<hbm>> -> memref<80xi32, #tpu.memory_space<hbm>>
          %dma_wait3A_406 = tpu.memref_slice %arg5[%add3A_359] : memref<320000xi32, #tpu.memory_space<hbm>> -> memref<80xi32, #tpu.memory_space<hbm>>
          tpu.wait_dma2 semaphore(%run_scoped3A : memref<!tpu.dma_semaphore, #tpu.memory_space<semaphore_mem>>) src(%dma_wait3A_406 : memref<80xi32, #tpu.memory_space<hbm>>) dst(%arg8 : memref<80xi32, #tpu.memory_space<vmem>>)
          tpu.yield
        }) : () -> ()
        "tpu.region"() ({
          %run_scoped3A = tpu.sem_alloc : memref<!tpu.dma_semaphore, #tpu.memory_space<semaphore_mem>>
          %dma_start3A_403 = tpu.memref_slice %arg6[%add3A_359] : memref<320000xi32, #tpu.memory_space<hbm>> -> memref<80xi32, #tpu.memory_space<hbm>>
          %dma_start3A_404 = tpu.memref_slice %arg6[%add3A_359] : memref<320000xi32, #tpu.memory_space<hbm>> -> memref<80xi32, #tpu.memory_space<hbm>>
          tpu.enqueue_dma source(%dma_start3A_404 : memref<80xi32, #tpu.memory_space<hbm>>) target(%arg10 : memref<80xi32, #tpu.memory_space<vmem>>) target_semaphore(%run_scoped3A : memref<!tpu.dma_semaphore, #tpu.memory_space<semaphore_mem>>)
          %dma_wait3A_405 = tpu.memref_slice %arg6[%add3A_359] : memref<320000xi32, #tpu.memory_space<hbm>> -> memref<80xi32, #tpu.memory_space<hbm>>
          %dma_wait3A_406 = tpu.memref_slice %arg6[%add3A_359] : memref<320000xi32, #tpu.memory_space<hbm>> -> memref<80xi32, #tpu.memory_space<hbm>>
          tpu.wait_dma2 semaphore(%run_scoped3A : memref<!tpu.dma_semaphore, #tpu.memory_space<semaphore_mem>>) src(%dma_wait3A_406 : memref<80xi32, #tpu.memory_space<hbm>>) dst(%arg10 : memref<80xi32, #tpu.memory_space<vmem>>)
          tpu.yield
        }) : () -> ()
        %dma_start3A_360 = arith.constant 0 : i32
        %dma_start3A_361 = arith.constant 0 : i32
        %dma_start3A_362 = tpu.memref_slice %arg2[%dma_start3A_360, %dma_start3A_361] : memref<10000x128xf32, #tpu.memory_space<hbm>> -> memref<10000x128xf32, #tpu.memory_space<hbm>>
        tpu.enqueue_indirect_dma source(%dma_start3A_362 : memref<10000x128xf32, #tpu.memory_space<hbm>>) target(%arg16 : memref<80x128xf32, #tpu.memory_space<vmem>>) offsets(%arg8 : memref<80xi32, #tpu.memory_space<vmem>>) semaphore(%arg21 : memref<!tpu.dma_semaphore, #tpu.memory_space<semaphore_mem>>)
        %add3A_363 = arith.constant 0 : i32
        %add3A_364 = arith.addi %add3A_359, %add3A_363 : i32
        %add3A_365 = vector.broadcast %add3A_364 : i32 to vector<16xi32>
        %add3A_366 = arith.addi %iota3A, %add3A_365 : vector<16xi32>
        %swap3A_367 = arith.constant 0 : index
        %swap3A_368 = tpu.vector_load %arg14[%swap3A_367] {strides = array<i32>} : memref<80xi32, #tpu.memory_space<vmem>>, vector<16xi32>,
        %swap3A_369 = vector.shape_cast %swap3A_368 : vector<16xi32> to vector<16xi32>
        %swap3A_370 = vector.shape_cast %add3A_366 : vector<16xi32> to vector<16xi32>
        tpu.vector_store %arg14[%swap3A_367], %swap3A_370 {strides = array<i32>} : memref<80xi32, #tpu.memory_space<vmem>>, vector<16xi32>,
        %add3A_371 = arith.constant 16 : i32
        %add3A_372 = arith.addi %add3A_359, %add3A_371 : i32
        %add3A_373 = vector.broadcast %add3A_372 : i32 to vector<16xi32>
        %add3A_374 = arith.addi %iota3A, %add3A_373 : vector<16xi32>
        %swap3A_375 = arith.constant 16 : index
        %swap3A_376 = tpu.vector_load %arg14[%swap3A_375] {strides = array<i32>} : memref<80xi32, #tpu.memory_space<vmem>>, vector<16xi32>,
        %swap3A_377 = vector.shape_cast %swap3A_376 : vector<16xi32> to vector<16xi32>
        %swap3A_378 = vector.shape_cast %add3A_374 : vector<16xi32> to vector<16xi32>
        tpu.vector_store %arg14[%swap3A_375], %swap3A_378 {strides = array<i32>} : memref<80xi32, #tpu.memory_space<vmem>>, vector<16xi32>,
        %add3A_379 = arith.constant 32 : i32
        %add3A_380 = arith.addi %add3A_359, %add3A_379 : i32
        %add3A_381 = vector.broadcast %add3A_380 : i32 to vector<16xi32>
        %add3A_382 = arith.addi %iota3A, %add3A_381 : vector<16xi32>
        %swap3A_383 = arith.constant 32 : index
        %swap3A_384 = tpu.vector_load %arg14[%swap3A_383] {strides = array<i32>} : memref<80xi32, #tpu.memory_space<vmem>>, vector<16xi32>,
        %swap3A_385 = vector.shape_cast %swap3A_384 : vector<16xi32> to vector<16xi32>
        %swap3A_386 = vector.shape_cast %add3A_382 : vector<16xi32> to vector<16xi32>
        tpu.vector_store %arg14[%swap3A_383], %swap3A_386 {strides = array<i32>} : memref<80xi32, #tpu.memory_space<vmem>>, vector<16xi32>,
        %add3A_387 = arith.constant 48 : i32
        %add3A_388 = arith.addi %add3A_359, %add3A_387 : i32
        %add3A_389 = vector.broadcast %add3A_388 : i32 to vector<16xi32>
        %add3A_390 = arith.addi %iota3A, %add3A_389 : vector<16xi32>
        %swap3A_391 = arith.constant 48 : index
        %swap3A_392 = tpu.vector_load %arg14[%swap3A_391] {strides = array<i32>} : memref<80xi32, #tpu.memory_space<vmem>>, vector<16xi32>,
        %swap3A_393 = vector.shape_cast %swap3A_392 : vector<16xi32> to vector<16xi32>
        %swap3A_394 = vector.shape_cast %add3A_390 : vector<16xi32> to vector<16xi32>
        tpu.vector_store %arg14[%swap3A_391], %swap3A_394 {strides = array<i32>} : memref<80xi32, #tpu.memory_space<vmem>>, vector<16xi32>,
        %add3A_395 = arith.constant 64 : i32
        %add3A_396 = arith.addi %add3A_359, %add3A_395 : i32
        %add3A_397 = vector.broadcast %add3A_396 : i32 to vector<16xi32>
        %add3A_398 = arith.addi %iota3A, %add3A_397 : vector<16xi32>
        %swap3A_399 = arith.constant 64 : index
        %swap3A_400 = tpu.vector_load %arg14[%swap3A_399] {strides = array<i32>} : memref<80xi32, #tpu.memory_space<vmem>>, vector<16xi32>,
        %swap3A_401 = vector.shape_cast %swap3A_400 : vector<16xi32> to vector<16xi32>
        %swap3A_402 = vector.shape_cast %add3A_398 : vector<16xi32> to vector<16xi32>
        tpu.vector_store %arg14[%swap3A_399], %swap3A_402 {strides = array<i32>} : memref<80xi32, #tpu.memory_space<vmem>>, vector<16xi32>,
      } else {
      }
      %add3A_282 = arith.constant 1 : i32
      %add3A_283 = arith.addi %mul3A_209, %add3A_282 : i32
      %dma_wait3A_284 = arith.constant 0 : i32
      %dma_wait3A_285 = arith.constant 0 : i32
      %dma_wait3A_286 = tpu.memref_slice %arg3[%dma_wait3A_284, %dma_wait3A_285] : memref<10000x128xf32, #tpu.memory_space<hbm>> -> memref<10000x128xf32, #tpu.memory_space<hbm>>
      tpu.wait_indirect_dma semaphore(%arg24 : memref<!tpu.dma_semaphore, #tpu.memory_space<semaphore_mem>>) src(%dma_wait3A_286 : memref<10000x128xf32, #tpu.memory_space<hbm>>) dst(%arg17 : memref<80x128xf32, #tpu.memory_space<vmem>>)
      %dma_wait3A_287 = arith.constant 0 : i32
      %dma_wait3A_288 = arith.constant 0 : i32
      %dma_wait3A_289 = tpu.memref_slice %arg4[%dma_wait3A_287, %dma_wait3A_288] : memref<320000x128xf32, #tpu.memory_space<hbm>> -> memref<320000x128xf32, #tpu.memory_space<hbm>>
      tpu.wait_indirect_dma semaphore(%arg24 : memref<!tpu.dma_semaphore, #tpu.memory_space<semaphore_mem>>) src(%dma_wait3A_289 : memref<320000x128xf32, #tpu.memory_space<hbm>>) dst(%arg17 : memref<80x128xf32, #tpu.memory_space<vmem>>)
      %ge3A_290 = arith.constant 2 : i32
      %ge3A_291 = arith.cmpi sge, %add3A_283, %ge3A_290 : i32
      %convert_element_type3A_292 = arith.extui %ge3A_291 : i1 to i32
      %cond3A_293 = arith.constant 0 : i32
      %cond3A_294 = arith.cmpi ne, %convert_element_type3A_292, %cond3A_293 : i32
      scf.if %cond3A_294 {
        %dma_wait3A_353 = arith.constant 0 : i32
        %dma_wait3A_354 = arith.constant 0 : i32
        %dma_wait3A_355 = tpu.memref_slice %arg20[%dma_wait3A_353, %dma_wait3A_354] : memref<10000x128xf32, #tpu.memory_space<vmem_shared>> -> memref<10000x128xf32, #tpu.memory_space<vmem_shared>>
        tpu.wait_indirect_dma semaphore(%arg26 : memref<!tpu.dma_semaphore, #tpu.memory_space<semaphore_mem>>) src(%arg19 : memref<80x128xf32, #tpu.memory_space<vmem>>) dst(%dma_wait3A_355 : memref<10000x128xf32, #tpu.memory_space<vmem_shared>>)
      } else {
      }
      %scan3A_295 = arith.constant 0 : i32
      %scan3A_296 = arith.constant 0 : i32
      %scan3A_297 = arith.constant 80 : i32
      %scan3A_298 = arith.addi %scan3A_296, %scan3A_297 : i32
      %scan3A_299 = arith.constant 1 : i32
      scf.for %scan3A_353 = %scan3A_296 to %scan3A_298 step %scan3A_299  : i32 {
        %get3A_354 = arith.index_cast %scan3A_353 : i32 to index
        %get3A_355 = arith.constant 0 : index
        %get3A_356 = tpu.vector_load %arg17[%get3A_354, %get3A_355] {strides = array<i32>} : memref<80x128xf32, #tpu.memory_space<vmem>>, vector<1x16xf32>,
        %get3A_357 = vector.shape_cast %get3A_356 : vector<1x16xf32> to vector<16xf32>
        %max3A = arith.constant 0.000000e+00 : f32
        %max3A_358 = vector.broadcast %max3A : f32 to vector<16xf32>
        %max3A_359 = arith.maximumf %get3A_357, %max3A_358 : vector<16xf32>
        %swap3A_360 = arith.index_cast %scan3A_353 : i32 to index
        %swap3A_361 = arith.constant 0 : index
        %swap3A_362 = tpu.vector_load %arg19[%swap3A_360, %swap3A_361] {strides = array<i32>} : memref<80x128xf32, #tpu.memory_space<vmem>>, vector<1x16xf32>,
        %swap3A_363 = vector.shape_cast %swap3A_362 : vector<1x16xf32> to vector<16xf32>
        %swap3A_364 = vector.shape_cast %max3A_359 : vector<16xf32> to vector<1x16xf32>
        tpu.vector_store %arg19[%swap3A_360, %swap3A_361], %swap3A_364 {strides = array<i32>} : memref<80x128xf32, #tpu.memory_space<vmem>>, vector<1x16xf32>,
        %get3A_365 = arith.index_cast %scan3A_353 : i32 to index
        %get3A_366 = arith.constant 16 : index
        %get3A_367 = tpu.vector_load %arg17[%get3A_365, %get3A_366] {strides = array<i32>} : memref<80x128xf32, #tpu.memory_space<vmem>>, vector<1x16xf32>,
        %get3A_368 = vector.shape_cast %get3A_367 : vector<1x16xf32> to vector<16xf32>
        %max3A_369 = arith.constant 0.000000e+00 : f32
        %max3A_370 = vector.broadcast %max3A_369 : f32 to vector<16xf32>
        %max3A_371 = arith.maximumf %get3A_368, %max3A_370 : vector<16xf32>
        %swap3A_372 = arith.index_cast %scan3A_353 : i32 to index
        %swap3A_373 = arith.constant 16 : index
        %swap3A_374 = tpu.vector_load %arg19[%swap3A_372, %swap3A_373] {strides = array<i32>} : memref<80x128xf32, #tpu.memory_space<vmem>>, vector<1x16xf32>,
        %swap3A_375 = vector.shape_cast %swap3A_374 : vector<1x16xf32> to vector<16xf32>
        %swap3A_376 = vector.shape_cast %max3A_371 : vector<16xf32> to vector<1x16xf32>
        tpu.vector_store %arg19[%swap3A_372, %swap3A_373], %swap3A_376 {strides = array<i32>} : memref<80x128xf32, #tpu.memory_space<vmem>>, vector<1x16xf32>,
        %get3A_377 = arith.index_cast %scan3A_353 : i32 to index
        %get3A_378 = arith.constant 32 : index
        %get3A_379 = tpu.vector_load %arg17[%get3A_377, %get3A_378] {strides = array<i32>} : memref<80x128xf32, #tpu.memory_space<vmem>>, vector<1x16xf32>,
        %get3A_380 = vector.shape_cast %get3A_379 : vector<1x16xf32> to vector<16xf32>
        %max3A_381 = arith.constant 0.000000e+00 : f32
        %max3A_382 = vector.broadcast %max3A_381 : f32 to vector<16xf32>
        %max3A_383 = arith.maximumf %get3A_380, %max3A_382 : vector<16xf32>
        %swap3A_384 = arith.index_cast %scan3A_353 : i32 to index
        %swap3A_385 = arith.constant 32 : index
        %swap3A_386 = tpu.vector_load %arg19[%swap3A_384, %swap3A_385] {strides = array<i32>} : memref<80x128xf32, #tpu.memory_space<vmem>>, vector<1x16xf32>,
        %swap3A_387 = vector.shape_cast %swap3A_386 : vector<1x16xf32> to vector<16xf32>
        %swap3A_388 = vector.shape_cast %max3A_383 : vector<16xf32> to vector<1x16xf32>
        tpu.vector_store %arg19[%swap3A_384, %swap3A_385], %swap3A_388 {strides = array<i32>} : memref<80x128xf32, #tpu.memory_space<vmem>>, vector<1x16xf32>,
        %get3A_389 = arith.index_cast %scan3A_353 : i32 to index
        %get3A_390 = arith.constant 48 : index
        %get3A_391 = tpu.vector_load %arg17[%get3A_389, %get3A_390] {strides = array<i32>} : memref<80x128xf32, #tpu.memory_space<vmem>>, vector<1x16xf32>,
        %get3A_392 = vector.shape_cast %get3A_391 : vector<1x16xf32> to vector<16xf32>
        %max3A_393 = arith.constant 0.000000e+00 : f32
        %max3A_394 = vector.broadcast %max3A_393 : f32 to vector<16xf32>
        %max3A_395 = arith.maximumf %get3A_392, %max3A_394 : vector<16xf32>
        %swap3A_396 = arith.index_cast %scan3A_353 : i32 to index
        %swap3A_397 = arith.constant 48 : index
        %swap3A_398 = tpu.vector_load %arg19[%swap3A_396, %swap3A_397] {strides = array<i32>} : memref<80x128xf32, #tpu.memory_space<vmem>>, vector<1x16xf32>,
        %swap3A_399 = vector.shape_cast %swap3A_398 : vector<1x16xf32> to vector<16xf32>
        %swap3A_400 = vector.shape_cast %max3A_395 : vector<16xf32> to vector<1x16xf32>
        tpu.vector_store %arg19[%swap3A_396, %swap3A_397], %swap3A_400 {strides = array<i32>} : memref<80x128xf32, #tpu.memory_space<vmem>>, vector<1x16xf32>,
        %get3A_401 = arith.index_cast %scan3A_353 : i32 to index
        %get3A_402 = arith.constant 64 : index
        %get3A_403 = tpu.vector_load %arg17[%get3A_401, %get3A_402] {strides = array<i32>} : memref<80x128xf32, #tpu.memory_space<vmem>>, vector<1x16xf32>,
        %get3A_404 = vector.shape_cast %get3A_403 : vector<1x16xf32> to vector<16xf32>
        %max3A_405 = arith.constant 0.000000e+00 : f32
        %max3A_406 = vector.broadcast %max3A_405 : f32 to vector<16xf32>
        %max3A_407 = arith.maximumf %get3A_404, %max3A_406 : vector<16xf32>
        %swap3A_408 = arith.index_cast %scan3A_353 : i32 to index
        %swap3A_409 = arith.constant 64 : index
        %swap3A_410 = tpu.vector_load %arg19[%swap3A_408, %swap3A_409] {strides = array<i32>} : memref<80x128xf32, #tpu.memory_space<vmem>>, vector<1x16xf32>,
        %swap3A_411 = vector.shape_cast %swap3A_410 : vector<1x16xf32> to vector<16xf32>
        %swap3A_412 = vector.shape_cast %max3A_407 : vector<16xf32> to vector<1x16xf32>
        tpu.vector_store %arg19[%swap3A_408, %swap3A_409], %swap3A_412 {strides = array<i32>} : memref<80x128xf32, #tpu.memory_space<vmem>>, vector<1x16xf32>,
        %get3A_413 = arith.index_cast %scan3A_353 : i32 to index
        %get3A_414 = arith.constant 80 : index
        %get3A_415 = tpu.vector_load %arg17[%get3A_413, %get3A_414] {strides = array<i32>} : memref<80x128xf32, #tpu.memory_space<vmem>>, vector<1x16xf32>,
        %get3A_416 = vector.shape_cast %get3A_415 : vector<1x16xf32> to vector<16xf32>
        %max3A_417 = arith.constant 0.000000e+00 : f32
        %max3A_418 = vector.broadcast %max3A_417 : f32 to vector<16xf32>
        %max3A_419 = arith.maximumf %get3A_416, %max3A_418 : vector<16xf32>
        %swap3A_420 = arith.index_cast %scan3A_353 : i32 to index
        %swap3A_421 = arith.constant 80 : index
        %swap3A_422 = tpu.vector_load %arg19[%swap3A_420, %swap3A_421] {strides = array<i32>} : memref<80x128xf32, #tpu.memory_space<vmem>>, vector<1x16xf32>,
        %swap3A_423 = vector.shape_cast %swap3A_422 : vector<1x16xf32> to vector<16xf32>
        %swap3A_424 = vector.shape_cast %max3A_419 : vector<16xf32> to vector<1x16xf32>
        tpu.vector_store %arg19[%swap3A_420, %swap3A_421], %swap3A_424 {strides = array<i32>} : memref<80x128xf32, #tpu.memory_space<vmem>>, vector<1x16xf32>,
        %get3A_425 = arith.index_cast %scan3A_353 : i32 to index
        %get3A_426 = arith.constant 96 : index
        %get3A_427 = tpu.vector_load %arg17[%get3A_425, %get3A_426] {strides = array<i32>} : memref<80x128xf32, #tpu.memory_space<vmem>>, vector<1x16xf32>,
        %get3A_428 = vector.shape_cast %get3A_427 : vector<1x16xf32> to vector<16xf32>
        %max3A_429 = arith.constant 0.000000e+00 : f32
        %max3A_430 = vector.broadcast %max3A_429 : f32 to vector<16xf32>
        %max3A_431 = arith.maximumf %get3A_428, %max3A_430 : vector<16xf32>
        %swap3A_432 = arith.index_cast %scan3A_353 : i32 to index
        %swap3A_433 = arith.constant 96 : index
        %swap3A_434 = tpu.vector_load %arg19[%swap3A_432, %swap3A_433] {strides = array<i32>} : memref<80x128xf32, #tpu.memory_space<vmem>>, vector<1x16xf32>,
        %swap3A_435 = vector.shape_cast %swap3A_434 : vector<1x16xf32> to vector<16xf32>
        %swap3A_436 = vector.shape_cast %max3A_431 : vector<16xf32> to vector<1x16xf32>
        tpu.vector_store %arg19[%swap3A_432, %swap3A_433], %swap3A_436 {strides = array<i32>} : memref<80x128xf32, #tpu.memory_space<vmem>>, vector<1x16xf32>,
        %get3A_437 = arith.index_cast %scan3A_353 : i32 to index
        %get3A_438 = arith.constant 112 : index
        %get3A_439 = tpu.vector_load %arg17[%get3A_437, %get3A_438] {strides = array<i32>} : memref<80x128xf32, #tpu.memory_space<vmem>>, vector<1x16xf32>,
        %get3A_440 = vector.shape_cast %get3A_439 : vector<1x16xf32> to vector<16xf32>
        %max3A_441 = arith.constant 0.000000e+00 : f32
        %max3A_442 = vector.broadcast %max3A_441 : f32 to vector<16xf32>
        %max3A_443 = arith.maximumf %get3A_440, %max3A_442 : vector<16xf32>
        %swap3A_444 = arith.index_cast %scan3A_353 : i32 to index
        %swap3A_445 = arith.constant 112 : index
        %swap3A_446 = tpu.vector_load %arg19[%swap3A_444, %swap3A_445] {strides = array<i32>} : memref<80x128xf32, #tpu.memory_space<vmem>>, vector<1x16xf32>,
        %swap3A_447 = vector.shape_cast %swap3A_446 : vector<1x16xf32> to vector<16xf32>
        %swap3A_448 = vector.shape_cast %max3A_443 : vector<16xf32> to vector<1x16xf32>
        tpu.vector_store %arg19[%swap3A_444, %swap3A_445], %swap3A_448 {strides = array<i32>} : memref<80x128xf32, #tpu.memory_space<vmem>>, vector<1x16xf32>,
      }
      %scan3A_300 = arith.constant 80 : i32
      %get3A_301 = arith.constant 0 : index
      %get3A_302 = tpu.vector_load %arg11[%get3A_301] {strides = array<i32>} : memref<80xi32, #tpu.memory_space<vmem>>, vector<16xi32>,
      %get3A_303 = vector.shape_cast %get3A_302 : vector<16xi32> to vector<16xi32>
      %swap3A_304 = arith.constant 0 : index
      %swap3A_305 = tpu.vector_load %arg13[%swap3A_304] {strides = array<i32>} : memref<80xi32, #tpu.memory_space<vmem>>, vector<16xi32>,
      %swap3A_306 = vector.shape_cast %swap3A_305 : vector<16xi32> to vector<16xi32>
      %swap3A_307 = vector.shape_cast %get3A_303 : vector<16xi32> to vector<16xi32>
      tpu.vector_store %arg13[%swap3A_304], %swap3A_307 {strides = array<i32>} : memref<80xi32, #tpu.memory_space<vmem>>, vector<16xi32>,
      %get3A_308 = arith.constant 16 : index
      %get3A_309 = tpu.vector_load %arg11[%get3A_308] {strides = array<i32>} : memref<80xi32, #tpu.memory_space<vmem>>, vector<16xi32>,
      %get3A_310 = vector.shape_cast %get3A_309 : vector<16xi32> to vector<16xi32>
      %swap3A_311 = arith.constant 16 : index
      %swap3A_312 = tpu.vector_load %arg13[%swap3A_311] {strides = array<i32>} : memref<80xi32, #tpu.memory_space<vmem>>, vector<16xi32>,
      %swap3A_313 = vector.shape_cast %swap3A_312 : vector<16xi32> to vector<16xi32>
      %swap3A_314 = vector.shape_cast %get3A_310 : vector<16xi32> to vector<16xi32>
      tpu.vector_store %arg13[%swap3A_311], %swap3A_314 {strides = array<i32>} : memref<80xi32, #tpu.memory_space<vmem>>, vector<16xi32>,
      %get3A_315 = arith.constant 32 : index
      %get3A_316 = tpu.vector_load %arg11[%get3A_315] {strides = array<i32>} : memref<80xi32, #tpu.memory_space<vmem>>, vector<16xi32>,
      %get3A_317 = vector.shape_cast %get3A_316 : vector<16xi32> to vector<16xi32>
      %swap3A_318 = arith.constant 32 : index
      %swap3A_319 = tpu.vector_load %arg13[%swap3A_318] {strides = array<i32>} : memref<80xi32, #tpu.memory_space<vmem>>, vector<16xi32>,
      %swap3A_320 = vector.shape_cast %swap3A_319 : vector<16xi32> to vector<16xi32>
      %swap3A_321 = vector.shape_cast %get3A_317 : vector<16xi32> to vector<16xi32>
      tpu.vector_store %arg13[%swap3A_318], %swap3A_321 {strides = array<i32>} : memref<80xi32, #tpu.memory_space<vmem>>, vector<16xi32>,
      %get3A_322 = arith.constant 48 : index
      %get3A_323 = tpu.vector_load %arg11[%get3A_322] {strides = array<i32>} : memref<80xi32, #tpu.memory_space<vmem>>, vector<16xi32>,
      %get3A_324 = vector.shape_cast %get3A_323 : vector<16xi32> to vector<16xi32>
      %swap3A_325 = arith.constant 48 : index
      %swap3A_326 = tpu.vector_load %arg13[%swap3A_325] {strides = array<i32>} : memref<80xi32, #tpu.memory_space<vmem>>, vector<16xi32>,
      %swap3A_327 = vector.shape_cast %swap3A_326 : vector<16xi32> to vector<16xi32>
      %swap3A_328 = vector.shape_cast %get3A_324 : vector<16xi32> to vector<16xi32>
      tpu.vector_store %arg13[%swap3A_325], %swap3A_328 {strides = array<i32>} : memref<80xi32, #tpu.memory_space<vmem>>, vector<16xi32>,
      %get3A_329 = arith.constant 64 : index
      %get3A_330 = tpu.vector_load %arg11[%get3A_329] {strides = array<i32>} : memref<80xi32, #tpu.memory_space<vmem>>, vector<16xi32>,
      %get3A_331 = vector.shape_cast %get3A_330 : vector<16xi32> to vector<16xi32>
      %swap3A_332 = arith.constant 64 : index
      %swap3A_333 = tpu.vector_load %arg13[%swap3A_332] {strides = array<i32>} : memref<80xi32, #tpu.memory_space<vmem>>, vector<16xi32>,
      %swap3A_334 = vector.shape_cast %swap3A_333 : vector<16xi32> to vector<16xi32>
      %swap3A_335 = vector.shape_cast %get3A_331 : vector<16xi32> to vector<16xi32>
      tpu.vector_store %arg13[%swap3A_332], %swap3A_335 {strides = array<i32>} : memref<80xi32, #tpu.memory_space<vmem>>, vector<16xi32>,
      %dma_start3A_336 = arith.constant 0 : i32
      %dma_start3A_337 = arith.constant 0 : i32
      %dma_start3A_338 = tpu.memref_slice %arg20[%dma_start3A_336, %dma_start3A_337] : memref<10000x128xf32, #tpu.memory_space<vmem_shared>> -> memref<10000x128xf32, #tpu.memory_space<vmem_shared>>
      tpu.enqueue_indirect_dma source(%arg19 : memref<80x128xf32, #tpu.memory_space<vmem>>) target(%dma_start3A_338 : memref<10000x128xf32, #tpu.memory_space<vmem_shared>>) offsets(%arg13 : memref<80xi32, #tpu.memory_space<vmem>>) semaphore(%arg26 : memref<!tpu.dma_semaphore, #tpu.memory_space<semaphore_mem>>) {add = true}
      %add3A_339 = arith.constant 3 : i32
      %add3A_340 = arith.addi %mul3A_209, %add3A_339 : i32
      %lt3A_341 = arith.constant 125 : i32
      %lt3A_342 = arith.cmpi slt, %add3A_340, %lt3A_341 : i32
      %convert_element_type3A_343 = arith.extui %lt3A_342 : i1 to i32
      %cond3A_344 = arith.constant 0 : i32
      %cond3A_345 = arith.cmpi ne, %convert_element_type3A_343, %cond3A_344 : i32
      scf.if %cond3A_345 {
        %add3A_353 = arith.constant 3 : i32
        %add3A_354 = arith.addi %mul3A_209, %add3A_353 : i32
        %mul3A_355 = arith.constant 10000 : i32
        %mul3A_356 = arith.muli %add3A, %mul3A_355 : i32
        %mul3A_357 = arith.constant 80 : i32
        %mul3A_358 = arith.muli %add3A_354, %mul3A_357 : i32
        %add3A_359 = arith.addi %mul3A_356, %mul3A_358 : i32
        "tpu.region"() ({
          %run_scoped3A = tpu.sem_alloc : memref<!tpu.dma_semaphore, #tpu.memory_space<semaphore_mem>>
          %dma_start3A_403 = tpu.memref_slice %arg5[%add3A_359] : memref<320000xi32, #tpu.memory_space<hbm>> -> memref<80xi32, #tpu.memory_space<hbm>>
          %dma_start3A_404 = tpu.memref_slice %arg5[%add3A_359] : memref<320000xi32, #tpu.memory_space<hbm>> -> memref<80xi32, #tpu.memory_space<hbm>>
          tpu.enqueue_dma source(%dma_start3A_404 : memref<80xi32, #tpu.memory_space<hbm>>) target(%arg9 : memref<80xi32, #tpu.memory_space<vmem>>) target_semaphore(%run_scoped3A : memref<!tpu.dma_semaphore, #tpu.memory_space<semaphore_mem>>)
          %dma_wait3A_405 = tpu.memref_slice %arg5[%add3A_359] : memref<320000xi32, #tpu.memory_space<hbm>> -> memref<80xi32, #tpu.memory_space<hbm>>
          %dma_wait3A_406 = tpu.memref_slice %arg5[%add3A_359] : memref<320000xi32, #tpu.memory_space<hbm>> -> memref<80xi32, #tpu.memory_space<hbm>>
          tpu.wait_dma2 semaphore(%run_scoped3A : memref<!tpu.dma_semaphore, #tpu.memory_space<semaphore_mem>>) src(%dma_wait3A_406 : memref<80xi32, #tpu.memory_space<hbm>>) dst(%arg9 : memref<80xi32, #tpu.memory_space<vmem>>)
          tpu.yield
        }) : () -> ()
        "tpu.region"() ({
          %run_scoped3A = tpu.sem_alloc : memref<!tpu.dma_semaphore, #tpu.memory_space<semaphore_mem>>
          %dma_start3A_403 = tpu.memref_slice %arg6[%add3A_359] : memref<320000xi32, #tpu.memory_space<hbm>> -> memref<80xi32, #tpu.memory_space<hbm>>
          %dma_start3A_404 = tpu.memref_slice %arg6[%add3A_359] : memref<320000xi32, #tpu.memory_space<hbm>> -> memref<80xi32, #tpu.memory_space<hbm>>
          tpu.enqueue_dma source(%dma_start3A_404 : memref<80xi32, #tpu.memory_space<hbm>>) target(%arg11 : memref<80xi32, #tpu.memory_space<vmem>>) target_semaphore(%run_scoped3A : memref<!tpu.dma_semaphore, #tpu.memory_space<semaphore_mem>>)
          %dma_wait3A_405 = tpu.memref_slice %arg6[%add3A_359] : memref<320000xi32, #tpu.memory_space<hbm>> -> memref<80xi32, #tpu.memory_space<hbm>>
          %dma_wait3A_406 = tpu.memref_slice %arg6[%add3A_359] : memref<320000xi32, #tpu.memory_space<hbm>> -> memref<80xi32, #tpu.memory_space<hbm>>
          tpu.wait_dma2 semaphore(%run_scoped3A : memref<!tpu.dma_semaphore, #tpu.memory_space<semaphore_mem>>) src(%dma_wait3A_406 : memref<80xi32, #tpu.memory_space<hbm>>) dst(%arg11 : memref<80xi32, #tpu.memory_space<vmem>>)
          tpu.yield
        }) : () -> ()
        %dma_start3A_360 = arith.constant 0 : i32
        %dma_start3A_361 = arith.constant 0 : i32
        %dma_start3A_362 = tpu.memref_slice %arg2[%dma_start3A_360, %dma_start3A_361] : memref<10000x128xf32, #tpu.memory_space<hbm>> -> memref<10000x128xf32, #tpu.memory_space<hbm>>
        tpu.enqueue_indirect_dma source(%dma_start3A_362 : memref<10000x128xf32, #tpu.memory_space<hbm>>) target(%arg17 : memref<80x128xf32, #tpu.memory_space<vmem>>) offsets(%arg9 : memref<80xi32, #tpu.memory_space<vmem>>) semaphore(%arg22 : memref<!tpu.dma_semaphore, #tpu.memory_space<semaphore_mem>>)
        %add3A_363 = arith.constant 0 : i32
        %add3A_364 = arith.addi %add3A_359, %add3A_363 : i32
        %add3A_365 = vector.broadcast %add3A_364 : i32 to vector<16xi32>
        %add3A_366 = arith.addi %iota3A, %add3A_365 : vector<16xi32>
        %swap3A_367 = arith.constant 0 : index
        %swap3A_368 = tpu.vector_load %arg15[%swap3A_367] {strides = array<i32>} : memref<80xi32, #tpu.memory_space<vmem>>, vector<16xi32>,
        %swap3A_369 = vector.shape_cast %swap3A_368 : vector<16xi32> to vector<16xi32>
        %swap3A_370 = vector.shape_cast %add3A_366 : vector<16xi32> to vector<16xi32>
        tpu.vector_store %arg15[%swap3A_367], %swap3A_370 {strides = array<i32>} : memref<80xi32, #tpu.memory_space<vmem>>, vector<16xi32>,
        %add3A_371 = arith.constant 16 : i32
        %add3A_372 = arith.addi %add3A_359, %add3A_371 : i32
        %add3A_373 = vector.broadcast %add3A_372 : i32 to vector<16xi32>
        %add3A_374 = arith.addi %iota3A, %add3A_373 : vector<16xi32>
        %swap3A_375 = arith.constant 16 : index
        %swap3A_376 = tpu.vector_load %arg15[%swap3A_375] {strides = array<i32>} : memref<80xi32, #tpu.memory_space<vmem>>, vector<16xi32>,
        %swap3A_377 = vector.shape_cast %swap3A_376 : vector<16xi32> to vector<16xi32>
        %swap3A_378 = vector.shape_cast %add3A_374 : vector<16xi32> to vector<16xi32>
        tpu.vector_store %arg15[%swap3A_375], %swap3A_378 {strides = array<i32>} : memref<80xi32, #tpu.memory_space<vmem>>, vector<16xi32>,
        %add3A_379 = arith.constant 32 : i32
        %add3A_380 = arith.addi %add3A_359, %add3A_379 : i32
        %add3A_381 = vector.broadcast %add3A_380 : i32 to vector<16xi32>
        %add3A_382 = arith.addi %iota3A, %add3A_381 : vector<16xi32>
        %swap3A_383 = arith.constant 32 : index
        %swap3A_384 = tpu.vector_load %arg15[%swap3A_383] {strides = array<i32>} : memref<80xi32, #tpu.memory_space<vmem>>, vector<16xi32>,
        %swap3A_385 = vector.shape_cast %swap3A_384 : vector<16xi32> to vector<16xi32>
        %swap3A_386 = vector.shape_cast %add3A_382 : vector<16xi32> to vector<16xi32>
        tpu.vector_store %arg15[%swap3A_383], %swap3A_386 {strides = array<i32>} : memref<80xi32, #tpu.memory_space<vmem>>, vector<16xi32>,
        %add3A_387 = arith.constant 48 : i32
        %add3A_388 = arith.addi %add3A_359, %add3A_387 : i32
        %add3A_389 = vector.broadcast %add3A_388 : i32 to vector<16xi32>
        %add3A_390 = arith.addi %iota3A, %add3A_389 : vector<16xi32>
        %swap3A_391 = arith.constant 48 : index
        %swap3A_392 = tpu.vector_load %arg15[%swap3A_391] {strides = array<i32>} : memref<80xi32, #tpu.memory_space<vmem>>, vector<16xi32>,
        %swap3A_393 = vector.shape_cast %swap3A_392 : vector<16xi32> to vector<16xi32>
        %swap3A_394 = vector.shape_cast %add3A_390 : vector<16xi32> to vector<16xi32>
        tpu.vector_store %arg15[%swap3A_391], %swap3A_394 {strides = array<i32>} : memref<80xi32, #tpu.memory_space<vmem>>, vector<16xi32>,
        %add3A_395 = arith.constant 64 : i32
        %add3A_396 = arith.addi %add3A_359, %add3A_395 : i32
        %add3A_397 = vector.broadcast %add3A_396 : i32 to vector<16xi32>
        %add3A_398 = arith.addi %iota3A, %add3A_397 : vector<16xi32>
        %swap3A_399 = arith.constant 64 : index
        %swap3A_400 = tpu.vector_load %arg15[%swap3A_399] {strides = array<i32>} : memref<80xi32, #tpu.memory_space<vmem>>, vector<16xi32>,
        %swap3A_401 = vector.shape_cast %swap3A_400 : vector<16xi32> to vector<16xi32>
        %swap3A_402 = vector.shape_cast %add3A_398 : vector<16xi32> to vector<16xi32>
        tpu.vector_store %arg15[%swap3A_399], %swap3A_402 {strides = array<i32>} : memref<80xi32, #tpu.memory_space<vmem>>, vector<16xi32>,
      } else {
      }
      %add3A_346 = arith.constant 2 : i32
      %add3A_347 = arith.addi %mul3A_209, %add3A_346 : i32
      %lt3A_348 = arith.constant 125 : i32
      %lt3A_349 = arith.cmpi slt, %add3A_347, %lt3A_348 : i32
      %convert_element_type3A_350 = arith.extui %lt3A_349 : i1 to i32
      %cond3A_351 = arith.constant 0 : i32
      %cond3A_352 = arith.cmpi ne, %convert_element_type3A_350, %cond3A_351 : i32
      scf.if %cond3A_352 {
        %add3A_353 = arith.constant 2 : i32
        %add3A_354 = arith.addi %mul3A_209, %add3A_353 : i32
        %dma_wait3A_355 = arith.constant 0 : i32
        %dma_wait3A_356 = arith.constant 0 : i32
        %dma_wait3A_357 = tpu.memref_slice %arg2[%dma_wait3A_355, %dma_wait3A_356] : memref<10000x128xf32, #tpu.memory_space<hbm>> -> memref<10000x128xf32, #tpu.memory_space<hbm>>
        tpu.wait_indirect_dma semaphore(%arg21 : memref<!tpu.dma_semaphore, #tpu.memory_space<semaphore_mem>>) src(%dma_wait3A_357 : memref<10000x128xf32, #tpu.memory_space<hbm>>) dst(%arg16 : memref<80x128xf32, #tpu.memory_space<vmem>>)
        %dma_start3A_358 = arith.constant 0 : i32
        %dma_start3A_359 = arith.constant 0 : i32
        %dma_start3A_360 = tpu.memref_slice %arg3[%dma_start3A_358, %dma_start3A_359] : memref<10000x128xf32, #tpu.memory_space<hbm>> -> memref<10000x128xf32, #tpu.memory_space<hbm>>
        tpu.enqueue_indirect_dma source(%dma_start3A_360 : memref<10000x128xf32, #tpu.memory_space<hbm>>) target(%arg16 : memref<80x128xf32, #tpu.memory_space<vmem>>) offsets(%arg10 : memref<80xi32, #tpu.memory_space<vmem>>) semaphore(%arg23 : memref<!tpu.dma_semaphore, #tpu.memory_space<semaphore_mem>>) {add = true}
        %dma_start3A_361 = arith.constant 0 : i32
        %dma_start3A_362 = arith.constant 0 : i32
        %dma_start3A_363 = tpu.memref_slice %arg4[%dma_start3A_361, %dma_start3A_362] : memref<320000x128xf32, #tpu.memory_space<hbm>> -> memref<320000x128xf32, #tpu.memory_space<hbm>>
        tpu.enqueue_indirect_dma source(%dma_start3A_363 : memref<320000x128xf32, #tpu.memory_space<hbm>>) target(%arg16 : memref<80x128xf32, #tpu.memory_space<vmem>>) offsets(%arg14 : memref<80xi32, #tpu.memory_space<vmem>>) semaphore(%arg23 : memref<!tpu.dma_semaphore, #tpu.memory_space<semaphore_mem>>) {add = true}
      } else {
      }
    }
    %scan3A_145 = arith.constant 62 : i32
    %dma_wait3A_146 = arith.constant 0 : i32
    %dma_wait3A_147 = arith.constant 0 : i32
    %dma_wait3A_148 = tpu.memref_slice %arg3[%dma_wait3A_146, %dma_wait3A_147] : memref<10000x128xf32, #tpu.memory_space<hbm>> -> memref<10000x128xf32, #tpu.memory_space<hbm>>
    tpu.wait_indirect_dma semaphore(%arg23 : memref<!tpu.dma_semaphore, #tpu.memory_space<semaphore_mem>>) src(%dma_wait3A_148 : memref<10000x128xf32, #tpu.memory_space<hbm>>) dst(%arg16 : memref<80x128xf32, #tpu.memory_space<vmem>>)
    %dma_wait3A_149 = arith.constant 0 : i32
    %dma_wait3A_150 = arith.constant 0 : i32
    %dma_wait3A_151 = tpu.memref_slice %arg4[%dma_wait3A_149, %dma_wait3A_150] : memref<320000x128xf32, #tpu.memory_space<hbm>> -> memref<320000x128xf32, #tpu.memory_space<hbm>>
    tpu.wait_indirect_dma semaphore(%arg23 : memref<!tpu.dma_semaphore, #tpu.memory_space<semaphore_mem>>) src(%dma_wait3A_151 : memref<320000x128xf32, #tpu.memory_space<hbm>>) dst(%arg16 : memref<80x128xf32, #tpu.memory_space<vmem>>)
    %ge3A = arith.constant 124 : i32
    %ge3A_152 = arith.constant 2 : i32
    %ge3A_153 = arith.cmpi sge, %ge3A, %ge3A_152 : i32
    %convert_element_type3A = arith.extui %ge3A_153 : i1 to i32
    %cond3A = arith.constant 0 : i32
    %cond3A_154 = arith.cmpi ne, %convert_element_type3A, %cond3A : i32
    scf.if %cond3A_154 {
      %dma_wait3A_207 = arith.constant 0 : i32
      %dma_wait3A_208 = arith.constant 0 : i32
      %dma_wait3A_209 = tpu.memref_slice %arg20[%dma_wait3A_207, %dma_wait3A_208] : memref<10000x128xf32, #tpu.memory_space<vmem_shared>> -> memref<10000x128xf32, #tpu.memory_space<vmem_shared>>
      tpu.wait_indirect_dma semaphore(%arg25 : memref<!tpu.dma_semaphore, #tpu.memory_space<semaphore_mem>>) src(%arg18 : memref<80x128xf32, #tpu.memory_space<vmem>>) dst(%dma_wait3A_209 : memref<10000x128xf32, #tpu.memory_space<vmem_shared>>)
    } else {
    }
    %scan3A_155 = arith.constant 0 : i32
    %scan3A_156 = arith.constant 0 : i32
    %scan3A_157 = arith.constant 80 : i32
    %scan3A_158 = arith.addi %scan3A_156, %scan3A_157 : i32
    %scan3A_159 = arith.constant 1 : i32
    scf.for %scan3A_207 = %scan3A_156 to %scan3A_158 step %scan3A_159  : i32 {
      %get3A_208 = arith.index_cast %scan3A_207 : i32 to index
      %get3A_209 = arith.constant 0 : index
      %get3A_210 = tpu.vector_load %arg16[%get3A_208, %get3A_209] {strides = array<i32>} : memref<80x128xf32, #tpu.memory_space<vmem>>, vector<1x16xf32>,
      %get3A_211 = vector.shape_cast %get3A_210 : vector<1x16xf32> to vector<16xf32>
      %max3A = arith.constant 0.000000e+00 : f32
      %max3A_212 = vector.broadcast %max3A : f32 to vector<16xf32>
      %max3A_213 = arith.maximumf %get3A_211, %max3A_212 : vector<16xf32>
      %swap3A_214 = arith.index_cast %scan3A_207 : i32 to index
      %swap3A_215 = arith.constant 0 : index
      %swap3A_216 = tpu.vector_load %arg18[%swap3A_214, %swap3A_215] {strides = array<i32>} : memref<80x128xf32, #tpu.memory_space<vmem>>, vector<1x16xf32>,
      %swap3A_217 = vector.shape_cast %swap3A_216 : vector<1x16xf32> to vector<16xf32>
      %swap3A_218 = vector.shape_cast %max3A_213 : vector<16xf32> to vector<1x16xf32>
      tpu.vector_store %arg18[%swap3A_214, %swap3A_215], %swap3A_218 {strides = array<i32>} : memref<80x128xf32, #tpu.memory_space<vmem>>, vector<1x16xf32>,
      %get3A_219 = arith.index_cast %scan3A_207 : i32 to index
      %get3A_220 = arith.constant 16 : index
      %get3A_221 = tpu.vector_load %arg16[%get3A_219, %get3A_220] {strides = array<i32>} : memref<80x128xf32, #tpu.memory_space<vmem>>, vector<1x16xf32>,
      %get3A_222 = vector.shape_cast %get3A_221 : vector<1x16xf32> to vector<16xf32>
      %max3A_223 = arith.constant 0.000000e+00 : f32
      %max3A_224 = vector.broadcast %max3A_223 : f32 to vector<16xf32>
      %max3A_225 = arith.maximumf %get3A_222, %max3A_224 : vector<16xf32>
      %swap3A_226 = arith.index_cast %scan3A_207 : i32 to index
      %swap3A_227 = arith.constant 16 : index
      %swap3A_228 = tpu.vector_load %arg18[%swap3A_226, %swap3A_227] {strides = array<i32>} : memref<80x128xf32, #tpu.memory_space<vmem>>, vector<1x16xf32>,
      %swap3A_229 = vector.shape_cast %swap3A_228 : vector<1x16xf32> to vector<16xf32>
      %swap3A_230 = vector.shape_cast %max3A_225 : vector<16xf32> to vector<1x16xf32>
      tpu.vector_store %arg18[%swap3A_226, %swap3A_227], %swap3A_230 {strides = array<i32>} : memref<80x128xf32, #tpu.memory_space<vmem>>, vector<1x16xf32>,
      %get3A_231 = arith.index_cast %scan3A_207 : i32 to index
      %get3A_232 = arith.constant 32 : index
      %get3A_233 = tpu.vector_load %arg16[%get3A_231, %get3A_232] {strides = array<i32>} : memref<80x128xf32, #tpu.memory_space<vmem>>, vector<1x16xf32>,
      %get3A_234 = vector.shape_cast %get3A_233 : vector<1x16xf32> to vector<16xf32>
      %max3A_235 = arith.constant 0.000000e+00 : f32
      %max3A_236 = vector.broadcast %max3A_235 : f32 to vector<16xf32>
      %max3A_237 = arith.maximumf %get3A_234, %max3A_236 : vector<16xf32>
      %swap3A_238 = arith.index_cast %scan3A_207 : i32 to index
      %swap3A_239 = arith.constant 32 : index
      %swap3A_240 = tpu.vector_load %arg18[%swap3A_238, %swap3A_239] {strides = array<i32>} : memref<80x128xf32, #tpu.memory_space<vmem>>, vector<1x16xf32>,
      %swap3A_241 = vector.shape_cast %swap3A_240 : vector<1x16xf32> to vector<16xf32>
      %swap3A_242 = vector.shape_cast %max3A_237 : vector<16xf32> to vector<1x16xf32>
      tpu.vector_store %arg18[%swap3A_238, %swap3A_239], %swap3A_242 {strides = array<i32>} : memref<80x128xf32, #tpu.memory_space<vmem>>, vector<1x16xf32>,
      %get3A_243 = arith.index_cast %scan3A_207 : i32 to index
      %get3A_244 = arith.constant 48 : index
      %get3A_245 = tpu.vector_load %arg16[%get3A_243, %get3A_244] {strides = array<i32>} : memref<80x128xf32, #tpu.memory_space<vmem>>, vector<1x16xf32>,
      %get3A_246 = vector.shape_cast %get3A_245 : vector<1x16xf32> to vector<16xf32>
      %max3A_247 = arith.constant 0.000000e+00 : f32
      %max3A_248 = vector.broadcast %max3A_247 : f32 to vector<16xf32>
      %max3A_249 = arith.maximumf %get3A_246, %max3A_248 : vector<16xf32>
      %swap3A_250 = arith.index_cast %scan3A_207 : i32 to index
      %swap3A_251 = arith.constant 48 : index
      %swap3A_252 = tpu.vector_load %arg18[%swap3A_250, %swap3A_251] {strides = array<i32>} : memref<80x128xf32, #tpu.memory_space<vmem>>, vector<1x16xf32>,
      %swap3A_253 = vector.shape_cast %swap3A_252 : vector<1x16xf32> to vector<16xf32>
      %swap3A_254 = vector.shape_cast %max3A_249 : vector<16xf32> to vector<1x16xf32>
      tpu.vector_store %arg18[%swap3A_250, %swap3A_251], %swap3A_254 {strides = array<i32>} : memref<80x128xf32, #tpu.memory_space<vmem>>, vector<1x16xf32>,
      %get3A_255 = arith.index_cast %scan3A_207 : i32 to index
      %get3A_256 = arith.constant 64 : index
      %get3A_257 = tpu.vector_load %arg16[%get3A_255, %get3A_256] {strides = array<i32>} : memref<80x128xf32, #tpu.memory_space<vmem>>, vector<1x16xf32>,
      %get3A_258 = vector.shape_cast %get3A_257 : vector<1x16xf32> to vector<16xf32>
      %max3A_259 = arith.constant 0.000000e+00 : f32
      %max3A_260 = vector.broadcast %max3A_259 : f32 to vector<16xf32>
      %max3A_261 = arith.maximumf %get3A_258, %max3A_260 : vector<16xf32>
      %swap3A_262 = arith.index_cast %scan3A_207 : i32 to index
      %swap3A_263 = arith.constant 64 : index
      %swap3A_264 = tpu.vector_load %arg18[%swap3A_262, %swap3A_263] {strides = array<i32>} : memref<80x128xf32, #tpu.memory_space<vmem>>, vector<1x16xf32>,
      %swap3A_265 = vector.shape_cast %swap3A_264 : vector<1x16xf32> to vector<16xf32>
      %swap3A_266 = vector.shape_cast %max3A_261 : vector<16xf32> to vector<1x16xf32>
      tpu.vector_store %arg18[%swap3A_262, %swap3A_263], %swap3A_266 {strides = array<i32>} : memref<80x128xf32, #tpu.memory_space<vmem>>, vector<1x16xf32>,
      %get3A_267 = arith.index_cast %scan3A_207 : i32 to index
      %get3A_268 = arith.constant 80 : index
      %get3A_269 = tpu.vector_load %arg16[%get3A_267, %get3A_268] {strides = array<i32>} : memref<80x128xf32, #tpu.memory_space<vmem>>, vector<1x16xf32>,
      %get3A_270 = vector.shape_cast %get3A_269 : vector<1x16xf32> to vector<16xf32>
      %max3A_271 = arith.constant 0.000000e+00 : f32
      %max3A_272 = vector.broadcast %max3A_271 : f32 to vector<16xf32>
      %max3A_273 = arith.maximumf %get3A_270, %max3A_272 : vector<16xf32>
      %swap3A_274 = arith.index_cast %scan3A_207 : i32 to index
      %swap3A_275 = arith.constant 80 : index
      %swap3A_276 = tpu.vector_load %arg18[%swap3A_274, %swap3A_275] {strides = array<i32>} : memref<80x128xf32, #tpu.memory_space<vmem>>, vector<1x16xf32>,
      %swap3A_277 = vector.shape_cast %swap3A_276 : vector<1x16xf32> to vector<16xf32>
      %swap3A_278 = vector.shape_cast %max3A_273 : vector<16xf32> to vector<1x16xf32>
      tpu.vector_store %arg18[%swap3A_274, %swap3A_275], %swap3A_278 {strides = array<i32>} : memref<80x128xf32, #tpu.memory_space<vmem>>, vector<1x16xf32>,
      %get3A_279 = arith.index_cast %scan3A_207 : i32 to index
      %get3A_280 = arith.constant 96 : index
      %get3A_281 = tpu.vector_load %arg16[%get3A_279, %get3A_280] {strides = array<i32>} : memref<80x128xf32, #tpu.memory_space<vmem>>, vector<1x16xf32>,
      %get3A_282 = vector.shape_cast %get3A_281 : vector<1x16xf32> to vector<16xf32>
      %max3A_283 = arith.constant 0.000000e+00 : f32
      %max3A_284 = vector.broadcast %max3A_283 : f32 to vector<16xf32>
      %max3A_285 = arith.maximumf %get3A_282, %max3A_284 : vector<16xf32>
      %swap3A_286 = arith.index_cast %scan3A_207 : i32 to index
      %swap3A_287 = arith.constant 96 : index
      %swap3A_288 = tpu.vector_load %arg18[%swap3A_286, %swap3A_287] {strides = array<i32>} : memref<80x128xf32, #tpu.memory_space<vmem>>, vector<1x16xf32>,
      %swap3A_289 = vector.shape_cast %swap3A_288 : vector<1x16xf32> to vector<16xf32>
      %swap3A_290 = vector.shape_cast %max3A_285 : vector<16xf32> to vector<1x16xf32>
      tpu.vector_store %arg18[%swap3A_286, %swap3A_287], %swap3A_290 {strides = array<i32>} : memref<80x128xf32, #tpu.memory_space<vmem>>, vector<1x16xf32>,
      %get3A_291 = arith.index_cast %scan3A_207 : i32 to index
      %get3A_292 = arith.constant 112 : index
      %get3A_293 = tpu.vector_load %arg16[%get3A_291, %get3A_292] {strides = array<i32>} : memref<80x128xf32, #tpu.memory_space<vmem>>, vector<1x16xf32>,
      %get3A_294 = vector.shape_cast %get3A_293 : vector<1x16xf32> to vector<16xf32>
      %max3A_295 = arith.constant 0.000000e+00 : f32
      %max3A_296 = vector.broadcast %max3A_295 : f32 to vector<16xf32>
      %max3A_297 = arith.maximumf %get3A_294, %max3A_296 : vector<16xf32>
      %swap3A_298 = arith.index_cast %scan3A_207 : i32 to index
      %swap3A_299 = arith.constant 112 : index
      %swap3A_300 = tpu.vector_load %arg18[%swap3A_298, %swap3A_299] {strides = array<i32>} : memref<80x128xf32, #tpu.memory_space<vmem>>, vector<1x16xf32>,
      %swap3A_301 = vector.shape_cast %swap3A_300 : vector<1x16xf32> to vector<16xf32>
      %swap3A_302 = vector.shape_cast %max3A_297 : vector<16xf32> to vector<1x16xf32>
      tpu.vector_store %arg18[%swap3A_298, %swap3A_299], %swap3A_302 {strides = array<i32>} : memref<80x128xf32, #tpu.memory_space<vmem>>, vector<1x16xf32>,
    }
    %scan3A_160 = arith.constant 80 : i32
    %get3A = arith.constant 0 : index
    %get3A_161 = tpu.vector_load %arg10[%get3A] {strides = array<i32>} : memref<80xi32, #tpu.memory_space<vmem>>, vector<16xi32>,
    %get3A_162 = vector.shape_cast %get3A_161 : vector<16xi32> to vector<16xi32>
    %swap3A_163 = arith.constant 0 : index
    %swap3A_164 = tpu.vector_load %arg12[%swap3A_163] {strides = array<i32>} : memref<80xi32, #tpu.memory_space<vmem>>, vector<16xi32>,
    %swap3A_165 = vector.shape_cast %swap3A_164 : vector<16xi32> to vector<16xi32>
    %swap3A_166 = vector.shape_cast %get3A_162 : vector<16xi32> to vector<16xi32>
    tpu.vector_store %arg12[%swap3A_163], %swap3A_166 {strides = array<i32>} : memref<80xi32, #tpu.memory_space<vmem>>, vector<16xi32>,
    %get3A_167 = arith.constant 16 : index
    %get3A_168 = tpu.vector_load %arg10[%get3A_167] {strides = array<i32>} : memref<80xi32, #tpu.memory_space<vmem>>, vector<16xi32>,
    %get3A_169 = vector.shape_cast %get3A_168 : vector<16xi32> to vector<16xi32>
    %swap3A_170 = arith.constant 16 : index
    %swap3A_171 = tpu.vector_load %arg12[%swap3A_170] {strides = array<i32>} : memref<80xi32, #tpu.memory_space<vmem>>, vector<16xi32>,
    %swap3A_172 = vector.shape_cast %swap3A_171 : vector<16xi32> to vector<16xi32>
    %swap3A_173 = vector.shape_cast %get3A_169 : vector<16xi32> to vector<16xi32>
    tpu.vector_store %arg12[%swap3A_170], %swap3A_173 {strides = array<i32>} : memref<80xi32, #tpu.memory_space<vmem>>, vector<16xi32>,
    %get3A_174 = arith.constant 32 : index
    %get3A_175 = tpu.vector_load %arg10[%get3A_174] {strides = array<i32>} : memref<80xi32, #tpu.memory_space<vmem>>, vector<16xi32>,
    %get3A_176 = vector.shape_cast %get3A_175 : vector<16xi32> to vector<16xi32>
    %swap3A_177 = arith.constant 32 : index
    %swap3A_178 = tpu.vector_load %arg12[%swap3A_177] {strides = array<i32>} : memref<80xi32, #tpu.memory_space<vmem>>, vector<16xi32>,
    %swap3A_179 = vector.shape_cast %swap3A_178 : vector<16xi32> to vector<16xi32>
    %swap3A_180 = vector.shape_cast %get3A_176 : vector<16xi32> to vector<16xi32>
    tpu.vector_store %arg12[%swap3A_177], %swap3A_180 {strides = array<i32>} : memref<80xi32, #tpu.memory_space<vmem>>, vector<16xi32>,
    %get3A_181 = arith.constant 48 : index
    %get3A_182 = tpu.vector_load %arg10[%get3A_181] {strides = array<i32>} : memref<80xi32, #tpu.memory_space<vmem>>, vector<16xi32>,
    %get3A_183 = vector.shape_cast %get3A_182 : vector<16xi32> to vector<16xi32>
    %swap3A_184 = arith.constant 48 : index
    %swap3A_185 = tpu.vector_load %arg12[%swap3A_184] {strides = array<i32>} : memref<80xi32, #tpu.memory_space<vmem>>, vector<16xi32>,
    %swap3A_186 = vector.shape_cast %swap3A_185 : vector<16xi32> to vector<16xi32>
    %swap3A_187 = vector.shape_cast %get3A_183 : vector<16xi32> to vector<16xi32>
    tpu.vector_store %arg12[%swap3A_184], %swap3A_187 {strides = array<i32>} : memref<80xi32, #tpu.memory_space<vmem>>, vector<16xi32>,
    %get3A_188 = arith.constant 64 : index
    %get3A_189 = tpu.vector_load %arg10[%get3A_188] {strides = array<i32>} : memref<80xi32, #tpu.memory_space<vmem>>, vector<16xi32>,
    %get3A_190 = vector.shape_cast %get3A_189 : vector<16xi32> to vector<16xi32>
    %swap3A_191 = arith.constant 64 : index
    %swap3A_192 = tpu.vector_load %arg12[%swap3A_191] {strides = array<i32>} : memref<80xi32, #tpu.memory_space<vmem>>, vector<16xi32>,
    %swap3A_193 = vector.shape_cast %swap3A_192 : vector<16xi32> to vector<16xi32>
    %swap3A_194 = vector.shape_cast %get3A_190 : vector<16xi32> to vector<16xi32>
    tpu.vector_store %arg12[%swap3A_191], %swap3A_194 {strides = array<i32>} : memref<80xi32, #tpu.memory_space<vmem>>, vector<16xi32>,
    %dma_start3A_195 = arith.constant 0 : i32
    %dma_start3A_196 = arith.constant 0 : i32
    %dma_start3A_197 = tpu.memref_slice %arg20[%dma_start3A_195, %dma_start3A_196] : memref<10000x128xf32, #tpu.memory_space<vmem_shared>> -> memref<10000x128xf32, #tpu.memory_space<vmem_shared>>
    tpu.enqueue_indirect_dma source(%arg18 : memref<80x128xf32, #tpu.memory_space<vmem>>) target(%dma_start3A_197 : memref<10000x128xf32, #tpu.memory_space<vmem_shared>>) offsets(%arg12 : memref<80xi32, #tpu.memory_space<vmem>>) semaphore(%arg25 : memref<!tpu.dma_semaphore, #tpu.memory_space<semaphore_mem>>) {add = true}
    %dma_wait3A_198 = arith.constant 0 : i32
    %dma_wait3A_199 = arith.constant 0 : i32
    %dma_wait3A_200 = tpu.memref_slice %arg20[%dma_wait3A_198, %dma_wait3A_199] : memref<10000x128xf32, #tpu.memory_space<vmem_shared>> -> memref<10000x128xf32, #tpu.memory_space<vmem_shared>>
    tpu.wait_indirect_dma semaphore(%arg25 : memref<!tpu.dma_semaphore, #tpu.memory_space<semaphore_mem>>) src(%arg18 : memref<80x128xf32, #tpu.memory_space<vmem>>) dst(%dma_wait3A_200 : memref<10000x128xf32, #tpu.memory_space<vmem_shared>>)
    %dma_wait3A_201 = arith.constant 0 : i32
    %dma_wait3A_202 = arith.constant 0 : i32
    %dma_wait3A_203 = tpu.memref_slice %arg20[%dma_wait3A_201, %dma_wait3A_202] : memref<10000x128xf32, #tpu.memory_space<vmem_shared>> -> memref<10000x128xf32, #tpu.memory_space<vmem_shared>>
    tpu.wait_indirect_dma semaphore(%arg26 : memref<!tpu.dma_semaphore, #tpu.memory_space<semaphore_mem>>) src(%arg19 : memref<80x128xf32, #tpu.memory_space<vmem>>) dst(%dma_wait3A_203 : memref<10000x128xf32, #tpu.memory_space<vmem_shared>>)
    %barrier3A_204 = arith.constant 0 : index
    tpu.barrier barrier_id(%barrier3A_204)
    %mul3A_205 = arith.constant 625 : i32
    %mul3A_206 = arith.muli %arg1, %mul3A_205 : i32
    "tpu.region"() ({
      %run_scoped3A = tpu.sem_alloc : memref<!tpu.dma_semaphore, #tpu.memory_space<semaphore_mem>>
      %dma_start3A_207 = arith.constant 0 : i32
      %dma_start3A_208 = tpu.memref_slice %arg7[%arg0, %mul3A_206, %dma_start3A_207] : memref<2x10000x128xf32, #tpu.memory_space<hbm>> -> memref<1x625x128xf32, #tpu.memory_space<hbm>>
      %dma_start3A_209 = tpu.memref_squeeze %dma_start3A_208 : memref<1x625x128xf32, #tpu.memory_space<hbm>> -> memref<625x128xf32, #tpu.memory_space<hbm>>
      %dma_start3A_210 = arith.constant 0 : i32
      %dma_start3A_211 = tpu.memref_slice %arg20[%mul3A_206, %dma_start3A_210] : memref<10000x128xf32, #tpu.memory_space<vmem_shared>> -> memref<625x128xf32, #tpu.memory_space<vmem_shared>>
      tpu.enqueue_dma source(%dma_start3A_211 : memref<625x128xf32, #tpu.memory_space<vmem_shared>>) target(%dma_start3A_209 : memref<625x128xf32, #tpu.memory_space<hbm>>) target_semaphore(%run_scoped3A : memref<!tpu.dma_semaphore, #tpu.memory_space<semaphore_mem>>)
      %dma_wait3A_212 = arith.constant 0 : i32
      %dma_wait3A_213 = tpu.memref_slice %arg7[%arg0, %mul3A_206, %dma_wait3A_212] : memref<2x10000x128xf32, #tpu.memory_space<hbm>> -> memref<1x625x128xf32, #tpu.memory_space<hbm>>
      %dma_wait3A_214 = tpu.memref_squeeze %dma_wait3A_213 : memref<1x625x128xf32, #tpu.memory_space<hbm>> -> memref<625x128xf32, #tpu.memory_space<hbm>>
      %dma_wait3A_215 = arith.constant 0 : i32
      %dma_wait3A_216 = tpu.memref_slice %arg20[%mul3A_206, %dma_wait3A_215] : memref<10000x128xf32, #tpu.memory_space<vmem_shared>> -> memref<625x128xf32, #tpu.memory_space<vmem_shared>>
      tpu.wait_dma2 semaphore(%run_scoped3A : memref<!tpu.dma_semaphore, #tpu.memory_space<semaphore_mem>>) src(%dma_wait3A_216 : memref<625x128xf32, #tpu.memory_space<vmem_shared>>) dst(%dma_wait3A_214 : memref<625x128xf32, #tpu.memory_space<hbm>>)
      tpu.yield
    }) : () -> ()
    return
  }
}

module attributes {stable_mosaic.version = 14 : i64} {
  func.func @_k1_body(%arg0: i32, %arg1: memref<1000x128xf32, #tpu.memory_space<vmem>>, %arg2: memref<1000x8xf32, #tpu.memory_space<vmem>>, %arg3: memref<128x128xf32, #tpu.memory_space<vmem>>, %arg4: memref<128x128xf32, #tpu.memory_space<vmem>>, %arg5: memref<128x128xf32, #tpu.memory_space<vmem>>, %arg6: memref<8x32xf32, #tpu.memory_space<vmem>>, %arg7: memref<1000x128xf32, #tpu.memory_space<vmem>>, %arg8: memref<1000x128xf32, #tpu.memory_space<vmem>>, %arg9: memref<1000x128xf32, #tpu.memory_space<vmem>>, %arg10: memref<1000x32xf32, #tpu.memory_space<vmem>>) attributes {dimension_semantics = [#tpu.dimension_semantics<arbitrary>], iteration_bounds = array<i64: 10>, scalar_prefetch = 0 : i64, scratch_operands = 0 : i64, tpu.core_type = #tpu.core_type<tc>, window_params = [{transform_indices = @transform_0, window_bounds = array<i64: 1000, 128>}, {transform_indices = @transform_1, window_bounds = array<i64: 1000, 8>}, {pipeline_mode = #tpu.pipeline_mode<synchronous>, transform_indices = @transform_2, window_bounds = array<i64: 128, 128>}, {pipeline_mode = #tpu.pipeline_mode<synchronous>, transform_indices = @transform_3, window_bounds = array<i64: 128, 128>}, {pipeline_mode = #tpu.pipeline_mode<synchronous>, transform_indices = @transform_4, window_bounds = array<i64: 128, 128>}, {pipeline_mode = #tpu.pipeline_mode<synchronous>, transform_indices = @transform_5, window_bounds = array<i64: 8, 32>}, {transform_indices = @transform_6, window_bounds = array<i64: 1000, 128>}, {transform_indices = @transform_7, window_bounds = array<i64: 1000, 128>}, {transform_indices = @transform_8, window_bounds = array<i64: 1000, 128>}, {transform_indices = @transform_9, window_bounds = array<i64: 1000, 32>}]} {
    %get3A = arith.constant 0 : index
    %get3A_0 = arith.constant 0 : index
    %get3A_1 = vector.load %arg1[%get3A, %get3A_0] : memref<1000x128xf32, #tpu.memory_space<vmem>>, vector<1000x128xf32>
    %get3A_2 = arith.constant 0 : index
    %get3A_3 = arith.constant 0 : index
    %get3A_4 = vector.load %arg3[%get3A_2, %get3A_3] : memref<128x128xf32, #tpu.memory_space<vmem>>, vector<128x128xf32>
    %dot_general3A = arith.constant dense<0.000000e+00> : vector<1000x128xf32>
    %dot_general3A_5 = tpu.matmul %get3A_1, %get3A_4, %dot_general3A {dimension_numbers = #tpu.dot_dimension_numbers<[1], [0], [0], [1], [0, 0, 1, 1], [], []>, transpose_lhs_hint = false} : vector<1000x128xf32>, vector<128x128xf32>, vector<1000x128xf32> -> vector<1000x128xf32>
    %swap3A = arith.constant 0 : index
    %swap3A_6 = arith.constant 0 : index
    %swap3A_7 = vector.load %arg7[%swap3A, %swap3A_6] : memref<1000x128xf32, #tpu.memory_space<vmem>>, vector<1000x128xf32>
    tpu.vector_store %arg7[%swap3A, %swap3A_6], %dot_general3A_5 {strides = array<i32>} : memref<1000x128xf32, #tpu.memory_space<vmem>>, vector<1000x128xf32>,
    %get3A_8 = arith.constant 0 : index
    %get3A_9 = arith.constant 0 : index
    %get3A_10 = vector.load %arg4[%get3A_8, %get3A_9] : memref<128x128xf32, #tpu.memory_space<vmem>>, vector<128x128xf32>
    %dot_general3A_11 = arith.constant dense<0.000000e+00> : vector<1000x128xf32>
    %dot_general3A_12 = tpu.matmul %get3A_1, %get3A_10, %dot_general3A_11 {dimension_numbers = #tpu.dot_dimension_numbers<[1], [0], [0], [1], [0, 0, 1, 1], [], []>, transpose_lhs_hint = false} : vector<1000x128xf32>, vector<128x128xf32>, vector<1000x128xf32> -> vector<1000x128xf32>
    %swap3A_13 = arith.constant 0 : index
    %swap3A_14 = arith.constant 0 : index
    %swap3A_15 = vector.load %arg8[%swap3A_13, %swap3A_14] : memref<1000x128xf32, #tpu.memory_space<vmem>>, vector<1000x128xf32>
    tpu.vector_store %arg8[%swap3A_13, %swap3A_14], %dot_general3A_12 {strides = array<i32>} : memref<1000x128xf32, #tpu.memory_space<vmem>>, vector<1000x128xf32>,
    %get3A_16 = arith.constant 0 : index
    %get3A_17 = arith.constant 0 : index
    %get3A_18 = vector.load %arg5[%get3A_16, %get3A_17] : memref<128x128xf32, #tpu.memory_space<vmem>>, vector<128x128xf32>
    %dot_general3A_19 = arith.constant dense<0.000000e+00> : vector<1000x128xf32>
    %dot_general3A_20 = tpu.matmul %get3A_1, %get3A_18, %dot_general3A_19 {dimension_numbers = #tpu.dot_dimension_numbers<[1], [0], [0], [1], [0, 0, 1, 1], [], []>, transpose_lhs_hint = false} : vector<1000x128xf32>, vector<128x128xf32>, vector<1000x128xf32> -> vector<1000x128xf32>
    %swap3A_21 = arith.constant 0 : index
    %swap3A_22 = arith.constant 0 : index
    %swap3A_23 = vector.load %arg9[%swap3A_21, %swap3A_22] : memref<1000x128xf32, #tpu.memory_space<vmem>>, vector<1000x128xf32>
    tpu.vector_store %arg9[%swap3A_21, %swap3A_22], %dot_general3A_20 {strides = array<i32>} : memref<1000x128xf32, #tpu.memory_space<vmem>>, vector<1000x128xf32>,
    %get3A_24 = arith.constant 0 : index
    %get3A_25 = arith.constant 0 : index
    %get3A_26 = vector.load %arg2[%get3A_24, %get3A_25] : memref<1000x8xf32, #tpu.memory_space<vmem>>, vector<1000x8xf32>
    %get3A_27 = arith.constant 0 : index
    %get3A_28 = arith.constant 0 : index
    %get3A_29 = vector.load %arg6[%get3A_27, %get3A_28] : memref<8x32xf32, #tpu.memory_space<vmem>>, vector<8x32xf32>
    %dot_general3A_30 = arith.constant dense<0.000000e+00> : vector<1000x32xf32>
    %dot_general3A_31 = tpu.matmul %get3A_26, %get3A_29, %dot_general3A_30 {dimension_numbers = #tpu.dot_dimension_numbers<[1], [0], [0], [1], [0, 0, 1, 1], [], []>, transpose_lhs_hint = false} : vector<1000x8xf32>, vector<8x32xf32>, vector<1000x32xf32> -> vector<1000x32xf32>
    %swap3A_32 = arith.constant 0 : index
    %swap3A_33 = arith.constant 0 : index
    %swap3A_34 = vector.load %arg10[%swap3A_32, %swap3A_33] : memref<1000x32xf32, #tpu.memory_space<vmem>>, vector<1000x32xf32>
    tpu.vector_store %arg10[%swap3A_32, %swap3A_33], %dot_general3A_31 {strides = array<i32>} : memref<1000x32xf32, #tpu.memory_space<vmem>>, vector<1000x32xf32>,
    return
  }
  func.func @transform_0(%arg0: i32) -> (i32, i32) {
    %c0_i32 = arith.constant 0 : i32
    %c0_i32_0 = arith.constant 0 : i32
    return %arg0, %c0_i32 : i32, i32
  }
  func.func @transform_1(%arg0: i32) -> (i32, i32) {
    %c0_i32 = arith.constant 0 : i32
    %c0_i32_0 = arith.constant 0 : i32
    return %arg0, %c0_i32 : i32, i32
  }
  func.func @transform_2(%arg0: i32) -> (i32, i32) {
    %c0_i32 = arith.constant 0 : i32
    %c0_i32_0 = arith.constant 0 : i32
    %c0_i32_1 = arith.constant 0 : i32
    return %c0_i32, %c0_i32_0 : i32, i32
  }
  func.func @transform_3(%arg0: i32) -> (i32, i32) {
    %c0_i32 = arith.constant 0 : i32
    %c0_i32_0 = arith.constant 0 : i32
    %c0_i32_1 = arith.constant 0 : i32
    return %c0_i32, %c0_i32_0 : i32, i32
  }
  func.func @transform_4(%arg0: i32) -> (i32, i32) {
    %c0_i32 = arith.constant 0 : i32
    %c0_i32_0 = arith.constant 0 : i32
    %c0_i32_1 = arith.constant 0 : i32
    return %c0_i32, %c0_i32_0 : i32, i32
  }
  func.func @transform_5(%arg0: i32) -> (i32, i32) {
    %c0_i32 = arith.constant 0 : i32
    %c0_i32_0 = arith.constant 0 : i32
    %c0_i32_1 = arith.constant 0 : i32
    return %c0_i32, %c0_i32_0 : i32, i32
  }
  func.func @transform_6(%arg0: i32) -> (i32, i32) {
    %c0_i32 = arith.constant 0 : i32
    %c0_i32_0 = arith.constant 0 : i32
    return %arg0, %c0_i32 : i32, i32
  }
  func.func @transform_7(%arg0: i32) -> (i32, i32) {
    %c0_i32 = arith.constant 0 : i32
    %c0_i32_0 = arith.constant 0 : i32
    return %arg0, %c0_i32 : i32, i32
  }
  func.func @transform_8(%arg0: i32) -> (i32, i32) {
    %c0_i32 = arith.constant 0 : i32
    %c0_i32_0 = arith.constant 0 : i32
    return %arg0, %c0_i32 : i32, i32
  }
  func.func @transform_9(%arg0: i32) -> (i32, i32) {
    %c0_i32 = arith.constant 0 : i32
    %c0_i32_0 = arith.constant 0 : i32
    return %arg0, %c0_i32 : i32, i32
  }
}

module attributes {stable_mosaic.version = 14 : i64} {
  func.func @_k2_body(%arg0: i32, %arg1: memref<1000x128xf32, #tpu.memory_space<vmem>>, %arg2: memref<128x512xf32, #tpu.memory_space<vmem>>, %arg3: memref<1x512xf32, #tpu.memory_space<vmem>>, %arg4: memref<4000x128xf32, #tpu.memory_space<vmem>>) attributes {dimension_semantics = [#tpu.dimension_semantics<arbitrary>], iteration_bounds = array<i64: 80>, scalar_prefetch = 0 : i64, scratch_operands = 0 : i64, tpu.core_type = #tpu.core_type<tc>, window_params = [{transform_indices = @transform_0, window_bounds = array<i64: 1000, 128>}, {pipeline_mode = #tpu.pipeline_mode<synchronous>, transform_indices = @transform_1, window_bounds = array<i64: 128, 512>}, {pipeline_mode = #tpu.pipeline_mode<synchronous>, transform_indices = @transform_2, window_bounds = array<i64: 1, 512>}, {transform_indices = @transform_3, window_bounds = array<i64: 4000, 128>}]} {
    %get3A = arith.constant 0 : index
    %get3A_0 = arith.constant 0 : index
    %get3A_1 = vector.load %arg1[%get3A, %get3A_0] : memref<1000x128xf32, #tpu.memory_space<vmem>>, vector<1000x128xf32>
    %get3A_2 = arith.constant 0 : index
    %get3A_3 = arith.constant 0 : index
    %get3A_4 = vector.load %arg2[%get3A_2, %get3A_3] : memref<128x512xf32, #tpu.memory_space<vmem>>, vector<128x512xf32>
    %dot_general3A = arith.constant dense<0.000000e+00> : vector<1000x512xf32>
    %dot_general3A_5 = tpu.matmul %get3A_1, %get3A_4, %dot_general3A {dimension_numbers = #tpu.dot_dimension_numbers<[1], [0], [0], [1], [0, 0, 1, 1], [], []>, transpose_lhs_hint = false} : vector<1000x128xf32>, vector<128x512xf32>, vector<1000x512xf32> -> vector<1000x512xf32>
    %get3A_6 = arith.constant 0 : index
    %get3A_7 = arith.constant 0 : index
    %get3A_8 = vector.load %arg3[%get3A_6, %get3A_7] : memref<1x512xf32, #tpu.memory_space<vmem>>, vector<1x512xf32>
    %add3A = vector.broadcast %get3A_8 : vector<1x512xf32> to vector<1000x512xf32>
    %add3A_9 = arith.addf %dot_general3A_5, %add3A : vector<1000x512xf32>
    %reshape3A = vector.shape_cast %add3A_9 : vector<1000x512xf32> to vector<4000x128xf32>
    %swap3A = arith.constant 0 : index
    %swap3A_10 = arith.constant 0 : index
    %swap3A_11 = vector.load %arg4[%swap3A, %swap3A_10] : memref<4000x128xf32, #tpu.memory_space<vmem>>, vector<4000x128xf32>
    tpu.vector_store %arg4[%swap3A, %swap3A_10], %reshape3A {strides = array<i32>} : memref<4000x128xf32, #tpu.memory_space<vmem>>, vector<4000x128xf32>,
    return
  }
  func.func @transform_0(%arg0: i32) -> (i32, i32) {
    %c0_i32 = arith.constant 0 : i32
    %c0_i32_0 = arith.constant 0 : i32
    return %arg0, %c0_i32 : i32, i32
  }
  func.func @transform_1(%arg0: i32) -> (i32, i32) {
    %c0_i32 = arith.constant 0 : i32
    %c0_i32_0 = arith.constant 0 : i32
    %c0_i32_1 = arith.constant 0 : i32
    return %c0_i32, %c0_i32_0 : i32, i32
  }
  func.func @transform_2(%arg0: i32) -> (i32, i32) {
    %c0_i32 = arith.constant 0 : i32
    %c0_i32_0 = arith.constant 0 : i32
    %c0_i32_1 = arith.constant 0 : i32
    return %c0_i32, %c0_i32_0 : i32, i32
  }
  func.func @transform_3(%arg0: i32) -> (i32, i32) {
    %c0_i32 = arith.constant 0 : i32
    %c0_i32_0 = arith.constant 0 : i32
    return %arg0, %c0_i32 : i32, i32
  }
}

module attributes {stable_mosaic.version = 14 : i64} {
  func.func @_k4_body(%arg0: i32, %arg1: memref<1000x128xf32, #tpu.memory_space<vmem>>, %arg2: memref<1000x128xf32, #tpu.memory_space<vmem>>, %arg3: memref<1000x128xf32, #tpu.memory_space<vmem>>, %arg4: memref<1000x16xf32, #tpu.memory_space<vmem>>, %arg5: memref<1000x16xf32, #tpu.memory_space<vmem>>, %arg6: memref<128x128xf32, #tpu.memory_space<vmem>>, %arg7: memref<1x128xf32, #tpu.memory_space<vmem>>, %arg8: memref<128x128xf32, #tpu.memory_space<vmem>>, %arg9: memref<1x128xf32, #tpu.memory_space<vmem>>, %arg10: memref<128x128xf32, #tpu.memory_space<vmem>>, %arg11: memref<1x128xf32, #tpu.memory_space<vmem>>, %arg12: memref<1000x128xf32, #tpu.memory_space<vmem>>) attributes {dimension_semantics = [#tpu.dimension_semantics<arbitrary>], iteration_bounds = array<i64: 10>, scalar_prefetch = 0 : i64, scratch_operands = 0 : i64, tpu.core_type = #tpu.core_type<tc>, window_params = [{transform_indices = @transform_0, window_bounds = array<i64: 1000, 128>}, {transform_indices = @transform_1, window_bounds = array<i64: 1000, 128>}, {transform_indices = @transform_2, window_bounds = array<i64: 1000, 128>}, {transform_indices = @transform_3, window_bounds = array<i64: 1000, 16>}, {transform_indices = @transform_4, window_bounds = array<i64: 1000, 16>}, {pipeline_mode = #tpu.pipeline_mode<synchronous>, transform_indices = @transform_5, window_bounds = array<i64: 128, 128>}, {pipeline_mode = #tpu.pipeline_mode<synchronous>, transform_indices = @transform_6, window_bounds = array<i64: 1, 128>}, {pipeline_mode = #tpu.pipeline_mode<synchronous>, transform_indices = @transform_7, window_bounds = array<i64: 128, 128>}, {pipeline_mode = #tpu.pipeline_mode<synchronous>, transform_indices = @transform_8, window_bounds = array<i64: 1, 128>}, {pipeline_mode = #tpu.pipeline_mode<synchronous>, transform_indices = @transform_9, window_bounds = array<i64: 128, 128>}, {pipeline_mode = #tpu.pipeline_mode<synchronous>, transform_indices = @transform_10, window_bounds = array<i64: 1, 128>}, {transform_indices = @transform_11, window_bounds = array<i64: 1000, 128>}]} {
    %get3A = arith.constant 0 : index
    %get3A_0 = arith.constant 0 : index
    %get3A_1 = vector.load %arg2[%get3A, %get3A_0] : memref<1000x128xf32, #tpu.memory_space<vmem>>, vector<1000x128xf32>
    %get3A_2 = arith.constant 0 : index
    %get3A_3 = arith.constant 0 : index
    %get3A_4 = vector.load %arg3[%get3A_2, %get3A_3] : memref<1000x128xf32, #tpu.memory_space<vmem>>, vector<1000x128xf32>
    %add3A = arith.addf %get3A_1, %get3A_4 : vector<1000x128xf32>
    %get3A_5 = arith.constant 0 : index
    %get3A_6 = arith.constant 0 : index
    %get3A_7 = vector.load %arg4[%get3A_5, %get3A_6] : memref<1000x16xf32, #tpu.memory_space<vmem>>, vector<1000x16xf32>
    %get3A_8 = arith.constant 0 : index
    %get3A_9 = arith.constant 0 : index
    %get3A_10 = vector.load %arg5[%get3A_8, %get3A_9] : memref<1000x16xf32, #tpu.memory_space<vmem>>, vector<1000x16xf32>
    %add3A_11 = arith.addf %get3A_7, %get3A_10 : vector<1000x16xf32>
    %slice3A = vector.extract_strided_slice %add3A_11 {offsets = [0, 0], sizes = [1000, 1], strides = [1, 1]} : vector<1000x16xf32> to vector<1000x1xf32>
    %get3A_12 = arith.constant 0 : index
    %get3A_13 = arith.constant 0 : index
    %get3A_14 = vector.load %arg6[%get3A_12, %get3A_13] : memref<128x128xf32, #tpu.memory_space<vmem>>, vector<128x128xf32>
    %dot_general3A = arith.constant dense<0.000000e+00> : vector<1000x128xf32>
    %dot_general3A_15 = tpu.matmul %add3A, %get3A_14, %dot_general3A {dimension_numbers = #tpu.dot_dimension_numbers<[1], [0], [0], [1], [0, 0, 1, 1], [], []>, transpose_lhs_hint = false} : vector<1000x128xf32>, vector<128x128xf32>, vector<1000x128xf32> -> vector<1000x128xf32>
    %get3A_16 = arith.constant 0 : index
    %get3A_17 = arith.constant 0 : index
    %get3A_18 = vector.load %arg7[%get3A_16, %get3A_17] : memref<1x128xf32, #tpu.memory_space<vmem>>, vector<1x128xf32>
    %mul3A = vector.broadcast %slice3A : vector<1000x1xf32> to vector<1000x128xf32>
    %mul3A_19 = vector.broadcast %get3A_18 : vector<1x128xf32> to vector<1000x128xf32>
    %mul3A_20 = arith.mulf %mul3A, %mul3A_19 : vector<1000x128xf32>
    %add3A_21 = arith.addf %dot_general3A_15, %mul3A_20 : vector<1000x128xf32>
    %get3A_22 = arith.constant 0 : index
    %get3A_23 = arith.constant 0 : index
    %get3A_24 = vector.load %arg1[%get3A_22, %get3A_23] : memref<1000x128xf32, #tpu.memory_space<vmem>>, vector<1000x128xf32>
    %get3A_25 = arith.constant 0 : index
    %get3A_26 = arith.constant 0 : index
    %get3A_27 = vector.load %arg8[%get3A_25, %get3A_26] : memref<128x128xf32, #tpu.memory_space<vmem>>, vector<128x128xf32>
    %dot_general3A_28 = arith.constant dense<0.000000e+00> : vector<1000x128xf32>
    %dot_general3A_29 = tpu.matmul %add3A_21, %get3A_27, %dot_general3A_28 {dimension_numbers = #tpu.dot_dimension_numbers<[1], [0], [0], [1], [0, 0, 1, 1], [], []>, transpose_lhs_hint = false} : vector<1000x128xf32>, vector<128x128xf32>, vector<1000x128xf32> -> vector<1000x128xf32>
    %add3A_30 = arith.addf %get3A_24, %dot_general3A_29 : vector<1000x128xf32>
    %get3A_31 = arith.constant 0 : index
    %get3A_32 = arith.constant 0 : index
    %get3A_33 = vector.load %arg9[%get3A_31, %get3A_32] : memref<1x128xf32, #tpu.memory_space<vmem>>, vector<1x128xf32>
    %add3A_34 = vector.broadcast %get3A_33 : vector<1x128xf32> to vector<1000x128xf32>
    %add3A_35 = arith.addf %add3A_30, %add3A_34 : vector<1000x128xf32>
    %max3A = arith.constant 0.000000e+00 : f32
    %max3A_36 = vector.broadcast %max3A : f32 to vector<1000x128xf32>
    %max3A_37 = arith.maximumf %add3A_35, %max3A_36 : vector<1000x128xf32>
    %get3A_38 = arith.constant 0 : index
    %get3A_39 = arith.constant 0 : index
    %get3A_40 = vector.load %arg10[%get3A_38, %get3A_39] : memref<128x128xf32, #tpu.memory_space<vmem>>, vector<128x128xf32>
    %dot_general3A_41 = arith.constant dense<0.000000e+00> : vector<1000x128xf32>
    %dot_general3A_42 = tpu.matmul %max3A_37, %get3A_40, %dot_general3A_41 {dimension_numbers = #tpu.dot_dimension_numbers<[1], [0], [0], [1], [0, 0, 1, 1], [], []>, transpose_lhs_hint = false} : vector<1000x128xf32>, vector<128x128xf32>, vector<1000x128xf32> -> vector<1000x128xf32>
    %get3A_43 = arith.constant 0 : index
    %get3A_44 = arith.constant 0 : index
    %get3A_45 = vector.load %arg11[%get3A_43, %get3A_44] : memref<1x128xf32, #tpu.memory_space<vmem>>, vector<1x128xf32>
    %add3A_46 = vector.broadcast %get3A_45 : vector<1x128xf32> to vector<1000x128xf32>
    %add3A_47 = arith.addf %dot_general3A_42, %add3A_46 : vector<1000x128xf32>
    %swap3A = arith.constant 0 : index
    %swap3A_48 = arith.constant 0 : index
    %swap3A_49 = vector.load %arg12[%swap3A, %swap3A_48] : memref<1000x128xf32, #tpu.memory_space<vmem>>, vector<1000x128xf32>
    tpu.vector_store %arg12[%swap3A, %swap3A_48], %add3A_47 {strides = array<i32>} : memref<1000x128xf32, #tpu.memory_space<vmem>>, vector<1000x128xf32>,
    return
  }
  func.func @transform_0(%arg0: i32) -> (i32, i32) {
    %c0_i32 = arith.constant 0 : i32
    %c0_i32_0 = arith.constant 0 : i32
    return %arg0, %c0_i32 : i32, i32
  }
  func.func @transform_1(%arg0: i32) -> (i32, i32) {
    %c0_i32 = arith.constant 0 : i32
    %c0_i32_0 = arith.constant 0 : i32
    return %arg0, %c0_i32 : i32, i32
  }
  func.func @transform_2(%arg0: i32) -> (i32, i32) {
    %c0_i32 = arith.constant 0 : i32
    %c0_i32_0 = arith.constant 0 : i32
    return %arg0, %c0_i32 : i32, i32
  }
  func.func @transform_3(%arg0: i32) -> (i32, i32) {
    %c0_i32 = arith.constant 0 : i32
    %c0_i32_0 = arith.constant 0 : i32
    return %arg0, %c0_i32 : i32, i32
  }
  func.func @transform_4(%arg0: i32) -> (i32, i32) {
    %c0_i32 = arith.constant 0 : i32
    %c0_i32_0 = arith.constant 0 : i32
    return %arg0, %c0_i32 : i32, i32
  }
  func.func @transform_5(%arg0: i32) -> (i32, i32) {
    %c0_i32 = arith.constant 0 : i32
    %c0_i32_0 = arith.constant 0 : i32
    %c0_i32_1 = arith.constant 0 : i32
    return %c0_i32, %c0_i32_0 : i32, i32
  }
  func.func @transform_6(%arg0: i32) -> (i32, i32) {
    %c0_i32 = arith.constant 0 : i32
    %c0_i32_0 = arith.constant 0 : i32
    %c0_i32_1 = arith.constant 0 : i32
    return %c0_i32, %c0_i32_0 : i32, i32
  }
  func.func @transform_7(%arg0: i32) -> (i32, i32) {
    %c0_i32 = arith.constant 0 : i32
    %c0_i32_0 = arith.constant 0 : i32
    %c0_i32_1 = arith.constant 0 : i32
    return %c0_i32, %c0_i32_0 : i32, i32
  }
  func.func @transform_8(%arg0: i32) -> (i32, i32) {
    %c0_i32 = arith.constant 0 : i32
    %c0_i32_0 = arith.constant 0 : i32
    %c0_i32_1 = arith.constant 0 : i32
    return %c0_i32, %c0_i32_0 : i32, i32
  }
  func.func @transform_9(%arg0: i32) -> (i32, i32) {
    %c0_i32 = arith.constant 0 : i32
    %c0_i32_0 = arith.constant 0 : i32
    %c0_i32_1 = arith.constant 0 : i32
    return %c0_i32, %c0_i32_0 : i32, i32
  }
  func.func @transform_10(%arg0: i32) -> (i32, i32) {
    %c0_i32 = arith.constant 0 : i32
    %c0_i32_0 = arith.constant 0 : i32
    %c0_i32_1 = arith.constant 0 : i32
    return %c0_i32, %c0_i32_0 : i32, i32
  }
  func.func @transform_11(%arg0: i32) -> (i32, i32) {
    %c0_i32 = arith.constant 0 : i32
    %c0_i32_0 = arith.constant 0 : i32
    return %arg0, %c0_i32 : i32, i32
  }
}

</mosaic_0001>

<sc_bundles>
// kernel: kernel.10.cloned.1.call-start
scs
__scs_entry_jumppad:
0x0: {  	(pc) =	sbr.rel $0x88, $3  }
0x1: {  	(tag) =	ssettag $0x0;
	lr =	simm.s32 $0x1  }
0x2: {  	[smem:$0x3F92] =	sst lr;
	_ =	strace $0xD0000000  }
0x3: {  	_ = 	snop  }
0x4: {  	_ = 	snop  }
0x5: {  	_ = 	snop  }
0x6: {  	_ = 	snop  }
0x7: {  	_ = 	snop  }
__scs_overlays_trampoline_lowered:
0x8: {  	[smem:$0x3FA1] =	sst s0  }
0x9: {  	[smem:$0x3FA2] =	sst s1  }
0xa: {  	[smem:$0x3FA3] =	sst s2  }
0xb: {  	[smem:$0x3FA4] =	sst s3  }
0xc: {  	[smem:$0x3FA5] =	sst s4  }
0xd: {  	[smem:$0x3FA6] =	sst s5  }
0xe: {  	[smem:$0x3FA7] =	sst s6  }
0xf: {  	[smem:$0x3FA8] =	sst s7  }
0x10: {  	[smem:$0x3FA9] =	sst s8  }
0x11: {  	[smem:$0x3FAA] =	sst s9;
	s0 =	simm.s32 @!p0 $0x0  }
0x12: {  	s1 =	sld [smem:$0x3F90];
	s0 =	simm.s32 @p0 $0x1  }
0x13: {  	[smem:$0x3FAB] =	sst s0;
	s0 =	simm.s32 @!p1 $0x0  }
0x14: {  	s2 =	sld [smem:$0x3F8F];
	s0 =	simm.s32 @p1 $0x1  }
0x15: {  	[smem:$0x3FAC] =	sst s0;
	s0 =	simm.s32 @!p2 $0x0  }
0x16: {  	s3 =	sld [smem:$0x3FDB];
	s0 =	simm.s32 @p2 $0x1  }
0x17: {  	s4 =	simm.s32 $0x1BF5;
	[smem:$0x3FAE] =	sst s0  }
0x18: {  	s0 =	sld [smem:$0x3F91];
	_ =	swait.ge [sflag:s4], $0x0  }
0x19: {  	s7 =	sld [smem:$0x3F92]  }
0x1a: {  	s8 =	sadd.s32 $0xFFFFE003, lr  }
0x1b: {  	s9 =	sadd.s32 $0xFFFFFEF7, lr;
	s5 =	simm.s32 $0xFFFFFFFF;
	p2 =	slt.u32 s8, $0xFFFFF086  }
0x1c: {  	p1 =	slt.u32 s9, $0xF7A;
	s5 =	simm.s32 @!p2 $0x0  }
0x1d: {  	s5 =	simm.s32 @p1 $0x1;
	p0 =	seq.s32 s7, s2  }
0x1e: {  	s7 =	smul.u32 @!p0 $0xF7A, s2;
	p2 =	seq.s32 @!p0 s5, $0x0  }
0x1f: {  	s9 =	smul.u32 $0xF7A, s1;
	s8 =	simm.s32 @!p0 $0x1BF5;
	p2 =	por !p2, p0  }
0x20: {  	[sflag:s8] =	ssyncset.s32 @!p0 $0xFFFFF086;
	s6 =	sadd.s32 @!p0 s3, s7;
	s7 =	simm.s32 @!p0 $0x108  }
0x21: {  	s3 =	sadd.s32 s3, s9;
	s6 =	sadd.s32 @!p0 $0x88, s6;
	s7 =	simm.s32 @p2 $0x1082  }
0x22: {  	[simem:s7], [sflag:s8] =	dma.local @!p0 [hbm:s6], $0xF7A  }
0x23: {  	s9 =	sor.u32 $0xD0000000, s2;
	s6 =	simm.s32 $0x108;
	_ =	swait.ge @!p0 [sflag:s8], $0x0  }
0x24: {  	s3 =	sadd.s32 $0x88, s3;
	s6 =	simm.s32 @!p1 $0x1082;
	[sflag:s4] =	ssyncset.s32 $0xFFFFF086  }
0x25: {  	[simem:s6], [sflag:s4] =	dma.local [hbm:s3], $0xF7A  }
0x26: {  	[smem:$0x3F92] =	sst s1;
	(tag) =	ssettag s2;
	_ =	strace s9  }
0x27: {  	s1 =	sld [smem:$0x3FA2]  }
0x28: {  	s2 =	sld [smem:$0x3FA3]  }
0x29: {  	s4 =	sld [smem:$0x3FA5]  }
0x2a: {  	p0 =	seq.s32 s5, $0x0;
	s5 =	sld [smem:$0x3FA6]  }
0x2b: {  	s6 =	sld [smem:$0x3FA7]  }
0x2c: {  	s7 =	sld [smem:$0x3FA8]  }
0x2d: {  	s3 =	simm.s32 $0x108;
	s8 =	sld [smem:$0x3FA9]  }
0x2e: {  	s3 =	simm.s32 @!p0 $0x1082;
	s9 =	sld [smem:$0x3FAA]  }
0x2f: {  	lr =	sadd.s32 s0, s3;
	s0 =	sld [smem:$0x3FA1]  }
0x30: {  	s3 =	sld [smem:$0x3FA4]  }
0x31: {  	[smem:$0x3FAD] =	sst s10  }
0x32: {  	s10 =	sld [smem:$0x3FAB];
	_ =	sdelay $0x3  }
0x33: {  	p0 =	seq.s32 s10, $0x1;
	s10 =	sld [smem:$0x3FAD];
	_ =	sdelay $0x3  }
0x34: {  	[smem:$0x3FAD] =	sst s10  }
0x35: {  	s10 =	sld [smem:$0x3FAC];
	_ =	sdelay $0x3  }
0x36: {  	p1 =	seq.s32 s10, $0x1;
	s10 =	sld [smem:$0x3FAD];
	_ =	sdelay $0x3  }
0x37: {  	[smem:$0x3FAD] =	sst s10  }
0x38: {  	s10 =	sld [smem:$0x3FAE]  }
0x39: {  	_ = 	snop;
	(pc) =	sbr.ind lr, $3  }
0x3a: {  	_ = 	snop  }
0x3b: {  	_ = 	snop  }
0x3c: {  	p2 =	seq.s32 s10, $0x1;
	s10 =	sld [smem:$0x3FAD]  }
0x3d: {  	_ =	shalt  }
0x3e: {  	_ =	shalt  }
0x3f: {  	_ =	shalt  }
0x40: {  	_ =	shalt  }
0x41: {  	_ =	shalt  }
0x42: {  	_ =	shalt  }
0x43: {  	_ =	shalt  }
0x44: {  	_ =	shalt  }
0x45: {  	_ =	shalt  }
0x46: {  	_ =	shalt  }
0x47: {  	_ =	shalt  }
0x48: {  	_ =	shalt  }
0x49: {  	_ =	shalt  }
0x4a: {  	_ =	shalt  }
0x4b: {  	_ =	shalt  }
0x4c: {  	_ =	shalt  }
0x4d: {  	_ =	shalt  }
0x4e: {  	_ =	shalt  }
0x4f: {  	_ =	shalt  }
0x50: {  	_ =	shalt  }
0x51: {  	_ =	shalt  }
0x52: {  	_ =	shalt  }
0x53: {  	_ =	shalt  }
0x54: {  	_ =	shalt  }
0x55: {  	_ =	shalt  }
0x56: {  	_ =	shalt  }
0x57: {  	_ =	shalt  }
0x58: {  	_ =	shalt  }
0x59: {  	_ =	shalt  }
0x5a: {  	_ =	shalt  }
0x5b: {  	_ =	shalt  }
0x5c: {  	_ =	shalt  }
0x5d: {  	_ =	shalt  }
0x5e: {  	_ =	shalt  }
0x5f: {  	_ =	shalt  }
0x60: {  	_ =	shalt  }
0x61: {  	_ =	shalt  }
0x62: {  	_ =	shalt  }
0x63: {  	_ =	shalt  }
0x64: {  	_ =	shalt  }
0x65: {  	_ =	shalt  }
0x66: {  	_ =	shalt  }
0x67: {  	_ =	shalt  }
0x68: {  	_ =	shalt  }
0x69: {  	_ =	shalt  }
0x6a: {  	_ =	shalt  }
0x6b: {  	_ =	shalt  }
0x6c: {  	_ =	shalt  }
0x6d: {  	_ =	shalt  }
0x6e: {  	_ =	shalt  }
0x6f: {  	_ =	shalt  }
0x70: {  	_ =	shalt  }
0x71: {  	_ =	shalt  }
0x72: {  	_ =	shalt  }
0x73: {  	_ =	shalt  }
0x74: {  	_ =	shalt  }
0x75: {  	_ =	shalt  }
0x76: {  	_ =	shalt  }
0x77: {  	_ =	shalt  }
0x78: {  	_ =	shalt  }
0x79: {  	_ =	shalt  }
0x7a: {  	_ =	shalt  }
0x7b: {  	_ =	shalt  }
0x7c: {  	_ =	shalt  }
0x7d: {  	_ =	shalt  }
0x7e: {  	_ =	shalt  }
0x7f: {  	_ =	shalt  }
0x80: {  	_ =	shalt  }
0x81: {  	_ =	shalt  }
0x82: {  	_ =	shalt  }
0x83: {  	_ =	shalt  }
0x84: {  	_ =	shalt  }
0x85: {  	_ =	shalt  }
0x86: {  	_ =	shalt  }
0x87: {  	_ =	shalt  }
.Lfunc_end0:
.L_simem_size_0:
called_computation.1_lowered:
.L_overlay_start_0:
0x88: {  	s2 =	sld [smem:$0x3FD9]  }
0x89: {  	s3 =	sld [smem:$0x3FFE];
	_ =	sdelay $0x1  }
0x8a: {  	s1 =	srdreg.scid  }
0x8b: {  	s0 =	sand.u32 $0x1, s1  }
0x8c: {  	s16 =	sshll.u32 s0, $0xA;
	s2 =	sadd.s32 s3, s2  }
0x8d: {  	s2 =	sadd.s32 s2, s16  }
0x8e: {  	[smem:$0x3FB9] =	sst s2  }
0x8f: {  	_ = 	snop  }
0x90: {  	(tm) =	ssettm $0x1  }
0x91: {  	s17 =	sld [smem:$0x3FFB];
	_ =	sdelay $0x3  }
0x92: {  	_ =	strace s17  }
0x93: {  	s2 =	sld [smem:$0x3FFC];
	_ =	sdelay $0x3  }
0x94: {  	_ =	strace s2  }
0x95: {  	s2 =	sld [smem:$0x3FFD];
	_ =	sdelay $0x3  }
0x96: {  	_ =	strace s2  }
0x97: {  	_ =	strace $0x8FFFFFFF  }
0x98: {  	s18 =	sld [smem:$0x3FDB];
	_ =	sdelay $0x1  }
0x99: {  	s19 =	simm.s32 $_scs_section_size  }
0x9a: {  	s4 =	simm.s32 $_size__tile_overlayer_lowered;
	s5 =	simm.s32 $_tile_overlayer_lowered  }
0x9b: {  	s22 =	simm.s32 $0x1BFF;
	s21 =	sshll.u32 s5, $0x1;
	s2 =	sadd.s32 s19, s18  }
0x9c: {  	s6 =	simm.s32 $0x0;
	s20 =	sshll.u32 s4, $0x1;
	s4 =	sadd.s32 s21, s2  }
0x9d: {  	[timem:s6], [sflag:s22] =	dma.local [hbm:s4], s20  }
0x9e: {  	_ =	swait.ge [sflag:s22], s20  }
0x9f: {  	s3 =	ssub.s32 $0x0, s20;
	[sflag:s22] =	ssyncset.done $0x0  }
0xa0: {  	[sflag:s22] =	ssyncadd.s32 s3;
	_ =	sdelay $0x1  }
0xa1: {  	s23 =	simm.s32 $0x1B8B  }
0xa2: {  	_ =	swait.ge [sflag:s23], $0x1  }
0xa3: {  	[sflag:s23] =	ssyncset.done $0x0  }
0xa4: {  	s25 =	simm.s32 $0x1B8E;
	s24 =	sld [smem:$0x3FFE];
	[sflag:s23] =	ssyncadd.s32 $0xFFFFFFFF  }
0xa5: {  	s26 =	simm.s32 $execute0_lowered;
	[smem:$0x3FD2] =	sst s25  }
0xa6: {  	s4 =	sshll.u32 s26, $0x1;
	_ =	strace $0x80000049;
	[dreg:$0x1] =	wrdreg $0xFFFFFFFF  }
0xa7: {  	s28 =	simm.s32 $_size_execute0_lowered;
	s2 =	sadd.s32 s2, s4;
	[dreg:$0x0] =	wrdreg $0x0  }
0xa8: {  	s4 =	sshll.u32 s28, $0x1;
	[dreg:$0x2] =	wrdreg s2  }
0xa9: {  	[dreg:$0x3] =	wrdreg s4  }
0xaa: {  	[dreg:$0x4] =	wrdreg $0xC0  }
0xab: {  	_ =	task [dreg:s6], $0x5FFFF  }
0xac: {  	[dreg:$0x1] =	wrdreg $0xFFFFFFFF  }
0xad: {  	[dreg:$0x0] =	wrdreg $0x60  }
0xae: {  	[dreg:$0x2] =	wrdreg s24  }
0xaf: {  	[dreg:$0x3] =	wrdreg $0xA2800  }
0xb0: {  	[dreg:$0x4] =	wrdreg $0x9  }
0xb1: {  	_ =	task.clear_ibuf [dreg:s6], $0x5FFFF;
	_ =	strace $0x90000049  }
0xb2: {  	s29 =	simm.s32 $0x9;
	_ =	strace $0x8000004B  }
0xb3: {  	_ =	swait.ge [sflag:s29], $0x1  }
0xb4: {  	[sflag:s29] =	ssyncadd.s32 $0xFFFFFFFF  }
0xb5: {  	_ =	strace $0x9000004B  }
0xb6: {  	_ =	sfence  }
0xb7: {  	s30 =	sld [smem:$0x0];
	_ =	sdelay $0x2  }
0xb8: {  	s31 =	sshll.u32 s1, $0xD;
	s1 =	sshrl.u32 s1, $0x2  }
0xb9: {  	s3 =	sand.u32 $0x4000, s31;
	s1 =	sadd.s32 s1, s30  }
0xba: {  	s0 =	sor.u32 s3, s0;
	s1 =	sshll.u32 s1, $0x11  }
0xbb: {  	s0 =	sor.u32 s1, s0  }
0xbc: {  	s0 =	sadd.s32 $0x8F2B, s0  }
0xbd: {  	[sflag:s0] =	ssyncadd.remote.s32 $0x1  }
0xbe: {  	_ =	sfence.sel $0xFFFF  }
0xbf: {  	[dreg:$0x0] =	wrdreg $0xFFFFFFFF;
	(pc) =	sbr.abs _section_cstart, $3  }
0xc0: {  	[dreg:$0x1] =	wrdreg $0xFFFFFFFF  }
0xc1: {  	_ =	task.clear_ibuf [dreg:s6], $0x2FFFF;
	_ =	strace $0x9FFFFFFF  }
0xc2: {  	(tm) =	ssettm $0x7FFFFFFF  }
0xc3: {  	_ =	shalt  }
tec
execute0_lowered:
.L_overlay_start_1:
0x0: {  	(tag) =	ssettag $0x1  }
0x1: {  	s0 =	rddreg [dreg:$0x0]  }
0x2: {  	s2 =	rddreg [dreg:$0x1];
	s3 =	simm.s32 $0x0  }
0x3: {  	s1 =	srdreg.scid;
	s13 =	stileid.u32;
	s28 =	simm.s32 $0xA0  }
0x4: {  	s29 =	simm.s32 $0x50;
	s30 =	simm.s32 $0xF0;
	s31 =	simm.s32 $0x2A80  }
0x5: {  	[smem:$0x7FF] =	sst s3;
	s1 =	sand.u32 $0x1, s1;
	s9 =	smul.u32 $0x13880, s13  }
0x6: {  	s4 =	sadd.s32 $0x4000, s0;
	s6 =	sadd.s32 $0x1B2400, s0;
	s11 =	smul.u32 $0x4E200, s13  }
0x7: {  	s5 =	sadd.s32 $0x2B200, s0;
	s7 =	sadd.s32 $0x66000, s0;
	_ =	strace $0x8000004A  }
0x8: {  	s8 =	smul.u32 $0x138800, s1;
	s12 =	ssub.s32 $0x2, s1;
	s11 =	sshrl.u32 s11, $0x2  }
0x9: {  	s1 =	sshll.u32 s1, $0x4;
	s20 =	sadd.s32 s9, s2;
	s11 =	sadd.s32 s11, s2  }
0xa: {  	s14 =	sshrl.u32 s12, $0x1;
	[dreg:$0x3] =	wrdreg s20;
	s15 =	sadd.s32 $0x2800, s11  }
0xb: {  	s1 =	sor.u32 s13, s1;
	s16 =	sadd.s32 $0x5000, s11;
	[dreg:$0x4] =	wrdreg s15  }
0xc: {  	s10 =	sadd.s32 s9, s8;
	s17 =	sadd.s32 $0x7800, s11;
	[dreg:$0x5] =	wrdreg s16  }
0xd: {  	s8 =	sadd.s32 $0x5C200, s0;
	s18 =	sadd.s32 $0xA000, s11;
	[dreg:$0x6] =	wrdreg s17  }
0xe: {  	s1 =	smul.u32 $0x2710, s1;
	s19 =	sadd.s32 $0xC800, s11;
	[dreg:$0x7] =	wrdreg s18  }
0xf: {  	s10 =	sshrl.u32 s10, $0x3;
	s21 =	sadd.s32 $0xF000, s11;
	[dreg:$0x8] =	wrdreg s19  }
0x10: {  	s22 =	sadd.s32 $0x11800, s11;
	s0 =	sadd.s32 s10, s0;
	[dreg:$0x9] =	wrdreg s21  }
0x11: {  	s10 =	ssub.s32 s12, s14;
	[dreg:$0xa] =	wrdreg s22;
	s23 =	sshrl.u32 s1, $0x3  }
0x12: {  	s15 =	sadd.s32 $0x50, s1;
	s11 =	sadd.s32 $0x10, s1;
	s14 =	sadd.s32 $0x20, s1  }
0x13: {  	s21 =	sadd.s32 $0x30, s1;
	s22 =	sadd.s32 $0x40, s1;
	s16 =	sadd.s32 $0x60, s1  }
0x14: {  	s17 =	sadd.s32 $0x70, s1;
	s18 =	sadd.s32 $0x80, s1;
	s19 =	sadd.s32 $0x90, s1  }
0x15: {  	s12 =	simm.s32 $0x3;
	s24 =	sadd.s32 s7, s23;
	s9 =	sadd.s32 s8, s23  }
0x16: {  	v0 =	vlaneseq.u32;
	s25 =	sshrl.u32 s15, $0x3;
	s0 =	sadd.s32 $0x6FE00, s0;
	s13 =	smax.u32 s10, $0x1  }
0x17: {  	s23 =	sadd.s32 $0xA0, s1;
	s10 =	simm.s32 $0x2;
	v3 =	vor.u32 s14, v0;
	s14 =	simm.s32 $0x5280  }
0x18: {  	v6 =	vor.u32 s15, v0;
	v7 =	vor.u32 s16, v0;
	s15 =	simm.s32 $0x4;
	s16 =	simm.s32 $0x190;
	[dreg:$0xb] =	wrdreg s24  }
0x19: {  	v2 =	vor.u32 s11, v0;
	v8 =	vor.u32 s17, v0;
	s17 =	simm.s32 $0x7A80;
	s11 =	simm.s32 $0x0;
	[dreg:$0xc] =	wrdreg s9  }
0x1a: {  	s26 =	sadd.s32 s7, s25;
	s9 =	sadd.s32 s8, s25;
	[dreg:$0xf] =	wrdreg s0  }
0x1b: {  	[dreg:$0x10] =	wrdreg s13;
	s24 =	sadd.s32 $0xF0, s1;
	s25 =	simm.s32 $0x280  }
0x1c: {  	v11 =	vimm.f32 $0.0e+00;
	v1 =	vor.u32 s1, v0;
	v4 =	vor.u32 s21, v0;
	s0 =	simm.s32 $0x1;
	s1 =	simm.s32 $0x1E0;
	[dreg:$0xd] =	wrdreg s26  }
0x1d: {  	v5 =	vor.u32 s22, v0;
	v9 =	vor.u32 s18, v0;
	v10 =	vor.u32 s19, v0;
	s13 =	simm.s32 $0x140;
	[dreg:$0xe] =	wrdreg s9;
	s26 =	simm.s32 $0x7  }
.LBB2_1:
0x1e: {  	s9 =	simm.s32 $0x0;
	s18 =	simm.s32 $0x200  }
.LBB2_2:
0x1f: {  	p0 =	sne.s32 s18, $0x9E00;
	[tilespmem:s9+$0x2F0] =	vst v11  }
0x20: {  	[tilespmem:s9+$0x280] =	vst v11  }
0x21: {  	[tilespmem:s9+$0x290] =	vst v11  }
.Ltmp0:
0x22: {  	[tilespmem:s9+$0x2A0] =	vst v11;
	(pc) =	sbr.rel @p0 .LBB2_2-.Ltmp0, $4  }
0x23: {  	[tilespmem:s9+$0x2B0] =	vst v11  }
0x24: {  	[tilespmem:s9+$0x2C0] =	vst v11  }
0x25: {  	[tilespmem:s9+$0x2D0] =	vst v11  }
0x26: {  	[tilespmem:s9+$0x2E0] =	vst v11;
	s9 =	sshra.s32 s18, $0x2;
	s18 =	sadd.s32 $0x200, s18  }
0x27: {  	[tilespmem:s9+$0x2F0] =	vst v11  }
0x28: {  	[tilespmem:s9+$0x280] =	vst v11  }
0x29: {  	[tilespmem:s9+$0x290] =	vst v11  }
0x2a: {  	[tilespmem:s9+$0x2A0] =	vst v11  }
0x2b: {  	[tilespmem:s9+$0x2B0] =	vst v11  }
0x2c: {  	[tilespmem:s9+$0x2C0] =	vst v11  }
0x2d: {  	[tilespmem:s9+$0x2D0] =	vst v11  }
0x2e: {  	[dreg:$0x11] =	wrdreg s11;
	[tilespmem:s9+$0x2E0] =	vst v11  }
0x2f: {  	[spmem:s20] =	stream.linear.scatter [tilespmem:s25], [sflag:$0x7], $0x2800, $0x38;
	[tilespmem:$0x1DB00] =	vst v63  }
0x30: {  	_ =	swait.ge [sflag:s26], $0x2800  }
0x31: {  	[sflag:s26] =	ssyncset.done $0x0  }
0x32: {  	s11 =	rddreg [dreg:$0x4];
	[sflag:s26] =	ssyncadd.s32 $0xFFFFD800  }
0x33: {  	[spmem:s11] =	stream.linear.scatter [tilespmem:s25], [sflag:$0x7], $0x2800, $0x38;
	[tilespmem:$0x1DB00] =	vst v63  }
0x34: {  	_ =	swait.ge [sflag:s26], $0x2800  }
0x35: {  	[sflag:s26] =	ssyncset.done $0x0  }
0x36: {  	s18 =	rddreg [dreg:$0x5];
	[sflag:s26] =	ssyncadd.s32 $0xFFFFD800  }
0x37: {  	[spmem:s18] =	stream.linear.scatter [tilespmem:s25], [sflag:$0x7], $0x2800, $0x38;
	[tilespmem:$0x1DB00] =	vst v63  }
0x38: {  	_ =	swait.ge [sflag:s26], $0x2800  }
0x39: {  	[sflag:s26] =	ssyncset.done $0x0  }
0x3a: {  	s19 =	rddreg [dreg:$0x6];
	[sflag:s26] =	ssyncadd.s32 $0xFFFFD800  }
0x3b: {  	[spmem:s19] =	stream.linear.scatter [tilespmem:s25], [sflag:$0x7], $0x2800, $0x38;
	[tilespmem:$0x1DB00] =	vst v63  }
0x3c: {  	_ =	swait.ge [sflag:s26], $0x2800  }
0x3d: {  	[sflag:s26] =	ssyncset.done $0x0  }
0x3e: {  	s20 =	rddreg [dreg:$0x7];
	[sflag:s26] =	ssyncadd.s32 $0xFFFFD800  }
0x3f: {  	[spmem:s20] =	stream.linear.scatter [tilespmem:s25], [sflag:$0x7], $0x2800, $0x38;
	[tilespmem:$0x1DB00] =	vst v63  }
0x40: {  	_ =	swait.ge [sflag:s26], $0x2800  }
0x41: {  	[sflag:s26] =	ssyncset.done $0x0  }
0x42: {  	s21 =	rddreg [dreg:$0x8];
	[sflag:s26] =	ssyncadd.s32 $0xFFFFD800  }
0x43: {  	[spmem:s21] =	stream.linear.scatter [tilespmem:s25], [sflag:$0x7], $0x2800, $0x38;
	[tilespmem:$0x1DB00] =	vst v63  }
0x44: {  	_ =	swait.ge [sflag:s26], $0x2800  }
0x45: {  	[sflag:s26] =	ssyncset.done $0x0  }
0x46: {  	s22 =	rddreg [dreg:$0x9];
	[sflag:s26] =	ssyncadd.s32 $0xFFFFD800  }
0x47: {  	[spmem:s22] =	stream.linear.scatter [tilespmem:s25], [sflag:$0x7], $0x2800, $0x38;
	[tilespmem:$0x1DB00] =	vst v63  }
0x48: {  	_ =	swait.ge [sflag:s26], $0x2800  }
0x49: {  	[sflag:s26] =	ssyncset.done $0x0  }
0x4a: {  	s11 =	rddreg [dreg:$0xa];
	[sflag:s26] =	ssyncadd.s32 $0xFFFFD800  }
0x4b: {  	[spmem:s11] =	stream.linear.scatter [tilespmem:s25], [sflag:$0x7], $0x2080, $0x38;
	[tilespmem:$0x1DB00] =	vst v63  }
0x4c: {  	_ =	swait.ge [sflag:s26], $0x2080  }
0x4d: {  	[sflag:s26] =	ssyncset.done $0x0  }
0x4e: {  	[sflag:s26] =	ssyncadd.s32 $0xFFFFDF80  }
0x4f: {  	[bflag:$0x0] =	sbarrier.arrive $0xFFFF  }
0x50: {  	s21 =	simm.s32 $0x0;
	s18 =	rddreg [dreg:$0xb]  }
0x51: {  	[tilespmem:s21], [sflag:$0x7] =	stream.linear.gather [hbm4b:s18+s21], $0x50, $0x38;
	[tilespmem:$0x1DB00] =	vst v63  }
0x52: {  	_ =	swait.ge [sflag:s26], $0x50  }
0x53: {  	[sflag:s26] =	ssyncset.done $0x0  }
0x54: {  	s19 =	rddreg [dreg:$0xc];
	[sflag:s26] =	ssyncadd.s32 $0xFFFFFFB0  }
0x55: {  	[tilespmem:s28], [sflag:$0x7] =	stream.linear.gather [hbm4b:s19+s21], $0x50, $0x38;
	[tilespmem:$0x1DB00] =	vst v63  }
0x56: {  	_ =	swait.ge [sflag:s26], $0x50  }
0x57: {  	[sflag:s26] =	ssyncset.done $0x0  }
0x58: {  	[sflag:s26] =	ssyncadd.s32 $0xFFFFFFB0  }
0x59: {  	[tilespmem:s25], [sflag:$0x1] =	stream.indirect.gather [hbm4b:s4+s29], $0x80, s21, s29, $0xb8;
	[tilespmem:$0x1DB00] =	vst v63  }
0x5a: {  	[tilespmem:$0x1E0] =	vst v1  }
0x5b: {  	[tilespmem:$0x1F0] =	vst v2  }
0x5c: {  	[tilespmem:$0x200] =	vst v3  }
0x5d: {  	[tilespmem:$0x210] =	vst v4  }
0x5e: {  	s20 =	rddreg [dreg:$0xd];
	[tilespmem:$0x220] =	vst v5  }
0x5f: {  	[tilespmem:s29], [sflag:$0x7] =	stream.linear.gather [hbm4b:s20+s21], $0x50, $0x38;
	[tilespmem:$0x1DB00] =	vst v63  }
0x60: {  	_ =	swait.ge [sflag:s26], $0x50  }
0x61: {  	[sflag:s26] =	ssyncset.done $0x0  }
0x62: {  	s22 =	rddreg [dreg:$0xe];
	[sflag:s26] =	ssyncadd.s32 $0xFFFFFFB0  }
0x63: {  	[tilespmem:s30], [sflag:$0x7] =	stream.linear.gather [hbm4b:s22+s21], $0x50, $0x38;
	[tilespmem:$0x1DB00] =	vst v63  }
0x64: {  	_ =	swait.ge [sflag:s26], $0x50  }
0x65: {  	[sflag:s26] =	ssyncset.done $0x0  }
0x66: {  	[sflag:s26] =	ssyncadd.s32 $0xFFFFFFB0  }
0x67: {  	[tilespmem:s31], [sflag:$0x2] =	stream.indirect.gather [hbm4b:s4+s29], $0x80, s29, s29, $0xb8;
	[tilespmem:$0x1DB00] =	vst v63  }
0x68: {  	[tilespmem:$0x230] =	vst v6  }
0x69: {  	[tilespmem:$0x240] =	vst v7  }
0x6a: {  	[tilespmem:$0x250] =	vst v8  }
0x6b: {  	[tilespmem:$0x260] =	vst v9  }
0x6c: {  	[tilespmem:$0x270] =	vst v10  }
0x6d: {  	_ =	swait.ge [sflag:s0], $0x2800  }
0x6e: {  	[sflag:s0] =	ssyncset.done $0x0  }
0x6f: {  	[sflag:s0] =	ssyncadd.s32 $0xFFFFD800  }
0x70: {  	[tilespmem:s25], [sflag:$0x3] =	stream.indirect.gather.add.f32 [hbm:s5], $0x80, s28, s29, $0xb8;
	[tilespmem:$0x1DB00] =	vst v63  }
0x71: {  	_ = 	snop  }
0x72: {  	[tilespmem:s25], [sflag:$0x3] =	stream.indirect.gather.add.f32 [hbm:s6], $0x80, s1, s29, $0xb8;
	[tilespmem:$0x1DB00] =	vst v63  }
.LBB2_4:
0x73: {  	_ =	swait.ge [sflag:s10], $0x2800  }
0x74: {  	[sflag:s10] =	ssyncset.done $0x0  }
0x75: {  	[sflag:s10] =	ssyncadd.s32 $0xFFFFD800  }
0x76: {  	[tilespmem:s31], [sflag:$0x4] =	stream.indirect.gather.add.f32 [hbm:s5], $0x80, s30, s29, $0xb8;
	[tilespmem:$0x1DB00] =	vst v63  }
0x77: {  	s9 =	simm.s32 $0x230  }
0x78: {  	[tilespmem:s31], [sflag:$0x4] =	stream.indirect.gather.add.f32 [hbm:s6], $0x80, s9, s29, $0xb8;
	[tilespmem:$0x1DB00] =	vst v63  }
0x79: {  	_ =	swait.ge [sflag:s12], $0x2800  }
0x7a: {  	[sflag:s12] =	ssyncset.done $0x0  }
0x7b: {  	[sflag:s12] =	ssyncadd.s32 $0xFFFFD800  }
0x7c: {  	_ =	swait.ge [sflag:s12], $0x2800  }
0x7d: {  	p0 =	seq.s32 s21, $0x0;
	[sflag:s12] =	ssyncset.done $0x0  }
0x7e: {  	s9 =	simm.s32 @!p0 $0x5;
	[sflag:s12] =	ssyncadd.s32 $0xFFFFD800  }
0x7f: {  	_ =	swait.ge @!p0 [sflag:s9], $0x2800  }
0x80: {  	[sflag:s9] =	ssyncset.done @!p0 $0x0  }
0x81: {  	s19 =	simm.s32 $0x0;
	[sflag:s9] =	ssyncadd.s32 @!p0 $0xFFFFD800  }
0x82: {  	v13 =	vld [tilespmem:s19+$0x2F0]  }
0x83: {  	v16 =	vld [tilespmem:s19+$0x280]  }
0x84: {  	v17 =	vld [tilespmem:s19+$0x290]  }
0x85: {  	v15 =	vld [tilespmem:s19+$0x2A0]  }
0x86: {  	v14 =	vld [tilespmem:s19+$0x2B0]  }
0x87: {  	v12 =	vld [tilespmem:s19+$0x2C0];
	v18 =	vmax.f32 v13, $0.0e+00  }
0x88: {  	v13 =	vld [tilespmem:s19+$0x2D0];
	v16 =	vmax.f32 v16, $0.0e+00;
	[tilespmem:s19+$0x52F0] =	vst v18  }
0x89: {  	s22 =	simm.s32 $0x80;
	s9 =	simm.s32 $0x400;
	v17 =	vmax.f32 v17, $0.0e+00;
	[tilespmem:s19+$0x5280] =	vst v16;
	v16 =	vld [tilespmem:s19+$0x2E0]  }
.LBB2_5:
0x8a: {  	p1 =	sne.s32 s9, $0x9E00;
	v18 =	vld [tilespmem:s22+$0x2F0];
	[tilespmem:s19+$0x5290] =	vst v17;
	v15 =	vmax.f32 v15, $0.0e+00  }
0x8b: {  	v17 =	vld [tilespmem:s22+$0x280];
	[tilespmem:s19+$0x52A0] =	vst v15;
	v14 =	vmax.f32 v14, $0.0e+00  }
0x8c: {  	v19 =	vld [tilespmem:s22+$0x290];
	[tilespmem:s19+$0x52B0] =	vst v14;
	v12 =	vmax.f32 v12, $0.0e+00  }
.Ltmp1:
0x8d: {  	v15 =	vld [tilespmem:s22+$0x2A0];
	[tilespmem:s19+$0x52C0] =	vst v12;
	v12 =	vmax.f32 v13, $0.0e+00;
	(pc) =	sbr.rel @p1 .LBB2_5-.Ltmp1, $4  }
0x8e: {  	v14 =	vld [tilespmem:s22+$0x2B0];
	[tilespmem:s19+$0x52D0] =	vst v12;
	v13 =	vmax.f32 v16, $0.0e+00  }
0x8f: {  	v12 =	vld [tilespmem:s22+$0x2C0];
	v16 =	vmax.f32 v18, $0.0e+00;
	[tilespmem:s19+$0x52E0] =	vst v13;
	s19 =	smov.u32 s22  }
0x90: {  	v17 =	vmax.f32 v17, $0.0e+00;
	v13 =	vld [tilespmem:s19+$0x2D0];
	[tilespmem:s19+$0x52F0] =	vst v16  }
0x91: {  	s22 =	sshra.s32 s9, $0x2;
	s9 =	sadd.s32 $0x200, s9;
	[tilespmem:s19+$0x5280] =	vst v17;
	v17 =	vmax.f32 v19, $0.0e+00;
	v16 =	vld [tilespmem:s19+$0x2E0]  }
0x92: {  	v18 =	vld [tilespmem:s22+$0x2F0];
	[tilespmem:s19+$0x5290] =	vst v17;
	v15 =	vmax.f32 v15, $0.0e+00  }
0x93: {  	v17 =	vld [tilespmem:s22+$0x280];
	[tilespmem:s19+$0x52A0] =	vst v15;
	v14 =	vmax.f32 v14, $0.0e+00  }
0x94: {  	v15 =	vld [tilespmem:s22+$0x290];
	[tilespmem:s19+$0x52B0] =	vst v14;
	v12 =	vmax.f32 v12, $0.0e+00  }
0x95: {  	v14 =	vld [tilespmem:s22+$0x2A0];
	[tilespmem:s19+$0x52C0] =	vst v12;
	v12 =	vmax.f32 v13, $0.0e+00  }
0x96: {  	v13 =	vld [tilespmem:s22+$0x2B0];
	[tilespmem:s19+$0x52D0] =	vst v12;
	v12 =	vmax.f32 v16, $0.0e+00  }
0x97: {  	v16 =	vld [tilespmem:s22+$0x2C0];
	[tilespmem:s19+$0x52E0] =	vst v12;
	v12 =	vmax.f32 v18, $0.0e+00  }
0x98: {  	v18 =	vld [tilespmem:s22+$0x2D0];
	v17 =	vmax.f32 v17, $0.0e+00;
	[tilespmem:s22+$0x52F0] =	vst v12  }
0x99: {  	[tilespmem:s22+$0x5280] =	vst v17;
	v12 =	vmax.f32 v15, $0.0e+00;
	v15 =	vld [tilespmem:s22+$0x2E0]  }
0x9a: {  	[tilespmem:s22+$0x5290] =	vst v12;
	v12 =	vmax.f32 v14, $0.0e+00  }
0x9b: {  	[tilespmem:s22+$0x52A0] =	vst v12;
	v12 =	vmax.f32 v13, $0.0e+00  }
0x9c: {  	[tilespmem:s22+$0x52B0] =	vst v12;
	v12 =	vmax.f32 v16, $0.0e+00  }
0x9d: {  	[tilespmem:s22+$0x52C0] =	vst v12;
	v12 =	vmax.f32 v18, $0.0e+00  }
0x9e: {  	[tilespmem:s22+$0x52D0] =	vst v12;
	v12 =	vmax.f32 v15, $0.0e+00  }
0x9f: {  	[tilespmem:s22+$0x52E0] =	vst v12  }
0xa0: {  	v12 =	vld [tilespmem:$0xA0]  }
0xa1: {  	v13 =	vld [tilespmem:$0xB0]  }
0xa2: {  	v14 =	vld [tilespmem:$0xC0]  }
0xa3: {  	v15 =	vld [tilespmem:$0xD0]  }
0xa4: {  	v16 =	vld [tilespmem:$0xE0]  }
0xa5: {  	[tilespmem:$0x140] =	vst v12  }
0xa6: {  	s22 =	smul.u32 $0xA0, s21;
	[tilespmem:$0x150] =	vst v13  }
0xa7: {  	[tilespmem:$0x160] =	vst v14  }
0xa8: {  	s9 =	sadd.s32 s22, s23;
	[tilespmem:$0x170] =	vst v15  }
0xa9: {  	s18 =	sshrl.u32 s9, $0x3;
	[tilespmem:$0x180] =	vst v16  }
0xaa: {  	[spmem:s2] =	stream.indirect.scatter.add.f32 [tilespmem:s14], [sflag:$0x5], $0x80, s13, s29, $0xb8;
	[tilespmem:$0x1DB00] =	vst v63  }
0xab: {  	s20 =	sadd.s32 s7, s18  }
0xac: {  	[tilespmem:s3], [sflag:$0x7] =	stream.linear.gather [hbm4b:s20+s3], $0x50, $0x38;
	[tilespmem:$0x1DB00] =	vst v63  }
0xad: {  	_ =	swait.ge [sflag:s26], $0x50  }
0xae: {  	[sflag:s26] =	ssyncset.done $0x0  }
0xaf: {  	s18 =	sadd.s32 s8, s18;
	[sflag:s26] =	ssyncadd.s32 $0xFFFFFFB0  }
0xb0: {  	[tilespmem:s28], [sflag:$0x7] =	stream.linear.gather [hbm4b:s18+s3], $0x50, $0x38;
	[tilespmem:$0x1DB00] =	vst v63  }
0xb1: {  	_ =	swait.ge [sflag:s26], $0x50  }
0xb2: {  	[sflag:s26] =	ssyncset.done $0x0  }
0xb3: {  	s11 =	sadd.s32 $0x10, s9;
	[sflag:s26] =	ssyncadd.s32 $0xFFFFFFB0  }
0xb4: {  	v12 =	vor.u32 s9, v0;
	[tilespmem:s25], [sflag:$0x1] =	stream.indirect.gather [hbm4b:s4+s29], $0x80, s3, s29, $0xb8;
	[tilespmem:$0x1DB00] =	vst v63  }
0xb5: {  	s19 =	sadd.s32 $0x20, s9;
	[tilespmem:$0x1E0] =	vst v12;
	v12 =	vor.u32 s11, v0  }
0xb6: {  	s20 =	sadd.s32 $0x30, s9;
	[tilespmem:$0x1F0] =	vst v12;
	v12 =	vor.u32 s19, v0  }
0xb7: {  	s9 =	sadd.s32 $0x40, s9;
	[tilespmem:$0x200] =	vst v12;
	v12 =	vor.u32 s20, v0  }
0xb8: {  	[tilespmem:$0x210] =	vst v12;
	v12 =	vor.u32 s9, v0  }
0xb9: {  	[tilespmem:$0x220] =	vst v12  }
0xba: {  	_ =	swait.ge [sflag:s15], $0x2800  }
0xbb: {  	[sflag:s15] =	ssyncset.done $0x0  }
0xbc: {  	[sflag:s15] =	ssyncadd.s32 $0xFFFFD800  }
0xbd: {  	_ =	swait.ge [sflag:s15], $0x2800  }
0xbe: {  	[sflag:s15] =	ssyncset.done $0x0  }
0xbf: {  	s9 =	simm.s32 @!p0 $0x6;
	[sflag:s15] =	ssyncadd.s32 $0xFFFFD800  }
0xc0: {  	_ =	swait.ge @!p0 [sflag:s9], $0x2800  }
0xc1: {  	[sflag:s9] =	ssyncset.done @!p0 $0x0  }
0xc2: {  	[sflag:s9] =	ssyncadd.s32 @!p0 $0xFFFFD800;
	s9 =	simm.s32 $0x0  }
0xc3: {  	v13 =	vld [tilespmem:s9+$0x2AF0]  }
0xc4: {  	v16 =	vld [tilespmem:s9+$0x2A80]  }
0xc5: {  	v17 =	vld [tilespmem:s9+$0x2A90]  }
0xc6: {  	v15 =	vld [tilespmem:s9+$0x2AA0]  }
0xc7: {  	v14 =	vld [tilespmem:s9+$0x2AB0]  }
0xc8: {  	v12 =	vld [tilespmem:s9+$0x2AC0];
	v18 =	vmax.f32 v13, $0.0e+00  }
0xc9: {  	v13 =	vld [tilespmem:s9+$0x2AD0];
	v16 =	vmax.f32 v16, $0.0e+00;
	[tilespmem:s9+$0x7AF0] =	vst v18  }
0xca: {  	s18 =	simm.s32 $0x400;
	s19 =	simm.s32 $0x80;
	v17 =	vmax.f32 v17, $0.0e+00;
	[tilespmem:s9+$0x7A80] =	vst v16;
	v16 =	vld [tilespmem:s9+$0x2AE0]  }
.LBB2_7:
0xcb: {  	p0 =	sne.s32 s18, $0x9E00;
	v18 =	vld [tilespmem:s19+$0x2AF0];
	[tilespmem:s9+$0x7A90] =	vst v17;
	v15 =	vmax.f32 v15, $0.0e+00  }
0xcc: {  	v17 =	vld [tilespmem:s19+$0x2A80];
	[tilespmem:s9+$0x7AA0] =	vst v15;
	v14 =	vmax.f32 v14, $0.0e+00  }
0xcd: {  	v19 =	vld [tilespmem:s19+$0x2A90];
	[tilespmem:s9+$0x7AB0] =	vst v14;
	v12 =	vmax.f32 v12, $0.0e+00  }
.Ltmp2:
0xce: {  	v15 =	vld [tilespmem:s19+$0x2AA0];
	[tilespmem:s9+$0x7AC0] =	vst v12;
	v12 =	vmax.f32 v13, $0.0e+00;
	(pc) =	sbr.rel @p0 .LBB2_7-.Ltmp2, $4  }
0xcf: {  	v14 =	vld [tilespmem:s19+$0x2AB0];
	[tilespmem:s9+$0x7AD0] =	vst v12;
	v13 =	vmax.f32 v16, $0.0e+00  }
0xd0: {  	v12 =	vld [tilespmem:s19+$0x2AC0];
	v16 =	vmax.f32 v18, $0.0e+00;
	[tilespmem:s9+$0x7AE0] =	vst v13;
	s9 =	smov.u32 s19  }
0xd1: {  	v17 =	vmax.f32 v17, $0.0e+00;
	v13 =	vld [tilespmem:s9+$0x2AD0];
	[tilespmem:s9+$0x7AF0] =	vst v16  }
0xd2: {  	s19 =	sshra.s32 s18, $0x2;
	s18 =	sadd.s32 $0x200, s18;
	[tilespmem:s9+$0x7A80] =	vst v17;
	v17 =	vmax.f32 v19, $0.0e+00;
	v16 =	vld [tilespmem:s9+$0x2AE0]  }
0xd3: {  	v18 =	vld [tilespmem:s19+$0x2AF0];
	[tilespmem:s9+$0x7A90] =	vst v17;
	v15 =	vmax.f32 v15, $0.0e+00  }
0xd4: {  	v17 =	vld [tilespmem:s19+$0x2A80];
	[tilespmem:s9+$0x7AA0] =	vst v15;
	v14 =	vmax.f32 v14, $0.0e+00  }
0xd5: {  	v15 =	vld [tilespmem:s19+$0x2A90];
	[tilespmem:s9+$0x7AB0] =	vst v14;
	v12 =	vmax.f32 v12, $0.0e+00  }
0xd6: {  	v14 =	vld [tilespmem:s19+$0x2AA0];
	[tilespmem:s9+$0x7AC0] =	vst v12;
	v47 =	vmax.f32 v13, $0.0e+00  }
0xd7: {  	v48 =	vld [tilespmem:s19+$0x2AB0];
	[tilespmem:s9+$0x7AD0] =	vst v47;
	v49 =	vmax.f32 v16, $0.0e+00  }
0xd8: {  	v50 =	vld [tilespmem:s19+$0x2AC0];
	[tilespmem:s9+$0x7AE0] =	vst v49;
	v51 =	vmax.f32 v18, $0.0e+00  }
0xd9: {  	v52 =	vld [tilespmem:s19+$0x2AD0];
	v17 =	vmax.f32 v17, $0.0e+00;
	[tilespmem:s19+$0x7AF0] =	vst v51  }
0xda: {  	v54 =	vld [tilespmem:s19+$0x2AE0];
	[tilespmem:s19+$0x7A80] =	vst v17;
	v53 =	vmax.f32 v15, $0.0e+00  }
0xdb: {  	[tilespmem:s19+$0x7A90] =	vst v53;
	v55 =	vmax.f32 v14, $0.0e+00  }
0xdc: {  	[tilespmem:s19+$0x7AA0] =	vst v55;
	v56 =	vmax.f32 v48, $0.0e+00  }
0xdd: {  	[tilespmem:s19+$0x7AB0] =	vst v56;
	v57 =	vmax.f32 v50, $0.0e+00  }
0xde: {  	[tilespmem:s19+$0x7AC0] =	vst v57;
	v58 =	vmax.f32 v52, $0.0e+00  }
0xdf: {  	v59 =	vmax.f32 v54, $0.0e+00;
	[tilespmem:s19+$0x7AD0] =	vst v58  }
0xe0: {  	[tilespmem:s19+$0x7AE0] =	vst v59  }
0xe1: {  	v12 =	vld [tilespmem:$0xF0]  }
0xe2: {  	v60 =	vld [tilespmem:$0x100]  }
0xe3: {  	v61 =	vld [tilespmem:$0x110]  }
0xe4: {  	v62 =	vld [tilespmem:$0x120]  }
0xe5: {  	v63 =	vld [tilespmem:$0x130]  }
0xe6: {  	[tilespmem:$0x190] =	vst v12  }
0xe7: {  	[tilespmem:$0x1A0] =	vst v60  }
0xe8: {  	p0 =	seq.s32 s21, $0x3D;
	[tilespmem:$0x1B0] =	vst v61  }
0xe9: {  	s9 =	sadd.s32 @!p0 s22, s24;
	[tilespmem:$0x1C0] =	vst v62  }
0xea: {  	s18 =	sshrl.u32 @!p0 s9, $0x3;
	[tilespmem:$0x1D0] =	vst v63  }
0xeb: {  	[spmem:s2] =	stream.indirect.scatter.add.f32 [tilespmem:s17], [sflag:$0x6], $0x80, s16, s29, $0xb8;
	[tilespmem:$0x1DB00] =	vst v63  }
0xec: {  	s20 =	simm.s32 @!p0 $0x50;
	s22 =	simm.s32 @!p0 $0x0;
	s19 =	sadd.s32 @!p0 s7, s18  }
0xed: {  	[tilespmem:s20], [sflag:$0x7] =	stream.linear.gather @!p0 [hbm4b:s19+s22], $0x50, $0x38;
	[tilespmem:$0x1DB00] =	vst v63  }
0xee: {  	s19 =	simm.s32 @!p0 $0x7  }
0xef: {  	_ =	swait.ge @!p0 [sflag:s19], $0x50  }
0xf0: {  	[sflag:s19] =	ssyncset.done @!p0 $0x0  }
0xf1: {  	s11 =	simm.s32 @!p0 $0xF0;
	s18 =	sadd.s32 @!p0 s8, s18;
	[sflag:s19] =	ssyncadd.s32 @!p0 $0xFFFFFFB0  }
0xf2: {  	[tilespmem:s11], [sflag:$0x7] =	stream.linear.gather @!p0 [hbm4b:s18+s22], $0x50, $0x38;
	[tilespmem:$0x1DB00] =	vst v63  }
0xf3: {  	_ =	swait.ge @!p0 [sflag:s19], $0x50  }
0xf4: {  	[sflag:s19] =	ssyncset.done @!p0 $0x0  }
0xf5: {  	s11 =	simm.s32 @!p0 $0x2A80;
	[sflag:s19] =	ssyncadd.s32 @!p0 $0xFFFFFFB0  }
0xf6: {  	v12 =	vlaneseq.u32 @!p0;
	[tilespmem:s11], [sflag:$0x2] =	stream.indirect.gather @!p0 [hbm4b:s4+s20], $0x80, s20, s20, $0xb8;
	[tilespmem:$0x1DB00] =	vst v63  }
0xf7: {  	v13 =	vor.u32 @!p0 s9, v12;
	s11 =	sadd.s32 @!p0 $0x10, s9  }
0xf8: {  	[tilespmem:$0x230] =	vst @!p0 v13;
	v13 =	vor.u32 @!p0 s11, v12;
	s11 =	sadd.s32 @!p0 $0x20, s9  }
0xf9: {  	[tilespmem:$0x240] =	vst @!p0 v13;
	v13 =	vor.u32 @!p0 s11, v12;
	s11 =	sadd.s32 @!p0 $0x30, s9  }
0xfa: {  	s9 =	sadd.s32 @!p0 $0x40, s9;
	[tilespmem:$0x250] =	vst @!p0 v13;
	v13 =	vor.u32 @!p0 s11, v12  }
0xfb: {  	v12 =	vor.u32 @!p0 s9, v12;
	[tilespmem:$0x260] =	vst @!p0 v13  }
0xfc: {  	s21 =	sadd.s32 $0x1, s21;
	[tilespmem:$0x270] =	vst @!p0 v12  }
0xfd: {  	p0 =	sne.s32 s21, $0x3E;
	_ =	swait.ge [sflag:s0], $0x2800  }
.Ltmp3:
0xfe: {  	[sflag:s0] =	ssyncset.done $0x0;
	(pc) =	sbr.rel @p0 .LBB2_4-.Ltmp3, $4  }
0xff: {  	[sflag:s0] =	ssyncadd.s32 $0xFFFFD800  }
0x100: {  	[tilespmem:s25], [sflag:$0x3] =	stream.indirect.gather.add.f32 [hbm:s5], $0x80, s28, s29, $0xb8;
	[tilespmem:$0x1DB00] =	vst v63  }
0x101: {  	_ = 	snop  }
0x102: {  	[tilespmem:s25], [sflag:$0x3] =	stream.indirect.gather.add.f32 [hbm:s6], $0x80, s1, s29, $0xb8;
	[tilespmem:$0x1DB00] =	vst v63  }
0x103: {  	_ =	swait.ge [sflag:s12], $0x2800  }
0x104: {  	[sflag:s12] =	ssyncset.done $0x0  }
0x105: {  	[sflag:s12] =	ssyncadd.s32 $0xFFFFD800  }
0x106: {  	_ =	swait.ge [sflag:s12], $0x2800  }
0x107: {  	[sflag:s12] =	ssyncset.done $0x0  }
0x108: {  	s11 =	simm.s32 $0x5;
	[sflag:s12] =	ssyncadd.s32 $0xFFFFD800  }
0x109: {  	_ =	swait.ge [sflag:s11], $0x2800  }
0x10a: {  	[sflag:s11] =	ssyncset.done $0x0  }
0x10b: {  	s9 =	simm.s32 $0x0;
	[sflag:s11] =	ssyncadd.s32 $0xFFFFD800  }
0x10c: {  	v13 =	vld [tilespmem:s9+$0x2F0]  }
0x10d: {  	v16 =	vld [tilespmem:s9+$0x280]  }
0x10e: {  	v17 =	vld [tilespmem:s9+$0x290]  }
0x10f: {  	v15 =	vld [tilespmem:s9+$0x2A0]  }
0x110: {  	v14 =	vld [tilespmem:s9+$0x2B0]  }
0x111: {  	v12 =	vld [tilespmem:s9+$0x2C0];
	v18 =	vmax.f32 v13, $0.0e+00  }
0x112: {  	v13 =	vld [tilespmem:s9+$0x2D0];
	v16 =	vmax.f32 v16, $0.0e+00;
	[tilespmem:s9+$0x52F0] =	vst v18  }
0x113: {  	s19 =	simm.s32 $0x80;
	s18 =	simm.s32 $0x400;
	v17 =	vmax.f32 v17, $0.0e+00;
	[tilespmem:s9+$0x5280] =	vst v16;
	v16 =	vld [tilespmem:s9+$0x2E0]  }
.LBB2_10:
0x114: {  	p0 =	sne.s32 s18, $0x9E00;
	v18 =	vld [tilespmem:s19+$0x2F0];
	[tilespmem:s9+$0x5290] =	vst v17;
	v15 =	vmax.f32 v15, $0.0e+00  }
0x115: {  	v17 =	vld [tilespmem:s19+$0x280];
	[tilespmem:s9+$0x52A0] =	vst v15;
	v14 =	vmax.f32 v14, $0.0e+00  }
0x116: {  	v19 =	vld [tilespmem:s19+$0x290];
	[tilespmem:s9+$0x52B0] =	vst v14;
	v12 =	vmax.f32 v12, $0.0e+00  }
.Ltmp4:
0x117: {  	v15 =	vld [tilespmem:s19+$0x2A0];
	[tilespmem:s9+$0x52C0] =	vst v12;
	v12 =	vmax.f32 v13, $0.0e+00;
	(pc) =	sbr.rel @p0 .LBB2_10-.Ltmp4, $4  }
0x118: {  	v14 =	vld [tilespmem:s19+$0x2B0];
	[tilespmem:s9+$0x52D0] =	vst v12;
	v13 =	vmax.f32 v16, $0.0e+00  }
0x119: {  	v12 =	vld [tilespmem:s19+$0x2C0];
	v16 =	vmax.f32 v18, $0.0e+00;
	[tilespmem:s9+$0x52E0] =	vst v13;
	s9 =	smov.u32 s19  }
0x11a: {  	v17 =	vmax.f32 v17, $0.0e+00;
	v13 =	vld [tilespmem:s9+$0x2D0];
	[tilespmem:s9+$0x52F0] =	vst v16  }
0x11b: {  	s19 =	sshra.s32 s18, $0x2;
	s18 =	sadd.s32 $0x200, s18;
	[tilespmem:s9+$0x5280] =	vst v17;
	v17 =	vmax.f32 v19, $0.0e+00;
	v16 =	vld [tilespmem:s9+$0x2E0]  }
0x11c: {  	v18 =	vld [tilespmem:s19+$0x2F0];
	[tilespmem:s9+$0x5290] =	vst v17;
	v15 =	vmax.f32 v15, $0.0e+00  }
0x11d: {  	v17 =	vld [tilespmem:s19+$0x280];
	[tilespmem:s9+$0x52A0] =	vst v15;
	v14 =	vmax.f32 v14, $0.0e+00  }
0x11e: {  	v15 =	vld [tilespmem:s19+$0x290];
	[tilespmem:s9+$0x52B0] =	vst v14;
	v12 =	vmax.f32 v12, $0.0e+00  }
0x11f: {  	v14 =	vld [tilespmem:s19+$0x2A0];
	[tilespmem:s9+$0x52C0] =	vst v12;
	v47 =	vmax.f32 v13, $0.0e+00  }
0x120: {  	v48 =	vld [tilespmem:s19+$0x2B0];
	[tilespmem:s9+$0x52D0] =	vst v47;
	v49 =	vmax.f32 v16, $0.0e+00  }
0x121: {  	v50 =	vld [tilespmem:s19+$0x2C0];
	[tilespmem:s9+$0x52E0] =	vst v49;
	v51 =	vmax.f32 v18, $0.0e+00  }
0x122: {  	v52 =	vld [tilespmem:s19+$0x2D0];
	v17 =	vmax.f32 v17, $0.0e+00;
	[tilespmem:s19+$0x52F0] =	vst v51  }
0x123: {  	v54 =	vld [tilespmem:s19+$0x2E0];
	[tilespmem:s19+$0x5280] =	vst v17;
	v53 =	vmax.f32 v15, $0.0e+00  }
0x124: {  	[tilespmem:s19+$0x5290] =	vst v53;
	v55 =	vmax.f32 v14, $0.0e+00  }
0x125: {  	[tilespmem:s19+$0x52A0] =	vst v55;
	v56 =	vmax.f32 v48, $0.0e+00  }
0x126: {  	[tilespmem:s19+$0x52B0] =	vst v56;
	v57 =	vmax.f32 v50, $0.0e+00  }
0x127: {  	[tilespmem:s19+$0x52C0] =	vst v57;
	v58 =	vmax.f32 v52, $0.0e+00  }
0x128: {  	v59 =	vmax.f32 v54, $0.0e+00;
	[tilespmem:s19+$0x52D0] =	vst v58  }
0x129: {  	[tilespmem:s19+$0x52E0] =	vst v59  }
0x12a: {  	v12 =	vld [tilespmem:$0xA0]  }
0x12b: {  	v60 =	vld [tilespmem:$0xB0]  }
0x12c: {  	v61 =	vld [tilespmem:$0xC0]  }
0x12d: {  	v62 =	vld [tilespmem:$0xD0]  }
0x12e: {  	v63 =	vld [tilespmem:$0xE0]  }
0x12f: {  	[tilespmem:$0x140] =	vst v12  }
0x130: {  	[tilespmem:$0x150] =	vst v60  }
0x131: {  	[tilespmem:$0x160] =	vst v61  }
0x132: {  	[tilespmem:$0x170] =	vst v62  }
0x133: {  	[tilespmem:$0x180] =	vst v63  }
0x134: {  	[spmem:s2] =	stream.indirect.scatter.add.f32 [tilespmem:s14], [sflag:$0x5], $0x80, s13, s29, $0xb8;
	[tilespmem:$0x1DB00] =	vst v63  }
0x135: {  	_ =	swait.ge [sflag:s11], $0x2800  }
0x136: {  	[sflag:s11] =	ssyncset.done $0x0  }
0x137: {  	[sflag:s11] =	ssyncadd.s32 $0xFFFFD800;
	s11 =	simm.s32 $0x6  }
0x138: {  	_ =	swait.ge [sflag:s11], $0x2800  }
0x139: {  	[sflag:s11] =	ssyncset.done $0x0  }
0x13a: {  	[sflag:s11] =	ssyncadd.s32 $0xFFFFD800  }
0x13b: {  	s18 =	stileid.u32;
	[bflag:$0x0] =	sbarrier.arrive $0xFFFF  }
0x13c: {  	s9 =	sshll.u32 s18, $0x6;
	s20 =	rddreg [dreg:$0x3]  }
0x13d: {  	s9 =	sor.u32 $0x1C07, s9;
	s18 =	rddreg [dreg:$0xf];
	s19 =	sshrl.u32 s20, $0x3  }
0x13e: {  	[hbm:s18], [sflag:s9] =	dma.local [spmem:s19], $0x2710  }
0x13f: {  	_ =	swait.ge [sflag:s26], $0x2710  }
0x140: {  	s21 =	rddreg [dreg:$0x11]  }
0x141: {  	s22 =	rddreg [dreg:$0x10];
	s11 =	sadd.s32 $0x1, s21  }
0x142: {  	p0 =	sne.s32 s11, s22  }
.Ltmp5:
0x143: {  	_ = 	snop;
	(pc) =	sbr.rel @p0 .LBB2_1-.Ltmp5, $3  }
0x144: {  	_ =	sdelay $0x1  }
0x145: {  	[sflag:s26] =	ssyncset.done $0x0  }
0x146: {  	[sflag:s26] =	ssyncadd.s32 $0xFFFFD8F0  }
0x147: {  	_ =	sfence.sel $0x180000  }
0x148: {  	[bflag:$0x0] =	sbarrier.arrive $0xFFFF  }
0x149: {  	_ =	strace $0x9000004A  }
0x14a: {  	s0 =	stileid.u32;
	[bflag:$0x2] =	sbarrier.arrive $0xFFFF  }
0x14b: {  	p0 =	sne.s32 s0, $0x0;
	s0 =	rddreg [dreg:$0x2]  }
0x14c: {  	s0 =	sadd.s32 @!p0 $0x100000, s0  }
0x14d: {  	[sflag:s0] =	ssyncadd.tile.s32 @!p0 $0x1;
	_ =	shalt  }
.Lfunc_end2:
_tile_overlayer_lowered:
.L_overlay_start_2:
0x14e: {  	(tag) =	ssettag $0x2  }
0x14f: {  	s0 =	rddreg [dreg:$0x0];
	s2 =	stileid.u32  }
0x150: {  	s1 =	rddreg [dreg:$0x1];
	p0 =	sne.s32 s2, $0x0  }
0x151: {  	s3 =	rddreg [dreg:$0x2];
	[bflag:$0x3] =	sbarrier.arrive $0xFFFF;
	s2 =	simm.s32 @!p0 $0x1C07  }
0x152: {  	[timem:s3], [sflag:s2] =	dma.local @!p0 [hbm:s0], s1  }
0x153: {  	s0 =	simm.s32 @!p0 $0x7  }
0x154: {  	_ =	swait.ge @!p0 [sflag:s0], s1  }
0x155: {  	s1 =	ssub.s32 @!p0 $0x0, s1;
	[sflag:s0] =	ssyncset.done @!p0 $0x0  }
0x156: {  	[sflag:s0] =	ssyncadd.s32 @!p0 s1  }
0x157: {  	[bflag:$0x3] =	sbarrier.arrive $0xFFFF  }
0x158: {  	_ =	shalt  }

// kernel: kernel.7.cloned.1.call-start
scs
__scs_entry_jumppad:
0x0: {  	(pc) =	sbr.rel $0x88, $3  }
0x1: {  	(tag) =	ssettag $0x0;
	lr =	simm.s32 $0x1  }
0x2: {  	[smem:$0x3F92] =	sst lr;
	_ =	strace $0xD0000000  }
0x3: {  	_ = 	snop  }
0x4: {  	_ = 	snop  }
0x5: {  	_ = 	snop  }
0x6: {  	_ = 	snop  }
0x7: {  	_ = 	snop  }
__scs_overlays_trampoline_lowered:
0x8: {  	[smem:$0x3FA1] =	sst s0  }
0x9: {  	[smem:$0x3FA2] =	sst s1  }
0xa: {  	[smem:$0x3FA3] =	sst s2  }
0xb: {  	[smem:$0x3FA4] =	sst s3  }
0xc: {  	[smem:$0x3FA5] =	sst s4  }
0xd: {  	[smem:$0x3FA6] =	sst s5  }
0xe: {  	[smem:$0x3FA7] =	sst s6  }
0xf: {  	[smem:$0x3FA8] =	sst s7  }
0x10: {  	[smem:$0x3FA9] =	sst s8  }
0x11: {  	[smem:$0x3FAA] =	sst s9;
	s0 =	simm.s32 @!p0 $0x0  }
0x12: {  	s1 =	sld [smem:$0x3F90];
	s0 =	simm.s32 @p0 $0x1  }
0x13: {  	[smem:$0x3FAB] =	sst s0;
	s0 =	simm.s32 @!p1 $0x0  }
0x14: {  	s2 =	sld [smem:$0x3F8F];
	s0 =	simm.s32 @p1 $0x1  }
0x15: {  	[smem:$0x3FAC] =	sst s0;
	s0 =	simm.s32 @!p2 $0x0  }
0x16: {  	s3 =	sld [smem:$0x3FDB];
	s0 =	simm.s32 @p2 $0x1  }
0x17: {  	s4 =	simm.s32 $0x1BF5;
	[smem:$0x3FAE] =	sst s0  }
0x18: {  	s0 =	sld [smem:$0x3F91];
	_ =	swait.ge [sflag:s4], $0x0  }
0x19: {  	s7 =	sld [smem:$0x3F92]  }
0x1a: {  	s8 =	sadd.s32 $0xFFFFE003, lr  }
0x1b: {  	s9 =	sadd.s32 $0xFFFFFEF7, lr;
	s5 =	simm.s32 $0xFFFFFFFF;
	p2 =	slt.u32 s8, $0xFFFFF086  }
0x1c: {  	p1 =	slt.u32 s9, $0xF7A;
	s5 =	simm.s32 @!p2 $0x0  }
0x1d: {  	s5 =	simm.s32 @p1 $0x1;
	p0 =	seq.s32 s7, s2  }
0x1e: {  	s7 =	smul.u32 @!p0 $0xF7A, s2;
	p2 =	seq.s32 @!p0 s5, $0x0  }
0x1f: {  	s9 =	smul.u32 $0xF7A, s1;
	s8 =	simm.s32 @!p0 $0x1BF5;
	p2 =	por !p2, p0  }
0x20: {  	[sflag:s8] =	ssyncset.s32 @!p0 $0xFFFFF086;
	s6 =	sadd.s32 @!p0 s3, s7;
	s7 =	simm.s32 @!p0 $0x108  }
0x21: {  	s3 =	sadd.s32 s3, s9;
	s6 =	sadd.s32 @!p0 $0x88, s6;
	s7 =	simm.s32 @p2 $0x1082  }
0x22: {  	[simem:s7], [sflag:s8] =	dma.local @!p0 [hbm:s6], $0xF7A  }
0x23: {  	s9 =	sor.u32 $0xD0000000, s2;
	s6 =	simm.s32 $0x108;
	_ =	swait.ge @!p0 [sflag:s8], $0x0  }
0x24: {  	s3 =	sadd.s32 $0x88, s3;
	s6 =	simm.s32 @!p1 $0x1082;
	[sflag:s4] =	ssyncset.s32 $0xFFFFF086  }
0x25: {  	[simem:s6], [sflag:s4] =	dma.local [hbm:s3], $0xF7A  }
0x26: {  	[smem:$0x3F92] =	sst s1;
	(tag) =	ssettag s2;
	_ =	strace s9  }
0x27: {  	s1 =	sld [smem:$0x3FA2]  }
0x28: {  	s2 =	sld [smem:$0x3FA3]  }
0x29: {  	s4 =	sld [smem:$0x3FA5]  }
0x2a: {  	p0 =	seq.s32 s5, $0x0;
	s5 =	sld [smem:$0x3FA6]  }
0x2b: {  	s6 =	sld [smem:$0x3FA7]  }
0x2c: {  	s7 =	sld [smem:$0x3FA8]  }
0x2d: {  	s3 =	simm.s32 $0x108;
	s8 =	sld [smem:$0x3FA9]  }
0x2e: {  	s3 =	simm.s32 @!p0 $0x1082;
	s9 =	sld [smem:$0x3FAA]  }
0x2f: {  	lr =	sadd.s32 s0, s3;
	s0 =	sld [smem:$0x3FA1]  }
0x30: {  	s3 =	sld [smem:$0x3FA4]  }
0x31: {  	[smem:$0x3FAD] =	sst s10  }
0x32: {  	s10 =	sld [smem:$0x3FAB];
	_ =	sdelay $0x3  }
0x33: {  	p0 =	seq.s32 s10, $0x1;
	s10 =	sld [smem:$0x3FAD];
	_ =	sdelay $0x3  }
0x34: {  	[smem:$0x3FAD] =	sst s10  }
0x35: {  	s10 =	sld [smem:$0x3FAC];
	_ =	sdelay $0x3  }
0x36: {  	p1 =	seq.s32 s10, $0x1;
	s10 =	sld [smem:$0x3FAD];
	_ =	sdelay $0x3  }
0x37: {  	[smem:$0x3FAD] =	sst s10  }
0x38: {  	s10 =	sld [smem:$0x3FAE]  }
0x39: {  	_ = 	snop;
	(pc) =	sbr.ind lr, $3  }
0x3a: {  	_ = 	snop  }
0x3b: {  	_ = 	snop  }
0x3c: {  	p2 =	seq.s32 s10, $0x1;
	s10 =	sld [smem:$0x3FAD]  }
0x3d: {  	_ =	shalt  }
0x3e: {  	_ =	shalt  }
0x3f: {  	_ =	shalt  }
0x40: {  	_ =	shalt  }
0x41: {  	_ =	shalt  }
0x42: {  	_ =	shalt  }
0x43: {  	_ =	shalt  }
0x44: {  	_ =	shalt  }
0x45: {  	_ =	shalt  }
0x46: {  	_ =	shalt  }
0x47: {  	_ =	shalt  }
0x48: {  	_ =	shalt  }
0x49: {  	_ =	shalt  }
0x4a: {  	_ =	shalt  }
0x4b: {  	_ =	shalt  }
0x4c: {  	_ =	shalt  }
0x4d: {  	_ =	shalt  }
0x4e: {  	_ =	shalt  }
0x4f: {  	_ =	shalt  }
0x50: {  	_ =	shalt  }
0x51: {  	_ =	shalt  }
0x52: {  	_ =	shalt  }
0x53: {  	_ =	shalt  }
0x54: {  	_ =	shalt  }
0x55: {  	_ =	shalt  }
0x56: {  	_ =	shalt  }
0x57: {  	_ =	shalt  }
0x58: {  	_ =	shalt  }
0x59: {  	_ =	shalt  }
0x5a: {  	_ =	shalt  }
0x5b: {  	_ =	shalt  }
0x5c: {  	_ =	shalt  }
0x5d: {  	_ =	shalt  }
0x5e: {  	_ =	shalt  }
0x5f: {  	_ =	shalt  }
0x60: {  	_ =	shalt  }
0x61: {  	_ =	shalt  }
0x62: {  	_ =	shalt  }
0x63: {  	_ =	shalt  }
0x64: {  	_ =	shalt  }
0x65: {  	_ =	shalt  }
0x66: {  	_ =	shalt  }
0x67: {  	_ =	shalt  }
0x68: {  	_ =	shalt  }
0x69: {  	_ =	shalt  }
0x6a: {  	_ =	shalt  }
0x6b: {  	_ =	shalt  }
0x6c: {  	_ =	shalt  }
0x6d: {  	_ =	shalt  }
0x6e: {  	_ =	shalt  }
0x6f: {  	_ =	shalt  }
0x70: {  	_ =	shalt  }
0x71: {  	_ =	shalt  }
0x72: {  	_ =	shalt  }
0x73: {  	_ =	shalt  }
0x74: {  	_ =	shalt  }
0x75: {  	_ =	shalt  }
0x76: {  	_ =	shalt  }
0x77: {  	_ =	shalt  }
0x78: {  	_ =	shalt  }
0x79: {  	_ =	shalt  }
0x7a: {  	_ =	shalt  }
0x7b: {  	_ =	shalt  }
0x7c: {  	_ =	shalt  }
0x7d: {  	_ =	shalt  }
0x7e: {  	_ =	shalt  }
0x7f: {  	_ =	shalt  }
0x80: {  	_ =	shalt  }
0x81: {  	_ =	shalt  }
0x82: {  	_ =	shalt  }
0x83: {  	_ =	shalt  }
0x84: {  	_ =	shalt  }
0x85: {  	_ =	shalt  }
0x86: {  	_ =	shalt  }
0x87: {  	_ =	shalt  }
.Lfunc_end0:
.L_simem_size_0:
called_computation_lowered:
.L_overlay_start_0:
0x88: {  	s2 =	sld [smem:$0x3FD9]  }
0x89: {  	s3 =	sld [smem:$0x3FFE];
	_ =	sdelay $0x1  }
0x8a: {  	s1 =	srdreg.scid  }
0x8b: {  	s0 =	sand.u32 $0x1, s1  }
0x8c: {  	s17 =	sshll.u32 s0, $0xA;
	s2 =	sadd.s32 s3, s2  }
0x8d: {  	s2 =	sadd.s32 s2, s17  }
0x8e: {  	[smem:$0x3FB9] =	sst s2  }
0x8f: {  	_ = 	snop  }
0x90: {  	s2 =	sld [smem:$0x3FC5];
	(tm) =	ssettm $0x1  }
0x91: {  	s18 =	sld [smem:$0x3FFB];
	_ =	sdelay $0x3  }
0x92: {  	_ =	strace s18  }
0x93: {  	s3 =	sld [smem:$0x3FFC];
	_ =	sdelay $0x3  }
0x94: {  	_ =	strace s3  }
0x95: {  	s3 =	sld [smem:$0x3FFD];
	_ =	sdelay $0x3  }
0x96: {  	_ =	strace s3  }
0x97: {  	_ =	strace $0x8FFFFFFF  }
0x98: {  	s19 =	sld [smem:$0x3FDB];
	_ =	sdelay $0x1  }
0x99: {  	s4 =	simm.s32 $_scs_section_size  }
0x9a: {  	s5 =	simm.s32 $_size__tile_overlayer_lowered;
	s6 =	simm.s32 $_tile_overlayer_lowered  }
0x9b: {  	s22 =	simm.s32 $0x1BFF;
	s21 =	sshll.u32 s6, $0x1;
	s3 =	sadd.s32 s4, s19  }
0x9c: {  	s7 =	simm.s32 $0x0;
	s20 =	sshll.u32 s5, $0x1;
	s5 =	sadd.s32 s21, s3  }
0x9d: {  	[timem:s7], [sflag:s22] =	dma.local [hbm:s5], s20  }
0x9e: {  	_ =	swait.ge [sflag:s22], s20  }
0x9f: {  	s4 =	ssub.s32 $0x0, s20;
	[sflag:s22] =	ssyncset.done $0x0  }
0xa0: {  	[sflag:s22] =	ssyncadd.s32 s4;
	_ =	sdelay $0x1  }
0xa1: {  	s23 =	simm.s32 $0x1B8B  }
0xa2: {  	_ =	swait.ge [sflag:s23], $0x1  }
0xa3: {  	[sflag:s23] =	ssyncset.done $0x0  }
0xa4: {  	s25 =	simm.s32 $0x1B8E;
	s24 =	sld [smem:$0x3FFE];
	[sflag:s23] =	ssyncadd.s32 $0xFFFFFFFF  }
0xa5: {  	s26 =	simm.s32 $execute0_lowered;
	[smem:$0x3FD2] =	sst s25  }
0xa6: {  	s5 =	sshll.u32 s26, $0x1;
	_ =	strace $0x80000046;
	[dreg:$0x1] =	wrdreg $0xFFFFFFFF  }
0xa7: {  	s28 =	simm.s32 $_size_execute0_lowered;
	s3 =	sadd.s32 s3, s5;
	[dreg:$0x0] =	wrdreg $0x0  }
0xa8: {  	s5 =	sshll.u32 s28, $0x1;
	[dreg:$0x2] =	wrdreg s3  }
0xa9: {  	[dreg:$0x3] =	wrdreg s5  }
0xaa: {  	[dreg:$0x4] =	wrdreg $0xC0  }
0xab: {  	_ =	task [dreg:s7], $0x5FFFF  }
0xac: {  	[dreg:$0x1] =	wrdreg $0xFFFFFFFF  }
0xad: {  	[dreg:$0x0] =	wrdreg $0x60  }
0xae: {  	[dreg:$0x2] =	wrdreg s24  }
0xaf: {  	[dreg:$0x3] =	wrdreg s2  }
0xb0: {  	[dreg:$0x4] =	wrdreg $0x69700  }
0xb1: {  	[dreg:$0x5] =	wrdreg $0x9  }
0xb2: {  	_ =	task.clear_ibuf [dreg:s7], $0x6FFFF;
	_ =	strace $0x90000046  }
0xb3: {  	s29 =	simm.s32 $0x9;
	_ =	strace $0x80000048  }
0xb4: {  	_ =	swait.ge [sflag:s29], $0x1  }
0xb5: {  	[sflag:s29] =	ssyncadd.s32 $0xFFFFFFFF  }
0xb6: {  	_ =	strace $0x90000048  }
0xb7: {  	_ =	sfence  }
0xb8: {  	s30 =	sld [smem:$0x0];
	_ =	sdelay $0x2  }
0xb9: {  	s31 =	sshll.u32 s1, $0xD;
	s1 =	sshrl.u32 s1, $0x2  }
0xba: {  	s3 =	sand.u32 $0x4000, s31;
	s1 =	sadd.s32 s1, s30  }
0xbb: {  	s0 =	sor.u32 s3, s0;
	s1 =	sshll.u32 s1, $0x11  }
0xbc: {  	s0 =	sor.u32 s1, s0  }
0xbd: {  	s0 =	sadd.s32 $0x8F2B, s0  }
0xbe: {  	[sflag:s0] =	ssyncadd.remote.s32 $0x1  }
0xbf: {  	_ =	sfence.sel $0xFFFF  }
0xc0: {  	[dreg:$0x0] =	wrdreg $0xFFFFFFFF;
	(pc) =	sbr.abs _section_cstart, $3  }
0xc1: {  	[dreg:$0x1] =	wrdreg $0xFFFFFFFF  }
0xc2: {  	_ =	task.clear_ibuf [dreg:s7], $0x2FFFF;
	_ =	strace $0x9FFFFFFF  }
0xc3: {  	(tm) =	ssettm $0x7FFFFFFF  }
tec
execute0_lowered:
.L_overlay_start_1:
0x0: {  	(tag) =	ssettag $0x1  }
0x1: {  	s0 =	rddreg [dreg:$0x0]  }
0x2: {  	s3 =	rddreg [dreg:$0x2]  }
0x3: {  	s4 =	simm.s32 $0x0;
	s1 =	srdreg.scid;
	s11 =	stileid.u32  }
0x4: {  	s19 =	simm.s32 $0x5;
	s21 =	simm.s32 $0xA0;
	s28 =	simm.s32 $0x1F40  }
0x5: {  	s29 =	simm.s32 $0x1;
	s30 =	simm.s32 $0x2940;
	s31 =	simm.s32 $0x3D60  }
0x6: {  	s18 =	simm.s32 $0x3;
	s20 =	simm.s32 $0x4;
	[smem:$0x7FF] =	sst s4  }
0x7: {  	s1 =	sand.u32 $0x1, s1;
	s2 =	smul.u32 $0x2710, s11;
	s5 =	sadd.s32 $0x52400, s0  }
0x8: {  	s6 =	sadd.s32 $0x66000, s0;
	s7 =	sadd.s32 $0x5C200, s0;
	s8 =	sadd.s32 $0x6FE00, s0  }
0x9: {  	s9 =	smul.u32 $0x27100, s1;
	s10 =	sshll.u32 s1, $0x4;
	s1 =	ssub.s32 $0x2, s1  }
0xa: {  	_ =	strace $0x80000047;
	s11 =	sor.u32 s11, s10;
	s23 =	sshrl.u32 s1, $0x1  }
0xb: {  	s10 =	sadd.s32 s2, s3;
	s9 =	sadd.s32 s2, s9;
	s12 =	smul.u32 $0x4E200, s11  }
0xc: {  	s1 =	ssub.s32 s1, s23;
	s23 =	simm.s32 $0x140;
	s22 =	sshrl.u32 s9, $0x3  }
0xd: {  	s9 =	smul.u32 $0x2710, s11;
	s26 =	smax.u32 s1, $0x1;
	s1 =	simm.s32 $0x3340  }
0xe: {  	s0 =	sadd.s32 s22, s0;
	s25 =	sshrl.u32 s12, $0x3;
	[dreg:$0x8] =	wrdreg s26  }
0xf: {  	s22 =	simm.s32 $0x50;
	s26 =	simm.s32 $0xB40;
	s24 =	sshrl.u32 s9, $0x3  }
0x10: {  	s14 =	sadd.s32 $0xA0, s9;
	s0 =	sadd.s32 $0x1A8600, s0;
	s13 =	sadd.s32 s6, s24  }
0x11: {  	s2 =	sadd.s32 s7, s24;
	[dreg:$0x7] =	wrdreg s0;
	s24 =	simm.s32 $0x1540  }
0x12: {  	s0 =	simm.s32 $0x2;
	[dreg:$0x5] =	wrdreg s2;
	s2 =	sadd.s32 s8, s25  }
0x13: {  	[dreg:$0x4] =	wrdreg s13;
	s13 =	smul.u32 $0x9C4, s11;
	s2 =	sadd.s32 $0x9B00, s2  }
0x14: {  	v0 =	vimm.f32 $0.0e+00;
	v1 =	vimm.f32 $1.000000000e+00;
	s25 =	simm.s32 $0xF0;
	[dreg:$0x6] =	wrdreg s2;
	s2 =	simm.s32 $0x0  }
.LBB2_1:
0x15: {  	s11 =	rddreg [dreg:$0x1];
	s12 =	simm.s32 $0x3D40  }
0x16: {  	[tilespmem:s12], [sflag:$0x5] =	stream.linear.gather [hbm4b:s11+s4], $0x20, $0x38;
	[tilespmem:$0x9080] =	vst v63  }
0x17: {  	_ =	swait.ge [sflag:s19], $0x20  }
0x18: {  	[sflag:s19] =	ssyncset.done $0x0  }
0x19: {  	s11 =	simm.s32 $0x0;
	[sflag:s19] =	ssyncadd.s32 $0xFFFFFFE0  }
.LBB2_2:
0x1a: {  	p0 =	sne.s32 s11, $0x9C00  }
.Ltmp0:
0x1b: {  	_ = 	snop;
	(pc) =	sbr.rel @p0 .LBB2_2-.Ltmp0, $3  }
0x1c: {  	_ =	sdelay $0x1  }
0x1d: {  	s12 =	sshra.s32 s11, $0x2  }
0x1e: {  	s11 =	sadd.s32 $0x40, s11;
	[tilespmem:s12+$0x4260] =	vst v0  }
0x1f: {  	s11 =	simm.s32 $0x40;
	s12 =	simm.s32 $0x0  }
.LBB2_4:
0x20: {  	p0 =	sne.s32 s11, $0x13C0;
	[tilespmem:s12+$0x3D60] =	vst v1;
	s12 =	smov.u32 s11;
	s11 =	sadd.s32 $0x40, s11  }
.Ltmp1:
0x21: {  	(pc) =	sbr.rel @p0 .LBB2_4-.Ltmp1, $2  }
0x22: {  	_ =	sdelay $0x2  }
0x23: {  	s12 =	sshra.s32 s12, $0x2  }
0x24: {  	[tilespmem:s12+$0x3D60] =	vst v1;
	s11 =	simm.s32 $0x4260  }
0x25: {  	[spmem:s10] =	stream.linear.scatter [tilespmem:s11], [sflag:$0x5], $0x2710, $0x38;
	[tilespmem:$0x9080] =	vst v63  }
0x26: {  	_ =	swait.ge [sflag:s19], $0x2710  }
0x27: {  	[sflag:s19] =	ssyncset.done $0x0  }
0x28: {  	[sflag:s19] =	ssyncadd.s32 $0xFFFFD8F0  }
0x29: {  	[bflag:$0x0] =	sbarrier.arrive $0xFFFF  }
0x2a: {  	s11 =	simm.s32 $0x0;
	v2 =	vld [tilespmem:$0x3D40];
	s16 =	rddreg [dreg:$0x4]  }
0x2b: {  	v3 =	vld [tilespmem:$0x3D50];
	[tilespmem:s11], [sflag:$0x5] =	stream.linear.gather [hbm4b:s16+s11], $0x50, $0x38  }
0x2c: {  	_ =	swait.ge [sflag:s19], $0x50  }
0x2d: {  	[sflag:s19] =	ssyncset.done $0x0  }
0x2e: {  	s17 =	rddreg [dreg:$0x5];
	[sflag:s19] =	ssyncadd.s32 $0xFFFFFFB0  }
0x2f: {  	[tilespmem:s21], [sflag:$0x5] =	stream.linear.gather [hbm4b:s17+s11], $0x50, $0x38;
	[tilespmem:$0x9080] =	vst v63  }
0x30: {  	_ =	swait.ge [sflag:s19], $0x50  }
0x31: {  	[sflag:s19] =	ssyncset.done $0x0  }
0x32: {  	[sflag:s19] =	ssyncadd.s32 $0xFFFFFFB0  }
0x33: {  	[tilespmem:s23], [sflag:$0x1] =	stream.indirect.gather [hbm4b:s5+s22], $0x20, s11, s22, $0xb8;
	[tilespmem:$0x9080] =	vst v63  }
0x34: {  	_ = 	snop  }
0x35: {  	[tilespmem:s24], [sflag:$0x1] =	stream.indirect.gather [hbm4b:s5+s22], $0x20, s21, s22, $0xb8;
	[tilespmem:$0x9080] =	vst v63  }
.LBB2_6:
0x36: {  	s12 =	sshllo.u32 s11, $0x1  }
0x37: {  	s15 =	smul.u32 $0x50, s12;
	_ =	sdelay $0x1  }
0x38: {  	s15 =	sadd.s32 s9, s15  }
0x39: {  	s15 =	sshrl.u32 s15, $0x3  }
0x3a: {  	s16 =	sadd.s32 s6, s15  }
0x3b: {  	[tilespmem:s22], [sflag:$0x5] =	stream.linear.gather [hbm4b:s16+s4], $0x50, $0x38;
	[tilespmem:$0x9080] =	vst v63  }
0x3c: {  	_ =	swait.ge [sflag:s19], $0x50  }
0x3d: {  	[sflag:s19] =	ssyncset.done $0x0  }
0x3e: {  	s15 =	sadd.s32 s7, s15;
	[sflag:s19] =	ssyncadd.s32 $0xFFFFFFB0  }
0x3f: {  	[tilespmem:s25], [sflag:$0x5] =	stream.linear.gather [hbm4b:s15+s4], $0x50, $0x38;
	[tilespmem:$0x9080] =	vst v63  }
0x40: {  	_ =	swait.ge [sflag:s19], $0x50  }
0x41: {  	[sflag:s19] =	ssyncset.done $0x0  }
0x42: {  	[sflag:s19] =	ssyncadd.s32 $0xFFFFFFB0  }
0x43: {  	[tilespmem:s26], [sflag:$0x2] =	stream.indirect.gather [hbm4b:s5+s22], $0x20, s22, s22, $0xb8;
	[tilespmem:$0x9080] =	vst v63  }
0x44: {  	_ = 	snop  }
0x45: {  	[tilespmem:s28], [sflag:$0x2] =	stream.indirect.gather [hbm4b:s5+s22], $0x20, s25, s22, $0xb8;
	[tilespmem:$0x9080] =	vst v63  }
0x46: {  	_ =	swait.ge [sflag:s29], $0xA00  }
0x47: {  	[sflag:s29] =	ssyncset.done $0x0  }
0x48: {  	[sflag:s29] =	ssyncadd.s32 $0xFFFFF600  }
0x49: {  	_ =	swait.ge [sflag:s29], $0xA00  }
0x4a: {  	p0 =	seq.s32 s11, $0x0;
	[sflag:s29] =	ssyncset.done $0x0  }
0x4b: {  	s15 =	simm.s32 @!p0 $0x3;
	[sflag:s29] =	ssyncadd.s32 $0xFFFFF600  }
0x4c: {  	_ =	swait.ge @!p0 [sflag:s15], $0xA00  }
0x4d: {  	[sflag:s15] =	ssyncset.done @!p0 $0x0  }
0x4e: {  	[sflag:s15] =	ssyncadd.s32 @!p0 $0xFFFFF600;
	s15 =	simm.s32 $0x0  }
0x4f: {  	v4 =	vld [tilespmem:s15+$0x1B0]  }
0x50: {  	v5 =	vld [tilespmem:s15+$0x15B0]  }
0x51: {  	v6 =	vld [tilespmem:s15+$0x140]  }
0x52: {  	v7 =	vld [tilespmem:s15+$0x1540];
	_ =	sdelay $0x1  }
0x53: {  	v8 =	vld [tilespmem:s15+$0x150]  }
0x54: {  	v9 =	vld [tilespmem:s15+$0x1550]  }
0x55: {  	v10 =	vld [tilespmem:s15+$0x160]  }
0x56: {  	v4 =	vsub.f32 v4, v5;
	v5 =	vld [tilespmem:s15+$0x1560];
	v6 =	vsub.f32 v6, v7  }
0x57: {  	v11 =	vld [tilespmem:s15+$0x170]  }
0x58: {  	v12 =	vld [tilespmem:s15+$0x1570];
	v6 =	vadd.f32 v6, v2  }
0x59: {  	v13 =	vld [tilespmem:s15+$0x180];
	v7 =	vsub.f32 v8, v9;
	v4 =	vadd.f32 v4, v3  }
0x5a: {  	v14 =	vld [tilespmem:s15+$0x1580];
	v6 =	vmax.f32 v6, $0.0e+00  }
0x5b: {  	v8 =	vadd.f32 v7, v3;
	v7 =	vld [tilespmem:s15+$0x1590];
	v4 =	vmax.f32 v4, $0.0e+00;
	[tilespmem:s15+$0x2940] =	vst v6;
	v6 =	vsub.f32 v10, v5  }
0x5c: {  	[tilespmem:s15+$0x29B0] =	vst v4;
	v4 =	vld [tilespmem:s15+$0x190]  }
0x5d: {  	v8 =	vmax.f32 v8, $0.0e+00;
	v5 =	vld [tilespmem:s15+$0x1A0];
	v10 =	vsub.f32 v11, v12;
	v9 =	vadd.f32 v6, v2  }
0x5e: {  	s16 =	simm.s32 $0x80;
	[tilespmem:s15+$0x2950] =	vst v8;
	v8 =	vld [tilespmem:s15+$0x15A0]  }
0x5f: {  	s17 =	simm.s32 $0x400;
	v6 =	vld [tilespmem:s16+$0x1B0];
	v10 =	vadd.f32 v10, v3;
	v11 =	vmax.f32 v9, $0.0e+00;
	v9 =	vsub.f32 v13, v14  }
.LBB2_7:
0x60: {  	p1 =	sne.s32 s17, $0x2600;
	v12 =	vld [tilespmem:s16+$0x15B0];
	[tilespmem:s15+$0x2960] =	vst v11  }
0x61: {  	v11 =	vld [tilespmem:s16+$0x140];
	v10 =	vmax.f32 v10, $0.0e+00;
	v9 =	vadd.f32 v9, v2;
	v4 =	vsub.f32 v4, v7  }
0x62: {  	v7 =	vld [tilespmem:s16+$0x1540];
	[tilespmem:s15+$0x2970] =	vst v10  }
0x63: {  	v10 =	vld [tilespmem:s16+$0x150];
	v9 =	vmax.f32 v9, $0.0e+00;
	v4 =	vadd.f32 v4, v3;
	v5 =	vsub.f32 v5, v8  }
0x64: {  	v8 =	vld [tilespmem:s16+$0x1550];
	[tilespmem:s15+$0x2980] =	vst v9  }
0x65: {  	v9 =	vld [tilespmem:s16+$0x160];
	v6 =	vsub.f32 v6, v12;
	v4 =	vmax.f32 v4, $0.0e+00;
	v5 =	vadd.f32 v5, v2  }
0x66: {  	v12 =	vld [tilespmem:s16+$0x1560];
	[tilespmem:s15+$0x2990] =	vst v4  }
0x67: {  	v4 =	vsub.f32 v11, v7;
	v11 =	vld [tilespmem:s16+$0x170];
	v6 =	vadd.f32 v6, v3;
	v5 =	vmax.f32 v5, $0.0e+00  }
0x68: {  	v13 =	vld [tilespmem:s16+$0x1570];
	[tilespmem:s15+$0x29A0] =	vst v5;
	s15 =	smov.u32 s16  }
0x69: {  	v4 =	vadd.f32 v4, v2;
	v5 =	vsub.f32 v10, v8;
	v14 =	vld [tilespmem:s15+$0x180];
	v6 =	vmax.f32 v6, $0.0e+00  }
0x6a: {  	v15 =	vld [tilespmem:s15+$0x1580];
	[tilespmem:s15+$0x29B0] =	vst v6  }
.Ltmp2:
0x6b: {  	v6 =	vmax.f32 v4, $0.0e+00;
	v5 =	vadd.f32 v5, v3;
	v8 =	vsub.f32 v9, v12;
	v4 =	vld [tilespmem:s15+$0x190];
	(pc) =	sbr.rel @p1 .LBB2_7-.Ltmp2, $4  }
0x6c: {  	[tilespmem:s15+$0x2940] =	vst v6;
	v7 =	vld [tilespmem:s15+$0x1590]  }
0x6d: {  	v6 =	vmax.f32 v5, $0.0e+00;
	v9 =	vadd.f32 v8, v2;
	v10 =	vsub.f32 v11, v13;
	v5 =	vld [tilespmem:s15+$0x1A0]  }
0x6e: {  	s16 =	sshra.s32 s17, $0x2;
	[tilespmem:s15+$0x2950] =	vst v6;
	v8 =	vld [tilespmem:s15+$0x15A0]  }
0x6f: {  	s17 =	sadd.s32 $0x200, s17;
	v6 =	vld [tilespmem:s16+$0x1B0];
	v11 =	vmax.f32 v9, $0.0e+00;
	v10 =	vadd.f32 v10, v3;
	v9 =	vsub.f32 v14, v15  }
0x70: {  	v12 =	vld [tilespmem:s16+$0x15B0];
	[tilespmem:s15+$0x2960] =	vst v11  }
0x71: {  	v11 =	vld [tilespmem:s16+$0x140];
	v10 =	vmax.f32 v10, $0.0e+00;
	v9 =	vadd.f32 v9, v2;
	v4 =	vsub.f32 v4, v7  }
0x72: {  	v13 =	vld [tilespmem:s16+$0x1540];
	[tilespmem:s15+$0x2970] =	vst v10  }
0x73: {  	v7 =	vld [tilespmem:s16+$0x150];
	v9 =	vmax.f32 v9, $0.0e+00;
	v4 =	vadd.f32 v4, v3;
	v5 =	vsub.f32 v5, v8  }
0x74: {  	v10 =	vld [tilespmem:s16+$0x1550];
	[tilespmem:s15+$0x2980] =	vst v9  }
0x75: {  	v8 =	vld [tilespmem:s16+$0x160];
	v4 =	vmax.f32 v4, $0.0e+00;
	v5 =	vadd.f32 v5, v2  }
0x76: {  	v9 =	vld [tilespmem:s16+$0x1560];
	[tilespmem:s15+$0x2990] =	vst v4  }
0x77: {  	v4 =	vsub.f32 v6, v12;
	v6 =	vld [tilespmem:s16+$0x170];
	v5 =	vmax.f32 v5, $0.0e+00  }
0x78: {  	v11 =	vsub.f32 v11, v13;
	v60 =	vld [tilespmem:s16+$0x1570];
	[tilespmem:s15+$0x29A0] =	vst v5  }
0x79: {  	v4 =	vadd.f32 v4, v3;
	v7 =	vsub.f32 v7, v10;
	v5 =	vld [tilespmem:s16+$0x180]  }
0x7a: {  	v11 =	vadd.f32 v11, v2;
	v61 =	vld [tilespmem:s16+$0x1580]  }
0x7b: {  	v10 =	vld [tilespmem:s16+$0x190];
	v4 =	vmax.f32 v4, $0.0e+00;
	v7 =	vadd.f32 v7, v3  }
0x7c: {  	[tilespmem:s16+$0x29B0] =	vst v4;
	v4 =	vmax.f32 v11, $0.0e+00;
	v11 =	vld [tilespmem:s16+$0x1A0]  }
0x7d: {  	[tilespmem:s16+$0x2940] =	vst v4;
	v4 =	vld [tilespmem:s16+$0x1590];
	v7 =	vmax.f32 v7, $0.0e+00  }
0x7e: {  	[tilespmem:s16+$0x2950] =	vst v7;
	v7 =	vld [tilespmem:s16+$0x15A0]  }
0x7f: {  	v8 =	vsub.f32 v8, v9  }
0x80: {  	v6 =	vsub.f32 v6, v60  }
0x81: {  	v8 =	vadd.f32 v8, v2;
	v5 =	vsub.f32 v5, v61  }
0x82: {  	v6 =	vadd.f32 v6, v3;
	v4 =	vsub.f32 v10, v4  }
0x83: {  	v8 =	vmax.f32 v8, $0.0e+00;
	v5 =	vadd.f32 v5, v2;
	v7 =	vsub.f32 v11, v7  }
0x84: {  	s17 =	smul.u32 $0x28, s11;
	[tilespmem:s16+$0x2960] =	vst v8;
	v6 =	vmax.f32 v6, $0.0e+00;
	v4 =	vadd.f32 v4, v3  }
0x85: {  	[tilespmem:s16+$0x2970] =	vst v6;
	v5 =	vmax.f32 v5, $0.0e+00;
	v6 =	vadd.f32 v7, v2  }
0x86: {  	s15 =	sadd.s32 s13, s17;
	[tilespmem:s16+$0x2980] =	vst v5;
	v4 =	vmax.f32 v4, $0.0e+00  }
0x87: {  	s15 =	sshll.u32 s15, $0x4;
	[tilespmem:s16+$0x2990] =	vst v4;
	v4 =	vmax.f32 v6, $0.0e+00  }
0x88: {  	s15 =	sadd.s32 s8, s15;
	[tilespmem:s16+$0x29A0] =	vst v4  }
0x89: {  	[hbm4b:s15+s4] =	stream.linear.scatter [tilespmem:s30], [sflag:$0x3], $0xA00, $0x38;
	[tilespmem:$0x9080] =	vst v63  }
0x8a: {  	s16 =	smul.u32 $0xA0, s11  }
0x8b: {  	[spmem:s3] =	stream.indirect.scatter.add.f32 [tilespmem:s31], [sflag:$0x5], $0x10, s21, s22, $0xb8;
	[tilespmem:$0x9080] =	vst v63  }
0x8c: {  	s15 =	sadd.s32 s16, s14;
	_ =	swait.ge [sflag:s19], $0x500  }
0x8d: {  	s15 =	sshrl.u32 s15, $0x3;
	[sflag:s19] =	ssyncset.done $0x0  }
0x8e: {  	s17 =	sadd.s32 s6, s15;
	[sflag:s19] =	ssyncadd.s32 $0xFFFFFB00  }
0x8f: {  	[tilespmem:s4], [sflag:$0x5] =	stream.linear.gather [hbm4b:s17+s4], $0x50, $0x38;
	[tilespmem:$0x9080] =	vst v63  }
0x90: {  	_ =	swait.ge [sflag:s19], $0x50  }
0x91: {  	[sflag:s19] =	ssyncset.done $0x0  }
0x92: {  	s15 =	sadd.s32 s7, s15;
	[sflag:s19] =	ssyncadd.s32 $0xFFFFFFB0  }
0x93: {  	[tilespmem:s21], [sflag:$0x5] =	stream.linear.gather [hbm4b:s15+s4], $0x50, $0x38;
	[tilespmem:$0x9080] =	vst v63  }
0x94: {  	_ =	swait.ge [sflag:s19], $0x50  }
0x95: {  	[sflag:s19] =	ssyncset.done $0x0  }
0x96: {  	[sflag:s19] =	ssyncadd.s32 $0xFFFFFFB0  }
0x97: {  	[tilespmem:s23], [sflag:$0x1] =	stream.indirect.gather [hbm4b:s5+s22], $0x20, s4, s22, $0xb8;
	[tilespmem:$0x9080] =	vst v63  }
0x98: {  	_ = 	snop  }
0x99: {  	[tilespmem:s24], [sflag:$0x1] =	stream.indirect.gather [hbm4b:s5+s22], $0x20, s21, s22, $0xb8;
	[tilespmem:$0x9080] =	vst v63  }
0x9a: {  	_ =	swait.ge [sflag:s0], $0xA00  }
0x9b: {  	[sflag:s0] =	ssyncset.done $0x0  }
0x9c: {  	[sflag:s0] =	ssyncadd.s32 $0xFFFFF600  }
0x9d: {  	_ =	swait.ge [sflag:s0], $0xA00  }
0x9e: {  	[sflag:s0] =	ssyncset.done $0x0  }
0x9f: {  	s15 =	simm.s32 @!p0 $0x4;
	[sflag:s0] =	ssyncadd.s32 $0xFFFFF600  }
0xa0: {  	_ =	swait.ge @!p0 [sflag:s15], $0xA00  }
0xa1: {  	[sflag:s15] =	ssyncset.done @!p0 $0x0  }
0xa2: {  	[sflag:s15] =	ssyncadd.s32 @!p0 $0xFFFFF600;
	s15 =	simm.s32 $0x0  }
0xa3: {  	v4 =	vld [tilespmem:s15+$0xBB0]  }
0xa4: {  	v5 =	vld [tilespmem:s15+$0x1FB0]  }
0xa5: {  	v6 =	vld [tilespmem:s15+$0xB40]  }
0xa6: {  	v7 =	vld [tilespmem:s15+$0x1F40];
	_ =	sdelay $0x1  }
0xa7: {  	v8 =	vld [tilespmem:s15+$0xB50]  }
0xa8: {  	v9 =	vld [tilespmem:s15+$0x1F50]  }
0xa9: {  	v10 =	vld [tilespmem:s15+$0xB60]  }
0xaa: {  	v4 =	vsub.f32 v4, v5;
	v5 =	vld [tilespmem:s15+$0x1F60];
	v6 =	vsub.f32 v6, v7  }
0xab: {  	v11 =	vld [tilespmem:s15+$0xB70]  }
0xac: {  	v62 =	vld [tilespmem:s15+$0x1F70];
	v6 =	vadd.f32 v6, v2  }
0xad: {  	v63 =	vld [tilespmem:s15+$0xB80];
	v7 =	vsub.f32 v8, v9;
	v4 =	vadd.f32 v4, v3  }
0xae: {  	v14 =	vld [tilespmem:s15+$0x1F80];
	v6 =	vmax.f32 v6, $0.0e+00  }
0xaf: {  	v8 =	vadd.f32 v7, v3;
	v7 =	vld [tilespmem:s15+$0x1F90];
	v4 =	vmax.f32 v4, $0.0e+00;
	[tilespmem:s15+$0x3340] =	vst v6;
	v6 =	vsub.f32 v10, v5  }
0xb0: {  	[tilespmem:s15+$0x33B0] =	vst v4;
	v4 =	vld [tilespmem:s15+$0xB90]  }
0xb1: {  	v8 =	vmax.f32 v8, $0.0e+00;
	v5 =	vld [tilespmem:s15+$0xBA0];
	v10 =	vsub.f32 v11, v62;
	v9 =	vadd.f32 v6, v2  }
0xb2: {  	s16 =	simm.s32 $0x80;
	[tilespmem:s15+$0x3350] =	vst v8;
	v8 =	vld [tilespmem:s15+$0x1FA0]  }
0xb3: {  	s17 =	simm.s32 $0x400;
	v6 =	vld [tilespmem:s16+$0xBB0];
	v10 =	vadd.f32 v10, v3;
	v11 =	vmax.f32 v9, $0.0e+00;
	v9 =	vsub.f32 v63, v14  }
.LBB2_9:
0xb4: {  	p0 =	sne.s32 s17, $0x2600;
	v12 =	vld [tilespmem:s16+$0x1FB0];
	[tilespmem:s15+$0x3360] =	vst v11  }
0xb5: {  	v11 =	vld [tilespmem:s16+$0xB40];
	v10 =	vmax.f32 v10, $0.0e+00;
	v9 =	vadd.f32 v9, v2;
	v4 =	vsub.f32 v4, v7  }
0xb6: {  	v7 =	vld [tilespmem:s16+$0x1F40];
	[tilespmem:s15+$0x3370] =	vst v10  }
0xb7: {  	v10 =	vld [tilespmem:s16+$0xB50];
	v9 =	vmax.f32 v9, $0.0e+00;
	v4 =	vadd.f32 v4, v3;
	v5 =	vsub.f32 v5, v8  }
0xb8: {  	v8 =	vld [tilespmem:s16+$0x1F50];
	[tilespmem:s15+$0x3380] =	vst v9  }
0xb9: {  	v9 =	vld [tilespmem:s16+$0xB60];
	v6 =	vsub.f32 v6, v12;
	v4 =	vmax.f32 v4, $0.0e+00;
	v5 =	vadd.f32 v5, v2  }
0xba: {  	v12 =	vld [tilespmem:s16+$0x1F60];
	[tilespmem:s15+$0x3390] =	vst v4  }
0xbb: {  	v4 =	vsub.f32 v11, v7;
	v11 =	vld [tilespmem:s16+$0xB70];
	v6 =	vadd.f32 v6, v3;
	v5 =	vmax.f32 v5, $0.0e+00  }
0xbc: {  	v13 =	vld [tilespmem:s16+$0x1F70];
	[tilespmem:s15+$0x33A0] =	vst v5;
	s15 =	smov.u32 s16  }
0xbd: {  	v4 =	vadd.f32 v4, v2;
	v5 =	vsub.f32 v10, v8;
	v14 =	vld [tilespmem:s15+$0xB80];
	v6 =	vmax.f32 v6, $0.0e+00  }
0xbe: {  	v15 =	vld [tilespmem:s15+$0x1F80];
	[tilespmem:s15+$0x33B0] =	vst v6  }
.Ltmp3:
0xbf: {  	v6 =	vmax.f32 v4, $0.0e+00;
	v5 =	vadd.f32 v5, v3;
	v8 =	vsub.f32 v9, v12;
	v4 =	vld [tilespmem:s15+$0xB90];
	(pc) =	sbr.rel @p0 .LBB2_9-.Ltmp3, $4  }
0xc0: {  	[tilespmem:s15+$0x3340] =	vst v6;
	v7 =	vld [tilespmem:s15+$0x1F90]  }
0xc1: {  	v6 =	vmax.f32 v5, $0.0e+00;
	v9 =	vadd.f32 v8, v2;
	v10 =	vsub.f32 v11, v13;
	v5 =	vld [tilespmem:s15+$0xBA0]  }
0xc2: {  	s16 =	sshra.s32 s17, $0x2;
	[tilespmem:s15+$0x3350] =	vst v6;
	v8 =	vld [tilespmem:s15+$0x1FA0]  }
0xc3: {  	s17 =	sadd.s32 $0x200, s17;
	v6 =	vld [tilespmem:s16+$0xBB0];
	v11 =	vmax.f32 v9, $0.0e+00;
	v10 =	vadd.f32 v10, v3;
	v9 =	vsub.f32 v14, v15  }
0xc4: {  	v12 =	vld [tilespmem:s16+$0x1FB0];
	[tilespmem:s15+$0x3360] =	vst v11  }
0xc5: {  	v11 =	vld [tilespmem:s16+$0xB40];
	v10 =	vmax.f32 v10, $0.0e+00;
	v9 =	vadd.f32 v9, v2;
	v4 =	vsub.f32 v4, v7  }
0xc6: {  	v13 =	vld [tilespmem:s16+$0x1F40];
	[tilespmem:s15+$0x3370] =	vst v10  }
0xc7: {  	v55 =	vld [tilespmem:s16+$0xB50];
	v9 =	vmax.f32 v9, $0.0e+00;
	v4 =	vadd.f32 v4, v3;
	v5 =	vsub.f32 v5, v8  }
0xc8: {  	v10 =	vld [tilespmem:s16+$0x1F50];
	[tilespmem:s15+$0x3380] =	vst v9  }
0xc9: {  	v56 =	vld [tilespmem:s16+$0xB60];
	v4 =	vmax.f32 v4, $0.0e+00;
	v5 =	vadd.f32 v5, v2  }
0xca: {  	v9 =	vld [tilespmem:s16+$0x1F60];
	[tilespmem:s15+$0x3390] =	vst v4  }
0xcb: {  	v4 =	vsub.f32 v6, v12;
	v57 =	vld [tilespmem:s16+$0xB70];
	v5 =	vmax.f32 v5, $0.0e+00  }
0xcc: {  	v11 =	vsub.f32 v11, v13;
	v58 =	vld [tilespmem:s16+$0x1F70];
	[tilespmem:s15+$0x33A0] =	vst v5  }
0xcd: {  	v4 =	vadd.f32 v4, v3;
	v5 =	vld [tilespmem:s16+$0xB80]  }
0xce: {  	v11 =	vadd.f32 v11, v2;
	v59 =	vld [tilespmem:s16+$0x1F80]  }
0xcf: {  	v60 =	vld [tilespmem:s16+$0xB90];
	v4 =	vmax.f32 v4, $0.0e+00  }
0xd0: {  	v61 =	vld [tilespmem:s16+$0xBA0];
	[tilespmem:s16+$0x33B0] =	vst v4;
	v4 =	vmax.f32 v11, $0.0e+00  }
0xd1: {  	[tilespmem:s16+$0x3340] =	vst v4;
	v4 =	vld [tilespmem:s16+$0x1F90]  }
0xd2: {  	v7 =	vsub.f32 v55, v10;
	v62 =	vld [tilespmem:s16+$0x1FA0]  }
0xd3: {  	v8 =	vsub.f32 v56, v9  }
0xd4: {  	v7 =	vadd.f32 v7, v3;
	v6 =	vsub.f32 v57, v58  }
0xd5: {  	v8 =	vadd.f32 v8, v2;
	v5 =	vsub.f32 v5, v59  }
0xd6: {  	v7 =	vmax.f32 v7, $0.0e+00;
	v6 =	vadd.f32 v6, v3;
	v4 =	vsub.f32 v60, v4  }
0xd7: {  	s12 =	smul.u32 $0x14, s12;
	[tilespmem:s16+$0x3350] =	vst v7;
	v8 =	vmax.f32 v8, $0.0e+00;
	v7 =	vsub.f32 v61, v62;
	v5 =	vadd.f32 v5, v2  }
0xd8: {  	[tilespmem:s16+$0x3360] =	vst v8;
	v6 =	vmax.f32 v6, $0.0e+00;
	v4 =	vadd.f32 v4, v3  }
0xd9: {  	s12 =	sadd.s32 s13, s12;
	v63 =	vadd.f32 v7, v2;
	[tilespmem:s16+$0x3370] =	vst v6;
	v5 =	vmax.f32 v5, $0.0e+00  }
0xda: {  	s12 =	sshll.u32 s12, $0x4;
	[tilespmem:s16+$0x3380] =	vst v5;
	v4 =	vmax.f32 v4, $0.0e+00  }
0xdb: {  	s11 =	sadd.s32 $0x1, s11;
	s12 =	sand.u32 $0x1FFFFFC0, s12;
	[tilespmem:s16+$0x3390] =	vst v4;
	v4 =	vmax.f32 v63, $0.0e+00  }
0xdc: {  	p0 =	sne.s32 s11, $0x3E;
	s12 =	sadd.s32 s8, s12;
	[tilespmem:s16+$0x33A0] =	vst v4  }
0xdd: {  	[hbm4b:s12+s4] =	stream.linear.scatter [tilespmem:s1], [sflag:$0x4], $0xA00, $0x38;
	[tilespmem:$0x9080] =	vst v63  }
.Ltmp4:
0xde: {  	_ = 	snop;
	(pc) =	sbr.rel @p0 .LBB2_6-.Ltmp4, $4  }
0xdf: {  	[spmem:s3] =	stream.indirect.scatter.add.f32 [tilespmem:s31], [sflag:$0x5], $0x10, s25, s22, $0xb8;
	[tilespmem:$0x9080] =	vst v63  }
0xe0: {  	_ =	swait.ge [sflag:s19], $0x500  }
0xe1: {  	[sflag:s19] =	ssyncset.done $0x0  }
0xe2: {  	[sflag:s19] =	ssyncadd.s32 $0xFFFFFB00  }
0xe3: {  	_ =	swait.ge [sflag:s29], $0xA00  }
0xe4: {  	[sflag:s29] =	ssyncset.done $0x0  }
0xe5: {  	[sflag:s29] =	ssyncadd.s32 $0xFFFFF600  }
0xe6: {  	_ =	swait.ge [sflag:s29], $0xA00  }
0xe7: {  	[sflag:s29] =	ssyncset.done $0x0  }
0xe8: {  	[sflag:s29] =	ssyncadd.s32 $0xFFFFF600  }
0xe9: {  	_ =	swait.ge [sflag:s18], $0xA00  }
0xea: {  	[sflag:s18] =	ssyncset.done $0x0  }
0xeb: {  	s11 =	simm.s32 $0x0;
	[sflag:s18] =	ssyncadd.s32 $0xFFFFF600  }
0xec: {  	v4 =	vld [tilespmem:s11+$0x1B0]  }
0xed: {  	v5 =	vld [tilespmem:s11+$0x15B0]  }
0xee: {  	v6 =	vld [tilespmem:s11+$0x140]  }
0xef: {  	v7 =	vld [tilespmem:s11+$0x1540];
	_ =	sdelay $0x1  }
0xf0: {  	v8 =	vld [tilespmem:s11+$0x150]  }
0xf1: {  	v9 =	vld [tilespmem:s11+$0x1550]  }
0xf2: {  	v10 =	vld [tilespmem:s11+$0x160]  }
0xf3: {  	v4 =	vsub.f32 v4, v5;
	v5 =	vld [tilespmem:s11+$0x1560];
	v6 =	vsub.f32 v6, v7  }
0xf4: {  	v11 =	vld [tilespmem:s11+$0x170]  }
0xf5: {  	v12 =	vld [tilespmem:s11+$0x1570];
	v6 =	vadd.f32 v6, v2  }
0xf6: {  	v13 =	vld [tilespmem:s11+$0x180];
	v7 =	vsub.f32 v8, v9;
	v4 =	vadd.f32 v4, v3  }
0xf7: {  	v14 =	vld [tilespmem:s11+$0x1580];
	v6 =	vmax.f32 v6, $0.0e+00  }
0xf8: {  	v8 =	vadd.f32 v7, v3;
	v7 =	vld [tilespmem:s11+$0x1590];
	v4 =	vmax.f32 v4, $0.0e+00;
	[tilespmem:s11+$0x2940] =	vst v6;
	v6 =	vsub.f32 v10, v5  }
0xf9: {  	[tilespmem:s11+$0x29B0] =	vst v4;
	v4 =	vld [tilespmem:s11+$0x190]  }
0xfa: {  	v8 =	vmax.f32 v8, $0.0e+00;
	v5 =	vld [tilespmem:s11+$0x1A0];
	v10 =	vsub.f32 v11, v12;
	v9 =	vadd.f32 v6, v2  }
0xfb: {  	s12 =	simm.s32 $0x80;
	[tilespmem:s11+$0x2950] =	vst v8;
	v8 =	vld [tilespmem:s11+$0x15A0]  }
0xfc: {  	s15 =	simm.s32 $0x400;
	v6 =	vld [tilespmem:s12+$0x1B0];
	v10 =	vadd.f32 v10, v3;
	v11 =	vmax.f32 v9, $0.0e+00;
	v9 =	vsub.f32 v13, v14  }
.LBB2_12:
0xfd: {  	p0 =	sne.s32 s15, $0x2600;
	v12 =	vld [tilespmem:s12+$0x15B0];
	[tilespmem:s11+$0x2960] =	vst v11  }
0xfe: {  	v11 =	vld [tilespmem:s12+$0x140];
	v10 =	vmax.f32 v10, $0.0e+00;
	v9 =	vadd.f32 v9, v2;
	v4 =	vsub.f32 v4, v7  }
0xff: {  	v7 =	vld [tilespmem:s12+$0x1540];
	[tilespmem:s11+$0x2970] =	vst v10  }
0x100: {  	v10 =	vld [tilespmem:s12+$0x150];
	v9 =	vmax.f32 v9, $0.0e+00;
	v4 =	vadd.f32 v4, v3;
	v5 =	vsub.f32 v5, v8  }
0x101: {  	v8 =	vld [tilespmem:s12+$0x1550];
	[tilespmem:s11+$0x2980] =	vst v9  }
0x102: {  	v9 =	vld [tilespmem:s12+$0x160];
	v6 =	vsub.f32 v6, v12;
	v4 =	vmax.f32 v4, $0.0e+00;
	v5 =	vadd.f32 v5, v2  }
0x103: {  	v12 =	vld [tilespmem:s12+$0x1560];
	[tilespmem:s11+$0x2990] =	vst v4  }
0x104: {  	v4 =	vsub.f32 v11, v7;
	v11 =	vld [tilespmem:s12+$0x170];
	v6 =	vadd.f32 v6, v3;
	v5 =	vmax.f32 v5, $0.0e+00  }
0x105: {  	v13 =	vld [tilespmem:s12+$0x1570];
	[tilespmem:s11+$0x29A0] =	vst v5;
	s11 =	smov.u32 s12  }
0x106: {  	v4 =	vadd.f32 v4, v2;
	v5 =	vsub.f32 v10, v8;
	v14 =	vld [tilespmem:s11+$0x180];
	v6 =	vmax.f32 v6, $0.0e+00  }
0x107: {  	v15 =	vld [tilespmem:s11+$0x1580];
	[tilespmem:s11+$0x29B0] =	vst v6  }
.Ltmp5:
0x108: {  	v6 =	vmax.f32 v4, $0.0e+00;
	v5 =	vadd.f32 v5, v3;
	v8 =	vsub.f32 v9, v12;
	v4 =	vld [tilespmem:s11+$0x190];
	(pc) =	sbr.rel @p0 .LBB2_12-.Ltmp5, $4  }
0x109: {  	[tilespmem:s11+$0x2940] =	vst v6;
	v7 =	vld [tilespmem:s11+$0x1590]  }
0x10a: {  	v6 =	vmax.f32 v5, $0.0e+00;
	v9 =	vadd.f32 v8, v2;
	v10 =	vsub.f32 v11, v13;
	v5 =	vld [tilespmem:s11+$0x1A0]  }
0x10b: {  	s12 =	sshra.s32 s15, $0x2;
	[tilespmem:s11+$0x2950] =	vst v6;
	v8 =	vld [tilespmem:s11+$0x15A0]  }
0x10c: {  	s15 =	sadd.s32 $0x200, s15;
	v6 =	vld [tilespmem:s12+$0x1B0];
	v11 =	vmax.f32 v9, $0.0e+00;
	v10 =	vadd.f32 v10, v3;
	v9 =	vsub.f32 v14, v15  }
0x10d: {  	v12 =	vld [tilespmem:s12+$0x15B0];
	[tilespmem:s11+$0x2960] =	vst v11  }
0x10e: {  	v11 =	vld [tilespmem:s12+$0x140];
	v10 =	vmax.f32 v10, $0.0e+00;
	v9 =	vadd.f32 v9, v2;
	v4 =	vsub.f32 v4, v7  }
0x10f: {  	v13 =	vld [tilespmem:s12+$0x1540];
	[tilespmem:s11+$0x2970] =	vst v10  }
0x110: {  	v52 =	vld [tilespmem:s12+$0x150];
	v9 =	vmax.f32 v9, $0.0e+00;
	v4 =	vadd.f32 v4, v3;
	v5 =	vsub.f32 v5, v8  }
0x111: {  	v10 =	vld [tilespmem:s12+$0x1550];
	[tilespmem:s11+$0x2980] =	vst v9  }
0x112: {  	v53 =	vld [tilespmem:s12+$0x160];
	v4 =	vmax.f32 v4, $0.0e+00;
	v5 =	vadd.f32 v5, v2  }
0x113: {  	v9 =	vld [tilespmem:s12+$0x1560];
	[tilespmem:s11+$0x2990] =	vst v4  }
0x114: {  	v55 =	vld [tilespmem:s12+$0x170];
	v5 =	vmax.f32 v5, $0.0e+00  }
0x115: {  	v56 =	vld [tilespmem:s12+$0x1570];
	[tilespmem:s11+$0x29A0] =	vst v5  }
0x116: {  	v5 =	vld [tilespmem:s12+$0x180]  }
0x117: {  	v57 =	vld [tilespmem:s12+$0x1580]  }
0x118: {  	v59 =	vld [tilespmem:s12+$0x190]  }
0x119: {  	v54 =	vsub.f32 v6, v12;
	v60 =	vld [tilespmem:s12+$0x1590]  }
0x11a: {  	v11 =	vsub.f32 v11, v13;
	v61 =	vld [tilespmem:s12+$0x1A0]  }
0x11b: {  	v4 =	vadd.f32 v54, v3;
	v7 =	vsub.f32 v52, v10;
	v62 =	vld [tilespmem:s12+$0x15A0]  }
0x11c: {  	v11 =	vadd.f32 v11, v2;
	v8 =	vsub.f32 v53, v9  }
0x11d: {  	v4 =	vmax.f32 v4, $0.0e+00;
	v7 =	vadd.f32 v7, v3;
	v6 =	vsub.f32 v55, v56  }
0x11e: {  	[tilespmem:s12+$0x29B0] =	vst v4;
	v58 =	vmax.f32 v11, $0.0e+00;
	v8 =	vadd.f32 v8, v2;
	v5 =	vsub.f32 v5, v57  }
0x11f: {  	[tilespmem:s12+$0x2940] =	vst v58;
	v7 =	vmax.f32 v7, $0.0e+00;
	v6 =	vadd.f32 v6, v3;
	v4 =	vsub.f32 v59, v60  }
0x120: {  	[tilespmem:s12+$0x2950] =	vst v7;
	v8 =	vmax.f32 v8, $0.0e+00;
	v7 =	vsub.f32 v61, v62;
	v5 =	vadd.f32 v5, v2  }
0x121: {  	[tilespmem:s12+$0x2960] =	vst v8;
	v6 =	vmax.f32 v6, $0.0e+00;
	v3 =	vadd.f32 v4, v3  }
0x122: {  	v2 =	vadd.f32 v7, v2;
	[tilespmem:s12+$0x2970] =	vst v6;
	v63 =	vmax.f32 v5, $0.0e+00  }
0x123: {  	v3 =	vmax.f32 v3, $0.0e+00;
	[tilespmem:s12+$0x2980] =	vst v63  }
0x124: {  	v2 =	vmax.f32 v2, $0.0e+00;
	[tilespmem:s12+$0x2990] =	vst v3  }
0x125: {  	[tilespmem:s12+$0x29A0] =	vst v2;
	s12 =	rddreg [dreg:$0x6]  }
0x126: {  	[hbm4b:s12+s4] =	stream.linear.scatter [tilespmem:s30], [sflag:$0x3], $0xA00, $0x38;
	[tilespmem:$0x9080] =	vst v63  }
0x127: {  	_ = 	snop  }
0x128: {  	[spmem:s3] =	stream.indirect.scatter.add.f32 [tilespmem:s31], [sflag:$0x5], $0x10, s21, s22, $0xb8;
	[tilespmem:$0x9080] =	vst v63  }
0x129: {  	_ =	swait.ge [sflag:s19], $0x500  }
0x12a: {  	[sflag:s19] =	ssyncset.done $0x0  }
0x12b: {  	[sflag:s19] =	ssyncadd.s32 $0xFFFFFB00  }
0x12c: {  	_ =	swait.ge [sflag:s18], $0xA00  }
0x12d: {  	[sflag:s18] =	ssyncset.done $0x0  }
0x12e: {  	[sflag:s18] =	ssyncadd.s32 $0xFFFFF600  }
0x12f: {  	_ =	swait.ge [sflag:s20], $0xA00  }
0x130: {  	[sflag:s20] =	ssyncset.done $0x0  }
0x131: {  	s15 =	stileid.u32;
	[sflag:s20] =	ssyncadd.s32 $0xFFFFF600  }
0x132: {  	s11 =	sshll.u32 s15, $0x6;
	[bflag:$0x0] =	sbarrier.arrive $0xFFFF  }
0x133: {  	s16 =	sshrl.u32 s10, $0x3;
	s11 =	sor.u32 $0x1C05, s11;
	s15 =	rddreg [dreg:$0x7]  }
0x134: {  	[hbm:s15], [sflag:s11] =	dma.local [spmem:s16], $0x4E2  }
0x135: {  	_ =	swait.ge [sflag:s19], $0x4E2  }
0x136: {  	s2 =	sadd.s32 $0x1, s2;
	s17 =	rddreg [dreg:$0x8]  }
0x137: {  	p0 =	sne.s32 s2, s17  }
.Ltmp6:
0x138: {  	_ = 	snop;
	(pc) =	sbr.rel @p0 .LBB2_1-.Ltmp6, $3  }
0x139: {  	_ =	sdelay $0x1  }
0x13a: {  	[sflag:s19] =	ssyncset.done $0x0  }
0x13b: {  	[sflag:s19] =	ssyncadd.s32 $0xFFFFFB1E  }
0x13c: {  	_ =	sfence.sel $0x180000  }
0x13d: {  	[bflag:$0x0] =	sbarrier.arrive $0xFFFF  }
0x13e: {  	_ =	strace $0x90000047  }
0x13f: {  	s0 =	stileid.u32;
	[bflag:$0x2] =	sbarrier.arrive $0xFFFF  }
0x140: {  	p0 =	sne.s32 s0, $0x0;
	s0 =	rddreg [dreg:$0x3]  }
0x141: {  	s0 =	sadd.s32 @!p0 $0x100000, s0  }
0x142: {  	[sflag:s0] =	ssyncadd.tile.s32 @!p0 $0x1;
	_ =	shalt  }
.Lfunc_end2:
_tile_overlayer_lowered:
.L_overlay_start_2:
0x143: {  	(tag) =	ssettag $0x2  }
0x144: {  	s0 =	rddreg [dreg:$0x0];
	s2 =	stileid.u32  }
0x145: {  	s1 =	rddreg [dreg:$0x1];
	p0 =	sne.s32 s2, $0x0  }
0x146: {  	s3 =	rddreg [dreg:$0x2];
	[bflag:$0x3] =	sbarrier.arrive $0xFFFF;
	s2 =	simm.s32 @!p0 $0x1C05  }
0x147: {  	[timem:s3], [sflag:s2] =	dma.local @!p0 [hbm:s0], s1  }
0x148: {  	s0 =	simm.s32 @!p0 $0x5  }
0x149: {  	_ =	swait.ge @!p0 [sflag:s0], s1  }
0x14a: {  	s1 =	ssub.s32 @!p0 $0x0, s1;
	[sflag:s0] =	ssyncset.done @!p0 $0x0  }
0x14b: {  	[sflag:s0] =	ssyncadd.s32 @!p0 s1  }
0x14c: {  	[bflag:$0x3] =	sbarrier.arrive $0xFFFF  }
0x14d: {  	_ =	shalt  }

</sc_bundles>
